<compile_context>
chip_gen: v7x
topology: tpu7x:2x2x1
jax: 0.10.2.dev20260603
libtpu: 0.0.44.dev20260713+nightly
codegen_flags: <defaults>
</compile_context>

<pallas_src>
import functools

import jax
import jax.numpy as jnp
from jax import lax
from jax.experimental import pallas as pl
from jax.experimental.pallas import tpu as pltpu
from jax.experimental.pallas import tpu_sc as plsc

V = 27
D = 27
L = 16
NC = 2
NS = 16
NW = NC * NS

NI = 16384
NJ = 50
JT = 7
JR_TAIL = NJ - 8 * (JT - 1)
IB_PW = (NI // 128) // NW
ROWS_PW = 128 * IB_PW * NJ
STG = D * 1024
KSTRIDE = JT * 131072
OUT_WORDS = D * KSTRIDE
N_PH = JT * IB_PW


def _sc_gather(x_flat, w_flat):
    mesh = plsc.VectorSubcoreMesh(core_axis_name="c", subcore_axis_name="s")

    @functools.partial(
        pl.kernel,
        mesh=mesh,
        compiler_params=pltpu.CompilerParams(needs_layout_passes=False),
        out_type=jax.ShapeDtypeStruct((OUT_WORDS,), jnp.float32),
        scratch_types=[
            pltpu.VMEM((V * D,), jnp.float32),
            pltpu.VMEM((ROWS_PW,), jnp.int32),
            pltpu.VMEM((STG,), jnp.float32),
            pltpu.VMEM((STG,), jnp.float32),
            pltpu.SemaphoreType.DMA,
            pltpu.SemaphoreType.DMA,
        ],
    )
    def k(x_hbm, w_hbm, out_hbm, w_v, xb_v, stg_a, stg_b, sem_a, sem_b):
        wid = lax.axis_index("s") * NC + lax.axis_index("c")
        wcp = pltpu.make_async_copy(w_hbm, w_v, sem_a)
        xcp = pltpu.make_async_copy(
            x_hbm.at[pl.ds(wid * ROWS_PW, ROWS_PW)], xb_v, sem_b)
        wcp.start()
        xcp.start()
        wcp.wait()
        xcp.wait()

        stgs = (stg_a, stg_b)
        sems = (sem_a, sem_b)
        str50 = lax.broadcasted_iota(jnp.int32, (L,), 0) * NJ
        ib0 = wid * IB_PW

        def dma(ph, buf, kk, n):
            jt = ph >> 2
            ib = ib0 + (ph & 3)
            dst = kk * KSTRIDE + jt * 131072 + ib * 1024
            return pltpu.make_async_copy(
                stgs[buf].at[pl.ds(kk * 1024, n)],
                out_hbm.at[pl.ds(dst, n)],
                sems[buf])

        def start(ph, buf):
            tail = (ph >> 2) == JT - 1

            def sbody(kk, c2):
                @pl.when(jnp.logical_not(tail))
                def _full():
                    dma(ph, buf, kk, 1024).start()

                @pl.when(tail)
                def _short():
                    dma(ph, buf, kk, JR_TAIL * 128).start()
                return c2

            lax.fori_loop(0, D, sbody, 0)

        def drain(ph, buf):
            tail = (ph >> 2) == JT - 1

            def wbody(kk, c2):
                @pl.when(jnp.logical_not(tail))
                def _full():
                    dma(ph, buf, kk, 1024).wait()

                @pl.when(tail)
                def _short():
                    dma(ph, buf, kk, JR_TAIL * 128).wait()
                return c2

            lax.fori_loop(0, D, wbody, 0)

        def compute(ph, buf):
            jt = ph >> 2
            ib = ph & 3
            jrc = jnp.where(jt == JT - 1, JR_TAIL, 8)
            stg = stgs[buf]

            @plsc.parallel_loop(0, 8)
            def s_loop(s):
                base_i = (ib * 128 + s * 16) * NJ + jt * 8

                @plsc.parallel_loop(0, jrc)
                def jr_loop(jr):
                    xg = plsc.load_gather(xb_v, [str50 + (base_i + jr)])
                    wa = xg * D
                    sj = jr * 128 + s * 16
                    for kk in range(D):
                        wv = plsc.load_gather(w_v, [wa + kk])
                        stg[pl.ds(kk * 1024 + sj, L)] = wv

        def pair_body(p2, carry):
            for buf in range(2):
                ph = p2 * 2 + buf

                @pl.when(ph >= 2)
                def _drain():
                    drain(ph - 2, buf)

                compute(ph, buf)
                start(ph, buf)
            return carry

        lax.fori_loop(0, N_PH // 2, pair_body, 0)
        drain(N_PH - 2, 0)
        drain(N_PH - 1, 1)

    return k(x_flat, w_flat)


def kernel(x, W):
    assert x.shape == (NI, NJ) and W.shape == (V, D)
    x_flat = x.reshape(NI * NJ).astype(jnp.int32)
    out1 = _sc_gather(x_flat, W.astype(jnp.float32).reshape(V * D))
    a = out1.reshape(D, JT, 128, 8, 128)
    b = jnp.transpose(a, (2, 4, 1, 3, 0))
    c = b.reshape(NI, 8 * JT, D)
    return c[:, :NJ, :]

# --- scband reference (transcript-rebuilt; emitter-appended) ---
"""Pipeline reference for scband-bigram-classifier-63385127354793 (READ-ONLY COPY).

The authoritative reference and input builder live on the scoring server;
editing this copy changes nothing except your own understanding.
"""

import jax, jax.numpy as jnp
import numpy as np

def setup_inputs(seed: int = 0) -> dict:
    key = jax.random.key(seed)
    k1, k2 = jax.random.split(key)
    x = jax.random.randint(k1, (16384, 50), 0, 27, dtype=jnp.int64)
    W = jax.random.normal(k2, (27, 27), dtype=jnp.float32)
    return {"x": x, "W": W}

def reference(x, W):
    # BigramClassifier.forward: self.W[x] -> gather rows of W by index tensor x
    return jnp.take(W, x, axis=0)

if __name__ == "__main__":
    import jax
    _d = setup_inputs()
    print(jax.jit(kernel)(*tuple(_d.values())))

</pallas_src>

<mosaic_0001>
#map = affine_map<(d0, d1) -> (0)>
module attributes {stable_mosaic.version = 14 : i64} {
  func.func @k(%arg0: i32, %arg1: i32, %arg2: memref<819200xi32, #tpu.memory_space<hbm>>, %arg3: memref<729xf32, #tpu.memory_space<hbm>>, %arg4: memref<24772608xf32, #tpu.memory_space<hbm>>, %arg5: memref<729xf32, #tpu.memory_space<vmem>>, %arg6: memref<25600xi32, #tpu.memory_space<vmem>>, %arg7: memref<27648xf32, #tpu.memory_space<vmem>>, %arg8: memref<27648xf32, #tpu.memory_space<vmem>>, %arg9: memref<!tpu.dma_semaphore, #tpu.memory_space<semaphore_mem>>, %arg10: memref<!tpu.dma_semaphore, #tpu.memory_space<semaphore_mem>>) attributes {dimension_semantics = [#tpu.dimension_semantics<core_parallel>, #tpu.dimension_semantics<subcore_parallel>], iteration_bounds = array<i64: 2, 16>, scalar_prefetch = 0 : i64, scratch_operands = 6 : i64, tpu.core_type = #tpu.core_type<sc_vector_subcore>, window_params = [{transform_indices = #map}, {transform_indices = #map}, {transform_indices = #map}]} {
    %mul3A = arith.constant 2 : i32
    %mul3A_0 = arith.muli %arg1, %mul3A : i32
    %add3A = arith.addi %mul3A_0, %arg0 : i32
    %mul3A_1 = arith.constant 25600 : i32
    %mul3A_2 = arith.muli %add3A, %mul3A_1 : i32
    tpu.enqueue_dma source(%arg3 : memref<729xf32, #tpu.memory_space<hbm>>) target(%arg5 : memref<729xf32, #tpu.memory_space<vmem>>) target_semaphore(%arg9 : memref<!tpu.dma_semaphore, #tpu.memory_space<semaphore_mem>>)
    %dma_start3A = tpu.memref_slice %arg2[%mul3A_2] : memref<819200xi32, #tpu.memory_space<hbm>> -> memref<25600xi32, #tpu.memory_space<hbm>>
    %dma_start3A_3 = tpu.memref_slice %arg2[%mul3A_2] : memref<819200xi32, #tpu.memory_space<hbm>> -> memref<25600xi32, #tpu.memory_space<hbm>>
    tpu.enqueue_dma source(%dma_start3A_3 : memref<25600xi32, #tpu.memory_space<hbm>>) target(%arg6 : memref<25600xi32, #tpu.memory_space<vmem>>) target_semaphore(%arg10 : memref<!tpu.dma_semaphore, #tpu.memory_space<semaphore_mem>>)
    tpu.wait_dma2 semaphore(%arg9 : memref<!tpu.dma_semaphore, #tpu.memory_space<semaphore_mem>>) src(%arg3 : memref<729xf32, #tpu.memory_space<hbm>>) dst(%arg5 : memref<729xf32, #tpu.memory_space<vmem>>)
    %dma_wait3A = tpu.memref_slice %arg2[%mul3A_2] : memref<819200xi32, #tpu.memory_space<hbm>> -> memref<25600xi32, #tpu.memory_space<hbm>>
    %dma_wait3A_4 = tpu.memref_slice %arg2[%mul3A_2] : memref<819200xi32, #tpu.memory_space<hbm>> -> memref<25600xi32, #tpu.memory_space<hbm>>
    tpu.wait_dma2 semaphore(%arg10 : memref<!tpu.dma_semaphore, #tpu.memory_space<semaphore_mem>>) src(%dma_wait3A_4 : memref<25600xi32, #tpu.memory_space<hbm>>) dst(%arg6 : memref<25600xi32, #tpu.memory_space<vmem>>)
    %iota3A = tpu.iota {dimensions = array<i32: 0>} : vector<16xi32>
    %mul3A_5 = arith.constant 50 : i32
    %mul3A_6 = vector.broadcast %mul3A_5 : i32 to vector<16xi32>
    %mul3A_7 = arith.muli %iota3A, %mul3A_6 : vector<16xi32>
    %mul3A_8 = arith.constant 4 : i32
    %mul3A_9 = arith.muli %add3A, %mul3A_8 : i32
    %scan3A = arith.constant 0 : i32
    %scan3A_10 = arith.constant 0 : i32
    %scan3A_11 = arith.constant 14 : i32
    %scan3A_12 = arith.addi %scan3A_10, %scan3A_11 : i32
    %scan3A_13 = arith.constant 1 : i32
    scf.for %scan3A_27 = %scan3A_10 to %scan3A_12 step %scan3A_13  : i32 {
      %mul3A_28 = arith.constant 2 : i32
      %mul3A_29 = arith.muli %scan3A_27, %mul3A_28 : i32
      %add3A_30 = arith.constant 0 : i32
      %add3A_31 = arith.addi %mul3A_29, %add3A_30 : i32
      %ge3A = arith.constant 2 : i32
      %ge3A_32 = arith.cmpi sge, %add3A_31, %ge3A : i32
      %convert_element_type3A = arith.extui %ge3A_32 : i1 to i32
      %cond3A = arith.constant 0 : i32
      %cond3A_33 = arith.cmpi ne, %convert_element_type3A, %cond3A : i32
      scf.if %cond3A_33 {
        %sub3A = arith.constant 2 : i32
        %sub3A_81 = arith.subi %add3A_31, %sub3A : i32
        %shift_right_arithmetic3A_82 = arith.constant 2 : i32
        %shift_right_arithmetic3A_83 = arith.shrsi %sub3A_81, %shift_right_arithmetic3A_82 : i32
        %eq3A_84 = arith.constant 6 : i32
        %eq3A_85 = arith.cmpi eq, %shift_right_arithmetic3A_83, %eq3A_84 : i32
        %scan3A_86 = arith.constant 0 : i32
        %scan3A_87 = arith.constant 0 : i32
        %scan3A_88 = arith.constant 27 : i32
        %scan3A_89 = arith.addi %scan3A_87, %scan3A_88 : i32
        %scan3A_90 = arith.constant 1 : i32
        scf.for %scan3A_92 = %scan3A_87 to %scan3A_89 step %scan3A_90  : i32 {
          %not3A = arith.constant true
          %not3A_93 = arith.xori %eq3A_85, %not3A : i1
          %convert_element_type3A_94 = arith.extui %not3A_93 : i1 to i32
          %cond3A_95 = arith.constant 0 : i32
          %cond3A_96 = arith.cmpi ne, %convert_element_type3A_94, %cond3A_95 : i32
          scf.if %cond3A_96 {
            %shift_right_arithmetic3A_100 = arith.constant 2 : i32
            %shift_right_arithmetic3A_101 = arith.shrsi %sub3A_81, %shift_right_arithmetic3A_100 : i32
            %and3A_102 = arith.constant 3 : i32
            %and3A_103 = arith.andi %sub3A_81, %and3A_102 : i32
            %add3A_104 = arith.addi %mul3A_9, %and3A_103 : i32
            %mul3A_105 = arith.constant 917504 : i32
            %mul3A_106 = arith.muli %scan3A_92, %mul3A_105 : i32
            %mul3A_107 = arith.constant 131072 : i32
            %mul3A_108 = arith.muli %shift_right_arithmetic3A_101, %mul3A_107 : i32
            %add3A_109 = arith.addi %mul3A_106, %mul3A_108 : i32
            %mul3A_110 = arith.constant 1024 : i32
            %mul3A_111 = arith.muli %add3A_104, %mul3A_110 : i32
            %add3A_112 = arith.addi %add3A_109, %mul3A_111 : i32
            %mul3A_113 = arith.constant 1024 : i32
            %mul3A_114 = arith.muli %scan3A_92, %mul3A_113 : i32
            %dma_wait3A_115 = tpu.memref_slice %arg7[%mul3A_114] : memref<27648xf32, #tpu.memory_space<vmem>> -> memref<1024xf32, #tpu.memory_space<vmem>>
            %dma_wait3A_116 = tpu.memref_slice %arg4[%add3A_112] : memref<24772608xf32, #tpu.memory_space<hbm>> -> memref<1024xf32, #tpu.memory_space<hbm>>
            %dma_wait3A_117 = tpu.memref_slice %arg4[%add3A_112] : memref<24772608xf32, #tpu.memory_space<hbm>> -> memref<1024xf32, #tpu.memory_space<hbm>>
            %dma_wait3A_118 = tpu.memref_slice %arg7[%mul3A_114] : memref<27648xf32, #tpu.memory_space<vmem>> -> memref<1024xf32, #tpu.memory_space<vmem>>
            tpu.wait_dma2 semaphore(%arg9 : memref<!tpu.dma_semaphore, #tpu.memory_space<semaphore_mem>>) src(%dma_wait3A_118 : memref<1024xf32, #tpu.memory_space<vmem>>) dst(%dma_wait3A_117 : memref<1024xf32, #tpu.memory_space<hbm>>)
          } else {
          }
          %convert_element_type3A_97 = arith.extui %eq3A_85 : i1 to i32
          %cond3A_98 = arith.constant 0 : i32
          %cond3A_99 = arith.cmpi ne, %convert_element_type3A_97, %cond3A_98 : i32
          scf.if %cond3A_99 {
            %shift_right_arithmetic3A_100 = arith.constant 2 : i32
            %shift_right_arithmetic3A_101 = arith.shrsi %sub3A_81, %shift_right_arithmetic3A_100 : i32
            %and3A_102 = arith.constant 3 : i32
            %and3A_103 = arith.andi %sub3A_81, %and3A_102 : i32
            %add3A_104 = arith.addi %mul3A_9, %and3A_103 : i32
            %mul3A_105 = arith.constant 917504 : i32
            %mul3A_106 = arith.muli %scan3A_92, %mul3A_105 : i32
            %mul3A_107 = arith.constant 131072 : i32
            %mul3A_108 = arith.muli %shift_right_arithmetic3A_101, %mul3A_107 : i32
            %add3A_109 = arith.addi %mul3A_106, %mul3A_108 : i32
            %mul3A_110 = arith.constant 1024 : i32
            %mul3A_111 = arith.muli %add3A_104, %mul3A_110 : i32
            %add3A_112 = arith.addi %add3A_109, %mul3A_111 : i32
            %mul3A_113 = arith.constant 1024 : i32
            %mul3A_114 = arith.muli %scan3A_92, %mul3A_113 : i32
            %dma_wait3A_115 = tpu.memref_slice %arg7[%mul3A_114] : memref<27648xf32, #tpu.memory_space<vmem>> -> memref<256xf32, #tpu.memory_space<vmem>>
            %dma_wait3A_116 = tpu.memref_slice %arg4[%add3A_112] : memref<24772608xf32, #tpu.memory_space<hbm>> -> memref<256xf32, #tpu.memory_space<hbm>>
            %dma_wait3A_117 = tpu.memref_slice %arg4[%add3A_112] : memref<24772608xf32, #tpu.memory_space<hbm>> -> memref<256xf32, #tpu.memory_space<hbm>>
            %dma_wait3A_118 = tpu.memref_slice %arg7[%mul3A_114] : memref<27648xf32, #tpu.memory_space<vmem>> -> memref<256xf32, #tpu.memory_space<vmem>>
            tpu.wait_dma2 semaphore(%arg9 : memref<!tpu.dma_semaphore, #tpu.memory_space<semaphore_mem>>) src(%dma_wait3A_118 : memref<256xf32, #tpu.memory_space<vmem>>) dst(%dma_wait3A_117 : memref<256xf32, #tpu.memory_space<hbm>>)
          } else {
          }
        }
        %scan3A_91 = arith.constant 27 : i32
      } else {
      }
      %shift_right_arithmetic3A = arith.constant 2 : i32
      %shift_right_arithmetic3A_34 = arith.shrsi %add3A_31, %shift_right_arithmetic3A : i32
      %and3A = arith.constant 3 : i32
      %and3A_35 = arith.andi %add3A_31, %and3A : i32
      %eq3A = arith.constant 6 : i32
      %eq3A_36 = arith.cmpi eq, %shift_right_arithmetic3A_34, %eq3A : i32
      %jit3A = arith.constant 2 : i32
      %jit3A_37 = arith.constant 8 : i32
      %select_n3A = arith.select %eq3A_36, %jit3A, %jit3A_37 : i32
      %parallel_loop3A = arith.constant 0 : i32
      %parallel_loop3A_38 = arith.constant 8 : i32
      %parallel_loop3A_39 = arith.constant 1 : i32
      scf.for %parallel_loop3A_81 = %parallel_loop3A to %parallel_loop3A_38 step %parallel_loop3A_39  : i32 {
        %parallel_loop3A_82 = arith.constant 128 : i32
        %parallel_loop3A_83 = arith.muli %and3A_35, %parallel_loop3A_82 : i32
        %parallel_loop3A_84 = arith.constant 16 : i32
        %parallel_loop3A_85 = arith.muli %parallel_loop3A_81, %parallel_loop3A_84 : i32
        %parallel_loop3A_86 = arith.addi %parallel_loop3A_83, %parallel_loop3A_85 : i32
        %parallel_loop3A_87 = arith.constant 50 : i32
        %parallel_loop3A_88 = arith.muli %parallel_loop3A_86, %parallel_loop3A_87 : i32
        %parallel_loop3A_89 = arith.constant 8 : i32
        %parallel_loop3A_90 = arith.muli %shift_right_arithmetic3A_34, %parallel_loop3A_89 : i32
        %parallel_loop3A_91 = arith.addi %parallel_loop3A_88, %parallel_loop3A_90 : i32
        %parallel_loop3A_92 = arith.constant 0 : i32
        %parallel_loop3A_93 = arith.constant 1 : i32
        scf.for %parallel_loop3A_94 = %parallel_loop3A_92 to %select_n3A step %parallel_loop3A_93  : i32 {
          %parallel_loop3A_95 = arith.addi %parallel_loop3A_91, %parallel_loop3A_94 : i32
          %parallel_loop3A_96 = vector.broadcast %parallel_loop3A_95 : i32 to vector<16xi32>
          %parallel_loop3A_97 = arith.addi %mul3A_7, %parallel_loop3A_96 : vector<16xi32>
          %parallel_loop3A_98 = tpu.vector_load_idx %arg6[%parallel_loop3A_97] : memref<25600xi32, #tpu.memory_space<vmem>>[vector<16xi32>], vector<16xi32>,
          %parallel_loop3A_99 = arith.constant 27 : i32
          %parallel_loop3A_100 = vector.broadcast %parallel_loop3A_99 : i32 to vector<16xi32>
          %parallel_loop3A_101 = arith.muli %parallel_loop3A_98, %parallel_loop3A_100 : vector<16xi32>
          %parallel_loop3A_102 = arith.constant 128 : i32
          %parallel_loop3A_103 = arith.muli %parallel_loop3A_94, %parallel_loop3A_102 : i32
          %parallel_loop3A_104 = arith.constant 16 : i32
          %parallel_loop3A_105 = arith.muli %parallel_loop3A_81, %parallel_loop3A_104 : i32
          %parallel_loop3A_106 = arith.addi %parallel_loop3A_103, %parallel_loop3A_105 : i32
          %parallel_loop3A_107 = arith.constant 0 : i32
          %parallel_loop3A_108 = vector.broadcast %parallel_loop3A_107 : i32 to vector<16xi32>
          %parallel_loop3A_109 = arith.addi %parallel_loop3A_101, %parallel_loop3A_108 : vector<16xi32>
          %parallel_loop3A_110 = tpu.vector_load_idx %arg5[%parallel_loop3A_109] : memref<729xf32, #tpu.memory_space<vmem>>[vector<16xi32>], vector<16xf32>,
          %parallel_loop3A_111 = arith.constant 0 : i32
          %parallel_loop3A_112 = arith.addi %parallel_loop3A_111, %parallel_loop3A_106 : i32
          %parallel_loop3A_113 = arith.index_cast %parallel_loop3A_112 : i32 to index
          %parallel_loop3A_114 = tpu.vector_load %arg7[%parallel_loop3A_113] {strides = array<i32>} : memref<27648xf32, #tpu.memory_space<vmem>>, vector<16xf32>,
          tpu.vector_store %arg7[%parallel_loop3A_113], %parallel_loop3A_110 {strides = array<i32>} : memref<27648xf32, #tpu.memory_space<vmem>>, vector<16xf32>,
          %parallel_loop3A_115 = arith.constant 1 : i32
          %parallel_loop3A_116 = vector.broadcast %parallel_loop3A_115 : i32 to vector<16xi32>
          %parallel_loop3A_117 = arith.addi %parallel_loop3A_101, %parallel_loop3A_116 : vector<16xi32>
          %parallel_loop3A_118 = tpu.vector_load_idx %arg5[%parallel_loop3A_117] : memref<729xf32, #tpu.memory_space<vmem>>[vector<16xi32>], vector<16xf32>,
          %parallel_loop3A_119 = arith.constant 1024 : i32
          %parallel_loop3A_120 = arith.addi %parallel_loop3A_119, %parallel_loop3A_106 : i32
          %parallel_loop3A_121 = arith.index_cast %parallel_loop3A_120 : i32 to index
          %parallel_loop3A_122 = tpu.vector_load %arg7[%parallel_loop3A_121] {strides = array<i32>} : memref<27648xf32, #tpu.memory_space<vmem>>, vector<16xf32>,
          tpu.vector_store %arg7[%parallel_loop3A_121], %parallel_loop3A_118 {strides = array<i32>} : memref<27648xf32, #tpu.memory_space<vmem>>, vector<16xf32>,
          %parallel_loop3A_123 = arith.constant 2 : i32
          %parallel_loop3A_124 = vector.broadcast %parallel_loop3A_123 : i32 to vector<16xi32>
          %parallel_loop3A_125 = arith.addi %parallel_loop3A_101, %parallel_loop3A_124 : vector<16xi32>
          %parallel_loop3A_126 = tpu.vector_load_idx %arg5[%parallel_loop3A_125] : memref<729xf32, #tpu.memory_space<vmem>>[vector<16xi32>], vector<16xf32>,
          %parallel_loop3A_127 = arith.constant 2048 : i32
          %parallel_loop3A_128 = arith.addi %parallel_loop3A_127, %parallel_loop3A_106 : i32
          %parallel_loop3A_129 = arith.index_cast %parallel_loop3A_128 : i32 to index
          %parallel_loop3A_130 = tpu.vector_load %arg7[%parallel_loop3A_129] {strides = array<i32>} : memref<27648xf32, #tpu.memory_space<vmem>>, vector<16xf32>,
          tpu.vector_store %arg7[%parallel_loop3A_129], %parallel_loop3A_126 {strides = array<i32>} : memref<27648xf32, #tpu.memory_space<vmem>>, vector<16xf32>,
          %parallel_loop3A_131 = arith.constant 3 : i32
          %parallel_loop3A_132 = vector.broadcast %parallel_loop3A_131 : i32 to vector<16xi32>
          %parallel_loop3A_133 = arith.addi %parallel_loop3A_101, %parallel_loop3A_132 : vector<16xi32>
          %parallel_loop3A_134 = tpu.vector_load_idx %arg5[%parallel_loop3A_133] : memref<729xf32, #tpu.memory_space<vmem>>[vector<16xi32>], vector<16xf32>,
          %parallel_loop3A_135 = arith.constant 3072 : i32
          %parallel_loop3A_136 = arith.addi %parallel_loop3A_135, %parallel_loop3A_106 : i32
          %parallel_loop3A_137 = arith.index_cast %parallel_loop3A_136 : i32 to index
          %parallel_loop3A_138 = tpu.vector_load %arg7[%parallel_loop3A_137] {strides = array<i32>} : memref<27648xf32, #tpu.memory_space<vmem>>, vector<16xf32>,
          tpu.vector_store %arg7[%parallel_loop3A_137], %parallel_loop3A_134 {strides = array<i32>} : memref<27648xf32, #tpu.memory_space<vmem>>, vector<16xf32>,
          %parallel_loop3A_139 = arith.constant 4 : i32
          %parallel_loop3A_140 = vector.broadcast %parallel_loop3A_139 : i32 to vector<16xi32>
          %parallel_loop3A_141 = arith.addi %parallel_loop3A_101, %parallel_loop3A_140 : vector<16xi32>
          %parallel_loop3A_142 = tpu.vector_load_idx %arg5[%parallel_loop3A_141] : memref<729xf32, #tpu.memory_space<vmem>>[vector<16xi32>], vector<16xf32>,
          %parallel_loop3A_143 = arith.constant 4096 : i32
          %parallel_loop3A_144 = arith.addi %parallel_loop3A_143, %parallel_loop3A_106 : i32
          %parallel_loop3A_145 = arith.index_cast %parallel_loop3A_144 : i32 to index
          %parallel_loop3A_146 = tpu.vector_load %arg7[%parallel_loop3A_145] {strides = array<i32>} : memref<27648xf32, #tpu.memory_space<vmem>>, vector<16xf32>,
          tpu.vector_store %arg7[%parallel_loop3A_145], %parallel_loop3A_142 {strides = array<i32>} : memref<27648xf32, #tpu.memory_space<vmem>>, vector<16xf32>,
          %parallel_loop3A_147 = arith.constant 5 : i32
          %parallel_loop3A_148 = vector.broadcast %parallel_loop3A_147 : i32 to vector<16xi32>
          %parallel_loop3A_149 = arith.addi %parallel_loop3A_101, %parallel_loop3A_148 : vector<16xi32>
          %parallel_loop3A_150 = tpu.vector_load_idx %arg5[%parallel_loop3A_149] : memref<729xf32, #tpu.memory_space<vmem>>[vector<16xi32>], vector<16xf32>,
          %parallel_loop3A_151 = arith.constant 5120 : i32
          %parallel_loop3A_152 = arith.addi %parallel_loop3A_151, %parallel_loop3A_106 : i32
          %parallel_loop3A_153 = arith.index_cast %parallel_loop3A_152 : i32 to index
          %parallel_loop3A_154 = tpu.vector_load %arg7[%parallel_loop3A_153] {strides = array<i32>} : memref<27648xf32, #tpu.memory_space<vmem>>, vector<16xf32>,
          tpu.vector_store %arg7[%parallel_loop3A_153], %parallel_loop3A_150 {strides = array<i32>} : memref<27648xf32, #tpu.memory_space<vmem>>, vector<16xf32>,
          %parallel_loop3A_155 = arith.constant 6 : i32
          %parallel_loop3A_156 = vector.broadcast %parallel_loop3A_155 : i32 to vector<16xi32>
          %parallel_loop3A_157 = arith.addi %parallel_loop3A_101, %parallel_loop3A_156 : vector<16xi32>
          %parallel_loop3A_158 = tpu.vector_load_idx %arg5[%parallel_loop3A_157] : memref<729xf32, #tpu.memory_space<vmem>>[vector<16xi32>], vector<16xf32>,
          %parallel_loop3A_159 = arith.constant 6144 : i32
          %parallel_loop3A_160 = arith.addi %parallel_loop3A_159, %parallel_loop3A_106 : i32
          %parallel_loop3A_161 = arith.index_cast %parallel_loop3A_160 : i32 to index
          %parallel_loop3A_162 = tpu.vector_load %arg7[%parallel_loop3A_161] {strides = array<i32>} : memref<27648xf32, #tpu.memory_space<vmem>>, vector<16xf32>,
          tpu.vector_store %arg7[%parallel_loop3A_161], %parallel_loop3A_158 {strides = array<i32>} : memref<27648xf32, #tpu.memory_space<vmem>>, vector<16xf32>,
          %parallel_loop3A_163 = arith.constant 7 : i32
          %parallel_loop3A_164 = vector.broadcast %parallel_loop3A_163 : i32 to vector<16xi32>
          %parallel_loop3A_165 = arith.addi %parallel_loop3A_101, %parallel_loop3A_164 : vector<16xi32>
          %parallel_loop3A_166 = tpu.vector_load_idx %arg5[%parallel_loop3A_165] : memref<729xf32, #tpu.memory_space<vmem>>[vector<16xi32>], vector<16xf32>,
          %parallel_loop3A_167 = arith.constant 7168 : i32
          %parallel_loop3A_168 = arith.addi %parallel_loop3A_167, %parallel_loop3A_106 : i32
          %parallel_loop3A_169 = arith.index_cast %parallel_loop3A_168 : i32 to index
          %parallel_loop3A_170 = tpu.vector_load %arg7[%parallel_loop3A_169] {strides = array<i32>} : memref<27648xf32, #tpu.memory_space<vmem>>, vector<16xf32>,
          tpu.vector_store %arg7[%parallel_loop3A_169], %parallel_loop3A_166 {strides = array<i32>} : memref<27648xf32, #tpu.memory_space<vmem>>, vector<16xf32>,
          %parallel_loop3A_171 = arith.constant 8 : i32
          %parallel_loop3A_172 = vector.broadcast %parallel_loop3A_171 : i32 to vector<16xi32>
          %parallel_loop3A_173 = arith.addi %parallel_loop3A_101, %parallel_loop3A_172 : vector<16xi32>
          %parallel_loop3A_174 = tpu.vector_load_idx %arg5[%parallel_loop3A_173] : memref<729xf32, #tpu.memory_space<vmem>>[vector<16xi32>], vector<16xf32>,
          %parallel_loop3A_175 = arith.constant 8192 : i32
          %parallel_loop3A_176 = arith.addi %parallel_loop3A_175, %parallel_loop3A_106 : i32
          %parallel_loop3A_177 = arith.index_cast %parallel_loop3A_176 : i32 to index
          %parallel_loop3A_178 = tpu.vector_load %arg7[%parallel_loop3A_177] {strides = array<i32>} : memref<27648xf32, #tpu.memory_space<vmem>>, vector<16xf32>,
          tpu.vector_store %arg7[%parallel_loop3A_177], %parallel_loop3A_174 {strides = array<i32>} : memref<27648xf32, #tpu.memory_space<vmem>>, vector<16xf32>,
          %parallel_loop3A_179 = arith.constant 9 : i32
          %parallel_loop3A_180 = vector.broadcast %parallel_loop3A_179 : i32 to vector<16xi32>
          %parallel_loop3A_181 = arith.addi %parallel_loop3A_101, %parallel_loop3A_180 : vector<16xi32>
          %parallel_loop3A_182 = tpu.vector_load_idx %arg5[%parallel_loop3A_181] : memref<729xf32, #tpu.memory_space<vmem>>[vector<16xi32>], vector<16xf32>,
          %parallel_loop3A_183 = arith.constant 9216 : i32
          %parallel_loop3A_184 = arith.addi %parallel_loop3A_183, %parallel_loop3A_106 : i32
          %parallel_loop3A_185 = arith.index_cast %parallel_loop3A_184 : i32 to index
          %parallel_loop3A_186 = tpu.vector_load %arg7[%parallel_loop3A_185] {strides = array<i32>} : memref<27648xf32, #tpu.memory_space<vmem>>, vector<16xf32>,
          tpu.vector_store %arg7[%parallel_loop3A_185], %parallel_loop3A_182 {strides = array<i32>} : memref<27648xf32, #tpu.memory_space<vmem>>, vector<16xf32>,
          %parallel_loop3A_187 = arith.constant 10 : i32
          %parallel_loop3A_188 = vector.broadcast %parallel_loop3A_187 : i32 to vector<16xi32>
          %parallel_loop3A_189 = arith.addi %parallel_loop3A_101, %parallel_loop3A_188 : vector<16xi32>
          %parallel_loop3A_190 = tpu.vector_load_idx %arg5[%parallel_loop3A_189] : memref<729xf32, #tpu.memory_space<vmem>>[vector<16xi32>], vector<16xf32>,
          %parallel_loop3A_191 = arith.constant 10240 : i32
          %parallel_loop3A_192 = arith.addi %parallel_loop3A_191, %parallel_loop3A_106 : i32
          %parallel_loop3A_193 = arith.index_cast %parallel_loop3A_192 : i32 to index
          %parallel_loop3A_194 = tpu.vector_load %arg7[%parallel_loop3A_193] {strides = array<i32>} : memref<27648xf32, #tpu.memory_space<vmem>>, vector<16xf32>,
          tpu.vector_store %arg7[%parallel_loop3A_193], %parallel_loop3A_190 {strides = array<i32>} : memref<27648xf32, #tpu.memory_space<vmem>>, vector<16xf32>,
          %parallel_loop3A_195 = arith.constant 11 : i32
          %parallel_loop3A_196 = vector.broadcast %parallel_loop3A_195 : i32 to vector<16xi32>
          %parallel_loop3A_197 = arith.addi %parallel_loop3A_101, %parallel_loop3A_196 : vector<16xi32>
          %parallel_loop3A_198 = tpu.vector_load_idx %arg5[%parallel_loop3A_197] : memref<729xf32, #tpu.memory_space<vmem>>[vector<16xi32>], vector<16xf32>,
          %parallel_loop3A_199 = arith.constant 11264 : i32
          %parallel_loop3A_200 = arith.addi %parallel_loop3A_199, %parallel_loop3A_106 : i32
          %parallel_loop3A_201 = arith.index_cast %parallel_loop3A_200 : i32 to index
          %parallel_loop3A_202 = tpu.vector_load %arg7[%parallel_loop3A_201] {strides = array<i32>} : memref<27648xf32, #tpu.memory_space<vmem>>, vector<16xf32>,
          tpu.vector_store %arg7[%parallel_loop3A_201], %parallel_loop3A_198 {strides = array<i32>} : memref<27648xf32, #tpu.memory_space<vmem>>, vector<16xf32>,
          %parallel_loop3A_203 = arith.constant 12 : i32
          %parallel_loop3A_204 = vector.broadcast %parallel_loop3A_203 : i32 to vector<16xi32>
          %parallel_loop3A_205 = arith.addi %parallel_loop3A_101, %parallel_loop3A_204 : vector<16xi32>
          %parallel_loop3A_206 = tpu.vector_load_idx %arg5[%parallel_loop3A_205] : memref<729xf32, #tpu.memory_space<vmem>>[vector<16xi32>], vector<16xf32>,
          %parallel_loop3A_207 = arith.constant 12288 : i32
          %parallel_loop3A_208 = arith.addi %parallel_loop3A_207, %parallel_loop3A_106 : i32
          %parallel_loop3A_209 = arith.index_cast %parallel_loop3A_208 : i32 to index
          %parallel_loop3A_210 = tpu.vector_load %arg7[%parallel_loop3A_209] {strides = array<i32>} : memref<27648xf32, #tpu.memory_space<vmem>>, vector<16xf32>,
          tpu.vector_store %arg7[%parallel_loop3A_209], %parallel_loop3A_206 {strides = array<i32>} : memref<27648xf32, #tpu.memory_space<vmem>>, vector<16xf32>,
          %parallel_loop3A_211 = arith.constant 13 : i32
          %parallel_loop3A_212 = vector.broadcast %parallel_loop3A_211 : i32 to vector<16xi32>
          %parallel_loop3A_213 = arith.addi %parallel_loop3A_101, %parallel_loop3A_212 : vector<16xi32>
          %parallel_loop3A_214 = tpu.vector_load_idx %arg5[%parallel_loop3A_213] : memref<729xf32, #tpu.memory_space<vmem>>[vector<16xi32>], vector<16xf32>,
          %parallel_loop3A_215 = arith.constant 13312 : i32
          %parallel_loop3A_216 = arith.addi %parallel_loop3A_215, %parallel_loop3A_106 : i32
          %parallel_loop3A_217 = arith.index_cast %parallel_loop3A_216 : i32 to index
          %parallel_loop3A_218 = tpu.vector_load %arg7[%parallel_loop3A_217] {strides = array<i32>} : memref<27648xf32, #tpu.memory_space<vmem>>, vector<16xf32>,
          tpu.vector_store %arg7[%parallel_loop3A_217], %parallel_loop3A_214 {strides = array<i32>} : memref<27648xf32, #tpu.memory_space<vmem>>, vector<16xf32>,
          %parallel_loop3A_219 = arith.constant 14 : i32
          %parallel_loop3A_220 = vector.broadcast %parallel_loop3A_219 : i32 to vector<16xi32>
          %parallel_loop3A_221 = arith.addi %parallel_loop3A_101, %parallel_loop3A_220 : vector<16xi32>
          %parallel_loop3A_222 = tpu.vector_load_idx %arg5[%parallel_loop3A_221] : memref<729xf32, #tpu.memory_space<vmem>>[vector<16xi32>], vector<16xf32>,
          %parallel_loop3A_223 = arith.constant 14336 : i32
          %parallel_loop3A_224 = arith.addi %parallel_loop3A_223, %parallel_loop3A_106 : i32
          %parallel_loop3A_225 = arith.index_cast %parallel_loop3A_224 : i32 to index
          %parallel_loop3A_226 = tpu.vector_load %arg7[%parallel_loop3A_225] {strides = array<i32>} : memref<27648xf32, #tpu.memory_space<vmem>>, vector<16xf32>,
          tpu.vector_store %arg7[%parallel_loop3A_225], %parallel_loop3A_222 {strides = array<i32>} : memref<27648xf32, #tpu.memory_space<vmem>>, vector<16xf32>,
          %parallel_loop3A_227 = arith.constant 15 : i32
          %parallel_loop3A_228 = vector.broadcast %parallel_loop3A_227 : i32 to vector<16xi32>
          %parallel_loop3A_229 = arith.addi %parallel_loop3A_101, %parallel_loop3A_228 : vector<16xi32>
          %parallel_loop3A_230 = tpu.vector_load_idx %arg5[%parallel_loop3A_229] : memref<729xf32, #tpu.memory_space<vmem>>[vector<16xi32>], vector<16xf32>,
          %parallel_loop3A_231 = arith.constant 15360 : i32
          %parallel_loop3A_232 = arith.addi %parallel_loop3A_231, %parallel_loop3A_106 : i32
          %parallel_loop3A_233 = arith.index_cast %parallel_loop3A_232 : i32 to index
          %parallel_loop3A_234 = tpu.vector_load %arg7[%parallel_loop3A_233] {strides = array<i32>} : memref<27648xf32, #tpu.memory_space<vmem>>, vector<16xf32>,
          tpu.vector_store %arg7[%parallel_loop3A_233], %parallel_loop3A_230 {strides = array<i32>} : memref<27648xf32, #tpu.memory_space<vmem>>, vector<16xf32>,
          %parallel_loop3A_235 = arith.constant 16 : i32
          %parallel_loop3A_236 = vector.broadcast %parallel_loop3A_235 : i32 to vector<16xi32>
          %parallel_loop3A_237 = arith.addi %parallel_loop3A_101, %parallel_loop3A_236 : vector<16xi32>
          %parallel_loop3A_238 = tpu.vector_load_idx %arg5[%parallel_loop3A_237] : memref<729xf32, #tpu.memory_space<vmem>>[vector<16xi32>], vector<16xf32>,
          %parallel_loop3A_239 = arith.constant 16384 : i32
          %parallel_loop3A_240 = arith.addi %parallel_loop3A_239, %parallel_loop3A_106 : i32
          %parallel_loop3A_241 = arith.index_cast %parallel_loop3A_240 : i32 to index
          %parallel_loop3A_242 = tpu.vector_load %arg7[%parallel_loop3A_241] {strides = array<i32>} : memref<27648xf32, #tpu.memory_space<vmem>>, vector<16xf32>,
          tpu.vector_store %arg7[%parallel_loop3A_241], %parallel_loop3A_238 {strides = array<i32>} : memref<27648xf32, #tpu.memory_space<vmem>>, vector<16xf32>,
          %parallel_loop3A_243 = arith.constant 17 : i32
          %parallel_loop3A_244 = vector.broadcast %parallel_loop3A_243 : i32 to vector<16xi32>
          %parallel_loop3A_245 = arith.addi %parallel_loop3A_101, %parallel_loop3A_244 : vector<16xi32>
          %parallel_loop3A_246 = tpu.vector_load_idx %arg5[%parallel_loop3A_245] : memref<729xf32, #tpu.memory_space<vmem>>[vector<16xi32>], vector<16xf32>,
          %parallel_loop3A_247 = arith.constant 17408 : i32
          %parallel_loop3A_248 = arith.addi %parallel_loop3A_247, %parallel_loop3A_106 : i32
          %parallel_loop3A_249 = arith.index_cast %parallel_loop3A_248 : i32 to index
          %parallel_loop3A_250 = tpu.vector_load %arg7[%parallel_loop3A_249] {strides = array<i32>} : memref<27648xf32, #tpu.memory_space<vmem>>, vector<16xf32>,
          tpu.vector_store %arg7[%parallel_loop3A_249], %parallel_loop3A_246 {strides = array<i32>} : memref<27648xf32, #tpu.memory_space<vmem>>, vector<16xf32>,
          %parallel_loop3A_251 = arith.constant 18 : i32
          %parallel_loop3A_252 = vector.broadcast %parallel_loop3A_251 : i32 to vector<16xi32>
          %parallel_loop3A_253 = arith.addi %parallel_loop3A_101, %parallel_loop3A_252 : vector<16xi32>
          %parallel_loop3A_254 = tpu.vector_load_idx %arg5[%parallel_loop3A_253] : memref<729xf32, #tpu.memory_space<vmem>>[vector<16xi32>], vector<16xf32>,
          %parallel_loop3A_255 = arith.constant 18432 : i32
          %parallel_loop3A_256 = arith.addi %parallel_loop3A_255, %parallel_loop3A_106 : i32
          %parallel_loop3A_257 = arith.index_cast %parallel_loop3A_256 : i32 to index
          %parallel_loop3A_258 = tpu.vector_load %arg7[%parallel_loop3A_257] {strides = array<i32>} : memref<27648xf32, #tpu.memory_space<vmem>>, vector<16xf32>,
          tpu.vector_store %arg7[%parallel_loop3A_257], %parallel_loop3A_254 {strides = array<i32>} : memref<27648xf32, #tpu.memory_space<vmem>>, vector<16xf32>,
          %parallel_loop3A_259 = arith.constant 19 : i32
          %parallel_loop3A_260 = vector.broadcast %parallel_loop3A_259 : i32 to vector<16xi32>
          %parallel_loop3A_261 = arith.addi %parallel_loop3A_101, %parallel_loop3A_260 : vector<16xi32>
          %parallel_loop3A_262 = tpu.vector_load_idx %arg5[%parallel_loop3A_261] : memref<729xf32, #tpu.memory_space<vmem>>[vector<16xi32>], vector<16xf32>,
          %parallel_loop3A_263 = arith.constant 19456 : i32
          %parallel_loop3A_264 = arith.addi %parallel_loop3A_263, %parallel_loop3A_106 : i32
          %parallel_loop3A_265 = arith.index_cast %parallel_loop3A_264 : i32 to index
          %parallel_loop3A_266 = tpu.vector_load %arg7[%parallel_loop3A_265] {strides = array<i32>} : memref<27648xf32, #tpu.memory_space<vmem>>, vector<16xf32>,
          tpu.vector_store %arg7[%parallel_loop3A_265], %parallel_loop3A_262 {strides = array<i32>} : memref<27648xf32, #tpu.memory_space<vmem>>, vector<16xf32>,
          %parallel_loop3A_267 = arith.constant 20 : i32
          %parallel_loop3A_268 = vector.broadcast %parallel_loop3A_267 : i32 to vector<16xi32>
          %parallel_loop3A_269 = arith.addi %parallel_loop3A_101, %parallel_loop3A_268 : vector<16xi32>
          %parallel_loop3A_270 = tpu.vector_load_idx %arg5[%parallel_loop3A_269] : memref<729xf32, #tpu.memory_space<vmem>>[vector<16xi32>], vector<16xf32>,
          %parallel_loop3A_271 = arith.constant 20480 : i32
          %parallel_loop3A_272 = arith.addi %parallel_loop3A_271, %parallel_loop3A_106 : i32
          %parallel_loop3A_273 = arith.index_cast %parallel_loop3A_272 : i32 to index
          %parallel_loop3A_274 = tpu.vector_load %arg7[%parallel_loop3A_273] {strides = array<i32>} : memref<27648xf32, #tpu.memory_space<vmem>>, vector<16xf32>,
          tpu.vector_store %arg7[%parallel_loop3A_273], %parallel_loop3A_270 {strides = array<i32>} : memref<27648xf32, #tpu.memory_space<vmem>>, vector<16xf32>,
          %parallel_loop3A_275 = arith.constant 21 : i32
          %parallel_loop3A_276 = vector.broadcast %parallel_loop3A_275 : i32 to vector<16xi32>
          %parallel_loop3A_277 = arith.addi %parallel_loop3A_101, %parallel_loop3A_276 : vector<16xi32>
          %parallel_loop3A_278 = tpu.vector_load_idx %arg5[%parallel_loop3A_277] : memref<729xf32, #tpu.memory_space<vmem>>[vector<16xi32>], vector<16xf32>,
          %parallel_loop3A_279 = arith.constant 21504 : i32
          %parallel_loop3A_280 = arith.addi %parallel_loop3A_279, %parallel_loop3A_106 : i32
          %parallel_loop3A_281 = arith.index_cast %parallel_loop3A_280 : i32 to index
          %parallel_loop3A_282 = tpu.vector_load %arg7[%parallel_loop3A_281] {strides = array<i32>} : memref<27648xf32, #tpu.memory_space<vmem>>, vector<16xf32>,
          tpu.vector_store %arg7[%parallel_loop3A_281], %parallel_loop3A_278 {strides = array<i32>} : memref<27648xf32, #tpu.memory_space<vmem>>, vector<16xf32>,
          %parallel_loop3A_283 = arith.constant 22 : i32
          %parallel_loop3A_284 = vector.broadcast %parallel_loop3A_283 : i32 to vector<16xi32>
          %parallel_loop3A_285 = arith.addi %parallel_loop3A_101, %parallel_loop3A_284 : vector<16xi32>
          %parallel_loop3A_286 = tpu.vector_load_idx %arg5[%parallel_loop3A_285] : memref<729xf32, #tpu.memory_space<vmem>>[vector<16xi32>], vector<16xf32>,
          %parallel_loop3A_287 = arith.constant 22528 : i32
          %parallel_loop3A_288 = arith.addi %parallel_loop3A_287, %parallel_loop3A_106 : i32
          %parallel_loop3A_289 = arith.index_cast %parallel_loop3A_288 : i32 to index
          %parallel_loop3A_290 = tpu.vector_load %arg7[%parallel_loop3A_289] {strides = array<i32>} : memref<27648xf32, #tpu.memory_space<vmem>>, vector<16xf32>,
          tpu.vector_store %arg7[%parallel_loop3A_289], %parallel_loop3A_286 {strides = array<i32>} : memref<27648xf32, #tpu.memory_space<vmem>>, vector<16xf32>,
          %parallel_loop3A_291 = arith.constant 23 : i32
          %parallel_loop3A_292 = vector.broadcast %parallel_loop3A_291 : i32 to vector<16xi32>
          %parallel_loop3A_293 = arith.addi %parallel_loop3A_101, %parallel_loop3A_292 : vector<16xi32>
          %parallel_loop3A_294 = tpu.vector_load_idx %arg5[%parallel_loop3A_293] : memref<729xf32, #tpu.memory_space<vmem>>[vector<16xi32>], vector<16xf32>,
          %parallel_loop3A_295 = arith.constant 23552 : i32
          %parallel_loop3A_296 = arith.addi %parallel_loop3A_295, %parallel_loop3A_106 : i32
          %parallel_loop3A_297 = arith.index_cast %parallel_loop3A_296 : i32 to index
          %parallel_loop3A_298 = tpu.vector_load %arg7[%parallel_loop3A_297] {strides = array<i32>} : memref<27648xf32, #tpu.memory_space<vmem>>, vector<16xf32>,
          tpu.vector_store %arg7[%parallel_loop3A_297], %parallel_loop3A_294 {strides = array<i32>} : memref<27648xf32, #tpu.memory_space<vmem>>, vector<16xf32>,
          %parallel_loop3A_299 = arith.constant 24 : i32
          %parallel_loop3A_300 = vector.broadcast %parallel_loop3A_299 : i32 to vector<16xi32>
          %parallel_loop3A_301 = arith.addi %parallel_loop3A_101, %parallel_loop3A_300 : vector<16xi32>
          %parallel_loop3A_302 = tpu.vector_load_idx %arg5[%parallel_loop3A_301] : memref<729xf32, #tpu.memory_space<vmem>>[vector<16xi32>], vector<16xf32>,
          %parallel_loop3A_303 = arith.constant 24576 : i32
          %parallel_loop3A_304 = arith.addi %parallel_loop3A_303, %parallel_loop3A_106 : i32
          %parallel_loop3A_305 = arith.index_cast %parallel_loop3A_304 : i32 to index
          %parallel_loop3A_306 = tpu.vector_load %arg7[%parallel_loop3A_305] {strides = array<i32>} : memref<27648xf32, #tpu.memory_space<vmem>>, vector<16xf32>,
          tpu.vector_store %arg7[%parallel_loop3A_305], %parallel_loop3A_302 {strides = array<i32>} : memref<27648xf32, #tpu.memory_space<vmem>>, vector<16xf32>,
          %parallel_loop3A_307 = arith.constant 25 : i32
          %parallel_loop3A_308 = vector.broadcast %parallel_loop3A_307 : i32 to vector<16xi32>
          %parallel_loop3A_309 = arith.addi %parallel_loop3A_101, %parallel_loop3A_308 : vector<16xi32>
          %parallel_loop3A_310 = tpu.vector_load_idx %arg5[%parallel_loop3A_309] : memref<729xf32, #tpu.memory_space<vmem>>[vector<16xi32>], vector<16xf32>,
          %parallel_loop3A_311 = arith.constant 25600 : i32
          %parallel_loop3A_312 = arith.addi %parallel_loop3A_311, %parallel_loop3A_106 : i32
          %parallel_loop3A_313 = arith.index_cast %parallel_loop3A_312 : i32 to index
          %parallel_loop3A_314 = tpu.vector_load %arg7[%parallel_loop3A_313] {strides = array<i32>} : memref<27648xf32, #tpu.memory_space<vmem>>, vector<16xf32>,
          tpu.vector_store %arg7[%parallel_loop3A_313], %parallel_loop3A_310 {strides = array<i32>} : memref<27648xf32, #tpu.memory_space<vmem>>, vector<16xf32>,
          %parallel_loop3A_315 = arith.constant 26 : i32
          %parallel_loop3A_316 = vector.broadcast %parallel_loop3A_315 : i32 to vector<16xi32>
          %parallel_loop3A_317 = arith.addi %parallel_loop3A_101, %parallel_loop3A_316 : vector<16xi32>
          %parallel_loop3A_318 = tpu.vector_load_idx %arg5[%parallel_loop3A_317] : memref<729xf32, #tpu.memory_space<vmem>>[vector<16xi32>], vector<16xf32>,
          %parallel_loop3A_319 = arith.constant 26624 : i32
          %parallel_loop3A_320 = arith.addi %parallel_loop3A_319, %parallel_loop3A_106 : i32
          %parallel_loop3A_321 = arith.index_cast %parallel_loop3A_320 : i32 to index
          %parallel_loop3A_322 = tpu.vector_load %arg7[%parallel_loop3A_321] {strides = array<i32>} : memref<27648xf32, #tpu.memory_space<vmem>>, vector<16xf32>,
          tpu.vector_store %arg7[%parallel_loop3A_321], %parallel_loop3A_318 {strides = array<i32>} : memref<27648xf32, #tpu.memory_space<vmem>>, vector<16xf32>,
        } {sc.loop_unroll_factor = 1 : i64, sc.parallel_access}
      } {sc.loop_unroll_factor = 1 : i64, sc.parallel_access}
      %shift_right_arithmetic3A_40 = arith.constant 2 : i32
      %shift_right_arithmetic3A_41 = arith.shrsi %add3A_31, %shift_right_arithmetic3A_40 : i32
      %eq3A_42 = arith.constant 6 : i32
      %eq3A_43 = arith.cmpi eq, %shift_right_arithmetic3A_41, %eq3A_42 : i32
      %scan3A_44 = arith.constant 0 : i32
      %scan3A_45 = arith.constant 0 : i32
      %scan3A_46 = arith.constant 27 : i32
      %scan3A_47 = arith.addi %scan3A_45, %scan3A_46 : i32
      %scan3A_48 = arith.constant 1 : i32
      scf.for %scan3A_81 = %scan3A_45 to %scan3A_47 step %scan3A_48  : i32 {
        %not3A = arith.constant true
        %not3A_82 = arith.xori %eq3A_43, %not3A : i1
        %convert_element_type3A_83 = arith.extui %not3A_82 : i1 to i32
        %cond3A_84 = arith.constant 0 : i32
        %cond3A_85 = arith.cmpi ne, %convert_element_type3A_83, %cond3A_84 : i32
        scf.if %cond3A_85 {
          %shift_right_arithmetic3A_89 = arith.constant 2 : i32
          %shift_right_arithmetic3A_90 = arith.shrsi %add3A_31, %shift_right_arithmetic3A_89 : i32
          %and3A_91 = arith.constant 3 : i32
          %and3A_92 = arith.andi %add3A_31, %and3A_91 : i32
          %add3A_93 = arith.addi %mul3A_9, %and3A_92 : i32
          %mul3A_94 = arith.constant 917504 : i32
          %mul3A_95 = arith.muli %scan3A_81, %mul3A_94 : i32
          %mul3A_96 = arith.constant 131072 : i32
          %mul3A_97 = arith.muli %shift_right_arithmetic3A_90, %mul3A_96 : i32
          %add3A_98 = arith.addi %mul3A_95, %mul3A_97 : i32
          %mul3A_99 = arith.constant 1024 : i32
          %mul3A_100 = arith.muli %add3A_93, %mul3A_99 : i32
          %add3A_101 = arith.addi %add3A_98, %mul3A_100 : i32
          %mul3A_102 = arith.constant 1024 : i32
          %mul3A_103 = arith.muli %scan3A_81, %mul3A_102 : i32
          %dma_start3A_104 = tpu.memref_slice %arg7[%mul3A_103] : memref<27648xf32, #tpu.memory_space<vmem>> -> memref<1024xf32, #tpu.memory_space<vmem>>
          %dma_start3A_105 = tpu.memref_slice %arg4[%add3A_101] : memref<24772608xf32, #tpu.memory_space<hbm>> -> memref<1024xf32, #tpu.memory_space<hbm>>
          %dma_start3A_106 = tpu.memref_slice %arg4[%add3A_101] : memref<24772608xf32, #tpu.memory_space<hbm>> -> memref<1024xf32, #tpu.memory_space<hbm>>
          %dma_start3A_107 = tpu.memref_slice %arg7[%mul3A_103] : memref<27648xf32, #tpu.memory_space<vmem>> -> memref<1024xf32, #tpu.memory_space<vmem>>
          tpu.enqueue_dma source(%dma_start3A_107 : memref<1024xf32, #tpu.memory_space<vmem>>) target(%dma_start3A_106 : memref<1024xf32, #tpu.memory_space<hbm>>) target_semaphore(%arg9 : memref<!tpu.dma_semaphore, #tpu.memory_space<semaphore_mem>>)
        } else {
        }
        %convert_element_type3A_86 = arith.extui %eq3A_43 : i1 to i32
        %cond3A_87 = arith.constant 0 : i32
        %cond3A_88 = arith.cmpi ne, %convert_element_type3A_86, %cond3A_87 : i32
        scf.if %cond3A_88 {
          %shift_right_arithmetic3A_89 = arith.constant 2 : i32
          %shift_right_arithmetic3A_90 = arith.shrsi %add3A_31, %shift_right_arithmetic3A_89 : i32
          %and3A_91 = arith.constant 3 : i32
          %and3A_92 = arith.andi %add3A_31, %and3A_91 : i32
          %add3A_93 = arith.addi %mul3A_9, %and3A_92 : i32
          %mul3A_94 = arith.constant 917504 : i32
          %mul3A_95 = arith.muli %scan3A_81, %mul3A_94 : i32
          %mul3A_96 = arith.constant 131072 : i32
          %mul3A_97 = arith.muli %shift_right_arithmetic3A_90, %mul3A_96 : i32
          %add3A_98 = arith.addi %mul3A_95, %mul3A_97 : i32
          %mul3A_99 = arith.constant 1024 : i32
          %mul3A_100 = arith.muli %add3A_93, %mul3A_99 : i32
          %add3A_101 = arith.addi %add3A_98, %mul3A_100 : i32
          %mul3A_102 = arith.constant 1024 : i32
          %mul3A_103 = arith.muli %scan3A_81, %mul3A_102 : i32
          %dma_start3A_104 = tpu.memref_slice %arg7[%mul3A_103] : memref<27648xf32, #tpu.memory_space<vmem>> -> memref<256xf32, #tpu.memory_space<vmem>>
          %dma_start3A_105 = tpu.memref_slice %arg4[%add3A_101] : memref<24772608xf32, #tpu.memory_space<hbm>> -> memref<256xf32, #tpu.memory_space<hbm>>
          %dma_start3A_106 = tpu.memref_slice %arg4[%add3A_101] : memref<24772608xf32, #tpu.memory_space<hbm>> -> memref<256xf32, #tpu.memory_space<hbm>>
          %dma_start3A_107 = tpu.memref_slice %arg7[%mul3A_103] : memref<27648xf32, #tpu.memory_space<vmem>> -> memref<256xf32, #tpu.memory_space<vmem>>
          tpu.enqueue_dma source(%dma_start3A_107 : memref<256xf32, #tpu.memory_space<vmem>>) target(%dma_start3A_106 : memref<256xf32, #tpu.memory_space<hbm>>) target_semaphore(%arg9 : memref<!tpu.dma_semaphore, #tpu.memory_space<semaphore_mem>>)
        } else {
        }
      }
      %scan3A_49 = arith.constant 27 : i32
      %mul3A_50 = arith.constant 2 : i32
      %mul3A_51 = arith.muli %scan3A_27, %mul3A_50 : i32
      %add3A_52 = arith.constant 1 : i32
      %add3A_53 = arith.addi %mul3A_51, %add3A_52 : i32
      %ge3A_54 = arith.constant 2 : i32
      %ge3A_55 = arith.cmpi sge, %add3A_53, %ge3A_54 : i32
      %convert_element_type3A_56 = arith.extui %ge3A_55 : i1 to i32
      %cond3A_57 = arith.constant 0 : i32
      %cond3A_58 = arith.cmpi ne, %convert_element_type3A_56, %cond3A_57 : i32
      scf.if %cond3A_58 {
        %sub3A = arith.constant 2 : i32
        %sub3A_81 = arith.subi %add3A_53, %sub3A : i32
        %shift_right_arithmetic3A_82 = arith.constant 2 : i32
        %shift_right_arithmetic3A_83 = arith.shrsi %sub3A_81, %shift_right_arithmetic3A_82 : i32
        %eq3A_84 = arith.constant 6 : i32
        %eq3A_85 = arith.cmpi eq, %shift_right_arithmetic3A_83, %eq3A_84 : i32
        %scan3A_86 = arith.constant 0 : i32
        %scan3A_87 = arith.constant 0 : i32
        %scan3A_88 = arith.constant 27 : i32
        %scan3A_89 = arith.addi %scan3A_87, %scan3A_88 : i32
        %scan3A_90 = arith.constant 1 : i32
        scf.for %scan3A_92 = %scan3A_87 to %scan3A_89 step %scan3A_90  : i32 {
          %not3A = arith.constant true
          %not3A_93 = arith.xori %eq3A_85, %not3A : i1
          %convert_element_type3A_94 = arith.extui %not3A_93 : i1 to i32
          %cond3A_95 = arith.constant 0 : i32
          %cond3A_96 = arith.cmpi ne, %convert_element_type3A_94, %cond3A_95 : i32
          scf.if %cond3A_96 {
            %shift_right_arithmetic3A_100 = arith.constant 2 : i32
            %shift_right_arithmetic3A_101 = arith.shrsi %sub3A_81, %shift_right_arithmetic3A_100 : i32
            %and3A_102 = arith.constant 3 : i32
            %and3A_103 = arith.andi %sub3A_81, %and3A_102 : i32
            %add3A_104 = arith.addi %mul3A_9, %and3A_103 : i32
            %mul3A_105 = arith.constant 917504 : i32
            %mul3A_106 = arith.muli %scan3A_92, %mul3A_105 : i32
            %mul3A_107 = arith.constant 131072 : i32
            %mul3A_108 = arith.muli %shift_right_arithmetic3A_101, %mul3A_107 : i32
            %add3A_109 = arith.addi %mul3A_106, %mul3A_108 : i32
            %mul3A_110 = arith.constant 1024 : i32
            %mul3A_111 = arith.muli %add3A_104, %mul3A_110 : i32
            %add3A_112 = arith.addi %add3A_109, %mul3A_111 : i32
            %mul3A_113 = arith.constant 1024 : i32
            %mul3A_114 = arith.muli %scan3A_92, %mul3A_113 : i32
            %dma_wait3A_115 = tpu.memref_slice %arg8[%mul3A_114] : memref<27648xf32, #tpu.memory_space<vmem>> -> memref<1024xf32, #tpu.memory_space<vmem>>
            %dma_wait3A_116 = tpu.memref_slice %arg4[%add3A_112] : memref<24772608xf32, #tpu.memory_space<hbm>> -> memref<1024xf32, #tpu.memory_space<hbm>>
            %dma_wait3A_117 = tpu.memref_slice %arg4[%add3A_112] : memref<24772608xf32, #tpu.memory_space<hbm>> -> memref<1024xf32, #tpu.memory_space<hbm>>
            %dma_wait3A_118 = tpu.memref_slice %arg8[%mul3A_114] : memref<27648xf32, #tpu.memory_space<vmem>> -> memref<1024xf32, #tpu.memory_space<vmem>>
            tpu.wait_dma2 semaphore(%arg10 : memref<!tpu.dma_semaphore, #tpu.memory_space<semaphore_mem>>) src(%dma_wait3A_118 : memref<1024xf32, #tpu.memory_space<vmem>>) dst(%dma_wait3A_117 : memref<1024xf32, #tpu.memory_space<hbm>>)
          } else {
          }
          %convert_element_type3A_97 = arith.extui %eq3A_85 : i1 to i32
          %cond3A_98 = arith.constant 0 : i32
          %cond3A_99 = arith.cmpi ne, %convert_element_type3A_97, %cond3A_98 : i32
          scf.if %cond3A_99 {
            %shift_right_arithmetic3A_100 = arith.constant 2 : i32
            %shift_right_arithmetic3A_101 = arith.shrsi %sub3A_81, %shift_right_arithmetic3A_100 : i32
            %and3A_102 = arith.constant 3 : i32
            %and3A_103 = arith.andi %sub3A_81, %and3A_102 : i32
            %add3A_104 = arith.addi %mul3A_9, %and3A_103 : i32
            %mul3A_105 = arith.constant 917504 : i32
            %mul3A_106 = arith.muli %scan3A_92, %mul3A_105 : i32
            %mul3A_107 = arith.constant 131072 : i32
            %mul3A_108 = arith.muli %shift_right_arithmetic3A_101, %mul3A_107 : i32
            %add3A_109 = arith.addi %mul3A_106, %mul3A_108 : i32
            %mul3A_110 = arith.constant 1024 : i32
            %mul3A_111 = arith.muli %add3A_104, %mul3A_110 : i32
            %add3A_112 = arith.addi %add3A_109, %mul3A_111 : i32
            %mul3A_113 = arith.constant 1024 : i32
            %mul3A_114 = arith.muli %scan3A_92, %mul3A_113 : i32
            %dma_wait3A_115 = tpu.memref_slice %arg8[%mul3A_114] : memref<27648xf32, #tpu.memory_space<vmem>> -> memref<256xf32, #tpu.memory_space<vmem>>
            %dma_wait3A_116 = tpu.memref_slice %arg4[%add3A_112] : memref<24772608xf32, #tpu.memory_space<hbm>> -> memref<256xf32, #tpu.memory_space<hbm>>
            %dma_wait3A_117 = tpu.memref_slice %arg4[%add3A_112] : memref<24772608xf32, #tpu.memory_space<hbm>> -> memref<256xf32, #tpu.memory_space<hbm>>
            %dma_wait3A_118 = tpu.memref_slice %arg8[%mul3A_114] : memref<27648xf32, #tpu.memory_space<vmem>> -> memref<256xf32, #tpu.memory_space<vmem>>
            tpu.wait_dma2 semaphore(%arg10 : memref<!tpu.dma_semaphore, #tpu.memory_space<semaphore_mem>>) src(%dma_wait3A_118 : memref<256xf32, #tpu.memory_space<vmem>>) dst(%dma_wait3A_117 : memref<256xf32, #tpu.memory_space<hbm>>)
          } else {
          }
        }
        %scan3A_91 = arith.constant 27 : i32
      } else {
      }
      %shift_right_arithmetic3A_59 = arith.constant 2 : i32
      %shift_right_arithmetic3A_60 = arith.shrsi %add3A_53, %shift_right_arithmetic3A_59 : i32
      %and3A_61 = arith.constant 3 : i32
      %and3A_62 = arith.andi %add3A_53, %and3A_61 : i32
      %eq3A_63 = arith.constant 6 : i32
      %eq3A_64 = arith.cmpi eq, %shift_right_arithmetic3A_60, %eq3A_63 : i32
      %jit3A_65 = arith.constant 2 : i32
      %jit3A_66 = arith.constant 8 : i32
      %select_n3A_67 = arith.select %eq3A_64, %jit3A_65, %jit3A_66 : i32
      %parallel_loop3A_68 = arith.constant 0 : i32
      %parallel_loop3A_69 = arith.constant 8 : i32
      %parallel_loop3A_70 = arith.constant 1 : i32
      scf.for %parallel_loop3A_81 = %parallel_loop3A_68 to %parallel_loop3A_69 step %parallel_loop3A_70  : i32 {
        %parallel_loop3A_82 = arith.constant 128 : i32
        %parallel_loop3A_83 = arith.muli %and3A_62, %parallel_loop3A_82 : i32
        %parallel_loop3A_84 = arith.constant 16 : i32
        %parallel_loop3A_85 = arith.muli %parallel_loop3A_81, %parallel_loop3A_84 : i32
        %parallel_loop3A_86 = arith.addi %parallel_loop3A_83, %parallel_loop3A_85 : i32
        %parallel_loop3A_87 = arith.constant 50 : i32
        %parallel_loop3A_88 = arith.muli %parallel_loop3A_86, %parallel_loop3A_87 : i32
        %parallel_loop3A_89 = arith.constant 8 : i32
        %parallel_loop3A_90 = arith.muli %shift_right_arithmetic3A_60, %parallel_loop3A_89 : i32
        %parallel_loop3A_91 = arith.addi %parallel_loop3A_88, %parallel_loop3A_90 : i32
        %parallel_loop3A_92 = arith.constant 0 : i32
        %parallel_loop3A_93 = arith.constant 1 : i32
        scf.for %parallel_loop3A_94 = %parallel_loop3A_92 to %select_n3A_67 step %parallel_loop3A_93  : i32 {
          %parallel_loop3A_95 = arith.addi %parallel_loop3A_91, %parallel_loop3A_94 : i32
          %parallel_loop3A_96 = vector.broadcast %parallel_loop3A_95 : i32 to vector<16xi32>
          %parallel_loop3A_97 = arith.addi %mul3A_7, %parallel_loop3A_96 : vector<16xi32>
          %parallel_loop3A_98 = tpu.vector_load_idx %arg6[%parallel_loop3A_97] : memref<25600xi32, #tpu.memory_space<vmem>>[vector<16xi32>], vector<16xi32>,
          %parallel_loop3A_99 = arith.constant 27 : i32
          %parallel_loop3A_100 = vector.broadcast %parallel_loop3A_99 : i32 to vector<16xi32>
          %parallel_loop3A_101 = arith.muli %parallel_loop3A_98, %parallel_loop3A_100 : vector<16xi32>
          %parallel_loop3A_102 = arith.constant 128 : i32
          %parallel_loop3A_103 = arith.muli %parallel_loop3A_94, %parallel_loop3A_102 : i32
          %parallel_loop3A_104 = arith.constant 16 : i32
          %parallel_loop3A_105 = arith.muli %parallel_loop3A_81, %parallel_loop3A_104 : i32
          %parallel_loop3A_106 = arith.addi %parallel_loop3A_103, %parallel_loop3A_105 : i32
          %parallel_loop3A_107 = arith.constant 0 : i32
          %parallel_loop3A_108 = vector.broadcast %parallel_loop3A_107 : i32 to vector<16xi32>
          %parallel_loop3A_109 = arith.addi %parallel_loop3A_101, %parallel_loop3A_108 : vector<16xi32>
          %parallel_loop3A_110 = tpu.vector_load_idx %arg5[%parallel_loop3A_109] : memref<729xf32, #tpu.memory_space<vmem>>[vector<16xi32>], vector<16xf32>,
          %parallel_loop3A_111 = arith.constant 0 : i32
          %parallel_loop3A_112 = arith.addi %parallel_loop3A_111, %parallel_loop3A_106 : i32
          %parallel_loop3A_113 = arith.index_cast %parallel_loop3A_112 : i32 to index
          %parallel_loop3A_114 = tpu.vector_load %arg8[%parallel_loop3A_113] {strides = array<i32>} : memref<27648xf32, #tpu.memory_space<vmem>>, vector<16xf32>,
          tpu.vector_store %arg8[%parallel_loop3A_113], %parallel_loop3A_110 {strides = array<i32>} : memref<27648xf32, #tpu.memory_space<vmem>>, vector<16xf32>,
          %parallel_loop3A_115 = arith.constant 1 : i32
          %parallel_loop3A_116 = vector.broadcast %parallel_loop3A_115 : i32 to vector<16xi32>
          %parallel_loop3A_117 = arith.addi %parallel_loop3A_101, %parallel_loop3A_116 : vector<16xi32>
          %parallel_loop3A_118 = tpu.vector_load_idx %arg5[%parallel_loop3A_117] : memref<729xf32, #tpu.memory_space<vmem>>[vector<16xi32>], vector<16xf32>,
          %parallel_loop3A_119 = arith.constant 1024 : i32
          %parallel_loop3A_120 = arith.addi %parallel_loop3A_119, %parallel_loop3A_106 : i32
          %parallel_loop3A_121 = arith.index_cast %parallel_loop3A_120 : i32 to index
          %parallel_loop3A_122 = tpu.vector_load %arg8[%parallel_loop3A_121] {strides = array<i32>} : memref<27648xf32, #tpu.memory_space<vmem>>, vector<16xf32>,
          tpu.vector_store %arg8[%parallel_loop3A_121], %parallel_loop3A_118 {strides = array<i32>} : memref<27648xf32, #tpu.memory_space<vmem>>, vector<16xf32>,
          %parallel_loop3A_123 = arith.constant 2 : i32
          %parallel_loop3A_124 = vector.broadcast %parallel_loop3A_123 : i32 to vector<16xi32>
          %parallel_loop3A_125 = arith.addi %parallel_loop3A_101, %parallel_loop3A_124 : vector<16xi32>
          %parallel_loop3A_126 = tpu.vector_load_idx %arg5[%parallel_loop3A_125] : memref<729xf32, #tpu.memory_space<vmem>>[vector<16xi32>], vector<16xf32>,
          %parallel_loop3A_127 = arith.constant 2048 : i32
          %parallel_loop3A_128 = arith.addi %parallel_loop3A_127, %parallel_loop3A_106 : i32
          %parallel_loop3A_129 = arith.index_cast %parallel_loop3A_128 : i32 to index
          %parallel_loop3A_130 = tpu.vector_load %arg8[%parallel_loop3A_129] {strides = array<i32>} : memref<27648xf32, #tpu.memory_space<vmem>>, vector<16xf32>,
          tpu.vector_store %arg8[%parallel_loop3A_129], %parallel_loop3A_126 {strides = array<i32>} : memref<27648xf32, #tpu.memory_space<vmem>>, vector<16xf32>,
          %parallel_loop3A_131 = arith.constant 3 : i32
          %parallel_loop3A_132 = vector.broadcast %parallel_loop3A_131 : i32 to vector<16xi32>
          %parallel_loop3A_133 = arith.addi %parallel_loop3A_101, %parallel_loop3A_132 : vector<16xi32>
          %parallel_loop3A_134 = tpu.vector_load_idx %arg5[%parallel_loop3A_133] : memref<729xf32, #tpu.memory_space<vmem>>[vector<16xi32>], vector<16xf32>,
          %parallel_loop3A_135 = arith.constant 3072 : i32
          %parallel_loop3A_136 = arith.addi %parallel_loop3A_135, %parallel_loop3A_106 : i32
          %parallel_loop3A_137 = arith.index_cast %parallel_loop3A_136 : i32 to index
          %parallel_loop3A_138 = tpu.vector_load %arg8[%parallel_loop3A_137] {strides = array<i32>} : memref<27648xf32, #tpu.memory_space<vmem>>, vector<16xf32>,
          tpu.vector_store %arg8[%parallel_loop3A_137], %parallel_loop3A_134 {strides = array<i32>} : memref<27648xf32, #tpu.memory_space<vmem>>, vector<16xf32>,
          %parallel_loop3A_139 = arith.constant 4 : i32
          %parallel_loop3A_140 = vector.broadcast %parallel_loop3A_139 : i32 to vector<16xi32>
          %parallel_loop3A_141 = arith.addi %parallel_loop3A_101, %parallel_loop3A_140 : vector<16xi32>
          %parallel_loop3A_142 = tpu.vector_load_idx %arg5[%parallel_loop3A_141] : memref<729xf32, #tpu.memory_space<vmem>>[vector<16xi32>], vector<16xf32>,
          %parallel_loop3A_143 = arith.constant 4096 : i32
          %parallel_loop3A_144 = arith.addi %parallel_loop3A_143, %parallel_loop3A_106 : i32
          %parallel_loop3A_145 = arith.index_cast %parallel_loop3A_144 : i32 to index
          %parallel_loop3A_146 = tpu.vector_load %arg8[%parallel_loop3A_145] {strides = array<i32>} : memref<27648xf32, #tpu.memory_space<vmem>>, vector<16xf32>,
          tpu.vector_store %arg8[%parallel_loop3A_145], %parallel_loop3A_142 {strides = array<i32>} : memref<27648xf32, #tpu.memory_space<vmem>>, vector<16xf32>,
          %parallel_loop3A_147 = arith.constant 5 : i32
          %parallel_loop3A_148 = vector.broadcast %parallel_loop3A_147 : i32 to vector<16xi32>
          %parallel_loop3A_149 = arith.addi %parallel_loop3A_101, %parallel_loop3A_148 : vector<16xi32>
          %parallel_loop3A_150 = tpu.vector_load_idx %arg5[%parallel_loop3A_149] : memref<729xf32, #tpu.memory_space<vmem>>[vector<16xi32>], vector<16xf32>,
          %parallel_loop3A_151 = arith.constant 5120 : i32
          %parallel_loop3A_152 = arith.addi %parallel_loop3A_151, %parallel_loop3A_106 : i32
          %parallel_loop3A_153 = arith.index_cast %parallel_loop3A_152 : i32 to index
          %parallel_loop3A_154 = tpu.vector_load %arg8[%parallel_loop3A_153] {strides = array<i32>} : memref<27648xf32, #tpu.memory_space<vmem>>, vector<16xf32>,
          tpu.vector_store %arg8[%parallel_loop3A_153], %parallel_loop3A_150 {strides = array<i32>} : memref<27648xf32, #tpu.memory_space<vmem>>, vector<16xf32>,
          %parallel_loop3A_155 = arith.constant 6 : i32
          %parallel_loop3A_156 = vector.broadcast %parallel_loop3A_155 : i32 to vector<16xi32>
          %parallel_loop3A_157 = arith.addi %parallel_loop3A_101, %parallel_loop3A_156 : vector<16xi32>
          %parallel_loop3A_158 = tpu.vector_load_idx %arg5[%parallel_loop3A_157] : memref<729xf32, #tpu.memory_space<vmem>>[vector<16xi32>], vector<16xf32>,
          %parallel_loop3A_159 = arith.constant 6144 : i32
          %parallel_loop3A_160 = arith.addi %parallel_loop3A_159, %parallel_loop3A_106 : i32
          %parallel_loop3A_161 = arith.index_cast %parallel_loop3A_160 : i32 to index
          %parallel_loop3A_162 = tpu.vector_load %arg8[%parallel_loop3A_161] {strides = array<i32>} : memref<27648xf32, #tpu.memory_space<vmem>>, vector<16xf32>,
          tpu.vector_store %arg8[%parallel_loop3A_161], %parallel_loop3A_158 {strides = array<i32>} : memref<27648xf32, #tpu.memory_space<vmem>>, vector<16xf32>,
          %parallel_loop3A_163 = arith.constant 7 : i32
          %parallel_loop3A_164 = vector.broadcast %parallel_loop3A_163 : i32 to vector<16xi32>
          %parallel_loop3A_165 = arith.addi %parallel_loop3A_101, %parallel_loop3A_164 : vector<16xi32>
          %parallel_loop3A_166 = tpu.vector_load_idx %arg5[%parallel_loop3A_165] : memref<729xf32, #tpu.memory_space<vmem>>[vector<16xi32>], vector<16xf32>,
          %parallel_loop3A_167 = arith.constant 7168 : i32
          %parallel_loop3A_168 = arith.addi %parallel_loop3A_167, %parallel_loop3A_106 : i32
          %parallel_loop3A_169 = arith.index_cast %parallel_loop3A_168 : i32 to index
          %parallel_loop3A_170 = tpu.vector_load %arg8[%parallel_loop3A_169] {strides = array<i32>} : memref<27648xf32, #tpu.memory_space<vmem>>, vector<16xf32>,
          tpu.vector_store %arg8[%parallel_loop3A_169], %parallel_loop3A_166 {strides = array<i32>} : memref<27648xf32, #tpu.memory_space<vmem>>, vector<16xf32>,
          %parallel_loop3A_171 = arith.constant 8 : i32
          %parallel_loop3A_172 = vector.broadcast %parallel_loop3A_171 : i32 to vector<16xi32>
          %parallel_loop3A_173 = arith.addi %parallel_loop3A_101, %parallel_loop3A_172 : vector<16xi32>
          %parallel_loop3A_174 = tpu.vector_load_idx %arg5[%parallel_loop3A_173] : memref<729xf32, #tpu.memory_space<vmem>>[vector<16xi32>], vector<16xf32>,
          %parallel_loop3A_175 = arith.constant 8192 : i32
          %parallel_loop3A_176 = arith.addi %parallel_loop3A_175, %parallel_loop3A_106 : i32
          %parallel_loop3A_177 = arith.index_cast %parallel_loop3A_176 : i32 to index
          %parallel_loop3A_178 = tpu.vector_load %arg8[%parallel_loop3A_177] {strides = array<i32>} : memref<27648xf32, #tpu.memory_space<vmem>>, vector<16xf32>,
          tpu.vector_store %arg8[%parallel_loop3A_177], %parallel_loop3A_174 {strides = array<i32>} : memref<27648xf32, #tpu.memory_space<vmem>>, vector<16xf32>,
          %parallel_loop3A_179 = arith.constant 9 : i32
          %parallel_loop3A_180 = vector.broadcast %parallel_loop3A_179 : i32 to vector<16xi32>
          %parallel_loop3A_181 = arith.addi %parallel_loop3A_101, %parallel_loop3A_180 : vector<16xi32>
          %parallel_loop3A_182 = tpu.vector_load_idx %arg5[%parallel_loop3A_181] : memref<729xf32, #tpu.memory_space<vmem>>[vector<16xi32>], vector<16xf32>,
          %parallel_loop3A_183 = arith.constant 9216 : i32
          %parallel_loop3A_184 = arith.addi %parallel_loop3A_183, %parallel_loop3A_106 : i32
          %parallel_loop3A_185 = arith.index_cast %parallel_loop3A_184 : i32 to index
          %parallel_loop3A_186 = tpu.vector_load %arg8[%parallel_loop3A_185] {strides = array<i32>} : memref<27648xf32, #tpu.memory_space<vmem>>, vector<16xf32>,
          tpu.vector_store %arg8[%parallel_loop3A_185], %parallel_loop3A_182 {strides = array<i32>} : memref<27648xf32, #tpu.memory_space<vmem>>, vector<16xf32>,
          %parallel_loop3A_187 = arith.constant 10 : i32
          %parallel_loop3A_188 = vector.broadcast %parallel_loop3A_187 : i32 to vector<16xi32>
          %parallel_loop3A_189 = arith.addi %parallel_loop3A_101, %parallel_loop3A_188 : vector<16xi32>
          %parallel_loop3A_190 = tpu.vector_load_idx %arg5[%parallel_loop3A_189] : memref<729xf32, #tpu.memory_space<vmem>>[vector<16xi32>], vector<16xf32>,
          %parallel_loop3A_191 = arith.constant 10240 : i32
          %parallel_loop3A_192 = arith.addi %parallel_loop3A_191, %parallel_loop3A_106 : i32
          %parallel_loop3A_193 = arith.index_cast %parallel_loop3A_192 : i32 to index
          %parallel_loop3A_194 = tpu.vector_load %arg8[%parallel_loop3A_193] {strides = array<i32>} : memref<27648xf32, #tpu.memory_space<vmem>>, vector<16xf32>,
          tpu.vector_store %arg8[%parallel_loop3A_193], %parallel_loop3A_190 {strides = array<i32>} : memref<27648xf32, #tpu.memory_space<vmem>>, vector<16xf32>,
          %parallel_loop3A_195 = arith.constant 11 : i32
          %parallel_loop3A_196 = vector.broadcast %parallel_loop3A_195 : i32 to vector<16xi32>
          %parallel_loop3A_197 = arith.addi %parallel_loop3A_101, %parallel_loop3A_196 : vector<16xi32>
          %parallel_loop3A_198 = tpu.vector_load_idx %arg5[%parallel_loop3A_197] : memref<729xf32, #tpu.memory_space<vmem>>[vector<16xi32>], vector<16xf32>,
          %parallel_loop3A_199 = arith.constant 11264 : i32
          %parallel_loop3A_200 = arith.addi %parallel_loop3A_199, %parallel_loop3A_106 : i32
          %parallel_loop3A_201 = arith.index_cast %parallel_loop3A_200 : i32 to index
          %parallel_loop3A_202 = tpu.vector_load %arg8[%parallel_loop3A_201] {strides = array<i32>} : memref<27648xf32, #tpu.memory_space<vmem>>, vector<16xf32>,
          tpu.vector_store %arg8[%parallel_loop3A_201], %parallel_loop3A_198 {strides = array<i32>} : memref<27648xf32, #tpu.memory_space<vmem>>, vector<16xf32>,
          %parallel_loop3A_203 = arith.constant 12 : i32
          %parallel_loop3A_204 = vector.broadcast %parallel_loop3A_203 : i32 to vector<16xi32>
          %parallel_loop3A_205 = arith.addi %parallel_loop3A_101, %parallel_loop3A_204 : vector<16xi32>
          %parallel_loop3A_206 = tpu.vector_load_idx %arg5[%parallel_loop3A_205] : memref<729xf32, #tpu.memory_space<vmem>>[vector<16xi32>], vector<16xf32>,
          %parallel_loop3A_207 = arith.constant 12288 : i32
          %parallel_loop3A_208 = arith.addi %parallel_loop3A_207, %parallel_loop3A_106 : i32
          %parallel_loop3A_209 = arith.index_cast %parallel_loop3A_208 : i32 to index
          %parallel_loop3A_210 = tpu.vector_load %arg8[%parallel_loop3A_209] {strides = array<i32>} : memref<27648xf32, #tpu.memory_space<vmem>>, vector<16xf32>,
          tpu.vector_store %arg8[%parallel_loop3A_209], %parallel_loop3A_206 {strides = array<i32>} : memref<27648xf32, #tpu.memory_space<vmem>>, vector<16xf32>,
          %parallel_loop3A_211 = arith.constant 13 : i32
          %parallel_loop3A_212 = vector.broadcast %parallel_loop3A_211 : i32 to vector<16xi32>
          %parallel_loop3A_213 = arith.addi %parallel_loop3A_101, %parallel_loop3A_212 : vector<16xi32>
          %parallel_loop3A_214 = tpu.vector_load_idx %arg5[%parallel_loop3A_213] : memref<729xf32, #tpu.memory_space<vmem>>[vector<16xi32>], vector<16xf32>,
          %parallel_loop3A_215 = arith.constant 13312 : i32
          %parallel_loop3A_216 = arith.addi %parallel_loop3A_215, %parallel_loop3A_106 : i32
          %parallel_loop3A_217 = arith.index_cast %parallel_loop3A_216 : i32 to index
          %parallel_loop3A_218 = tpu.vector_load %arg8[%parallel_loop3A_217] {strides = array<i32>} : memref<27648xf32, #tpu.memory_space<vmem>>, vector<16xf32>,
          tpu.vector_store %arg8[%parallel_loop3A_217], %parallel_loop3A_214 {strides = array<i32>} : memref<27648xf32, #tpu.memory_space<vmem>>, vector<16xf32>,
          %parallel_loop3A_219 = arith.constant 14 : i32
          %parallel_loop3A_220 = vector.broadcast %parallel_loop3A_219 : i32 to vector<16xi32>
          %parallel_loop3A_221 = arith.addi %parallel_loop3A_101, %parallel_loop3A_220 : vector<16xi32>
          %parallel_loop3A_222 = tpu.vector_load_idx %arg5[%parallel_loop3A_221] : memref<729xf32, #tpu.memory_space<vmem>>[vector<16xi32>], vector<16xf32>,
          %parallel_loop3A_223 = arith.constant 14336 : i32
          %parallel_loop3A_224 = arith.addi %parallel_loop3A_223, %parallel_loop3A_106 : i32
          %parallel_loop3A_225 = arith.index_cast %parallel_loop3A_224 : i32 to index
          %parallel_loop3A_226 = tpu.vector_load %arg8[%parallel_loop3A_225] {strides = array<i32>} : memref<27648xf32, #tpu.memory_space<vmem>>, vector<16xf32>,
          tpu.vector_store %arg8[%parallel_loop3A_225], %parallel_loop3A_222 {strides = array<i32>} : memref<27648xf32, #tpu.memory_space<vmem>>, vector<16xf32>,
          %parallel_loop3A_227 = arith.constant 15 : i32
          %parallel_loop3A_228 = vector.broadcast %parallel_loop3A_227 : i32 to vector<16xi32>
          %parallel_loop3A_229 = arith.addi %parallel_loop3A_101, %parallel_loop3A_228 : vector<16xi32>
          %parallel_loop3A_230 = tpu.vector_load_idx %arg5[%parallel_loop3A_229] : memref<729xf32, #tpu.memory_space<vmem>>[vector<16xi32>], vector<16xf32>,
          %parallel_loop3A_231 = arith.constant 15360 : i32
          %parallel_loop3A_232 = arith.addi %parallel_loop3A_231, %parallel_loop3A_106 : i32
          %parallel_loop3A_233 = arith.index_cast %parallel_loop3A_232 : i32 to index
          %parallel_loop3A_234 = tpu.vector_load %arg8[%parallel_loop3A_233] {strides = array<i32>} : memref<27648xf32, #tpu.memory_space<vmem>>, vector<16xf32>,
          tpu.vector_store %arg8[%parallel_loop3A_233], %parallel_loop3A_230 {strides = array<i32>} : memref<27648xf32, #tpu.memory_space<vmem>>, vector<16xf32>,
          %parallel_loop3A_235 = arith.constant 16 : i32
          %parallel_loop3A_236 = vector.broadcast %parallel_loop3A_235 : i32 to vector<16xi32>
          %parallel_loop3A_237 = arith.addi %parallel_loop3A_101, %parallel_loop3A_236 : vector<16xi32>
          %parallel_loop3A_238 = tpu.vector_load_idx %arg5[%parallel_loop3A_237] : memref<729xf32, #tpu.memory_space<vmem>>[vector<16xi32>], vector<16xf32>,
          %parallel_loop3A_239 = arith.constant 16384 : i32
          %parallel_loop3A_240 = arith.addi %parallel_loop3A_239, %parallel_loop3A_106 : i32
          %parallel_loop3A_241 = arith.index_cast %parallel_loop3A_240 : i32 to index
          %parallel_loop3A_242 = tpu.vector_load %arg8[%parallel_loop3A_241] {strides = array<i32>} : memref<27648xf32, #tpu.memory_space<vmem>>, vector<16xf32>,
          tpu.vector_store %arg8[%parallel_loop3A_241], %parallel_loop3A_238 {strides = array<i32>} : memref<27648xf32, #tpu.memory_space<vmem>>, vector<16xf32>,
          %parallel_loop3A_243 = arith.constant 17 : i32
          %parallel_loop3A_244 = vector.broadcast %parallel_loop3A_243 : i32 to vector<16xi32>
          %parallel_loop3A_245 = arith.addi %parallel_loop3A_101, %parallel_loop3A_244 : vector<16xi32>
          %parallel_loop3A_246 = tpu.vector_load_idx %arg5[%parallel_loop3A_245] : memref<729xf32, #tpu.memory_space<vmem>>[vector<16xi32>], vector<16xf32>,
          %parallel_loop3A_247 = arith.constant 17408 : i32
          %parallel_loop3A_248 = arith.addi %parallel_loop3A_247, %parallel_loop3A_106 : i32
          %parallel_loop3A_249 = arith.index_cast %parallel_loop3A_248 : i32 to index
          %parallel_loop3A_250 = tpu.vector_load %arg8[%parallel_loop3A_249] {strides = array<i32>} : memref<27648xf32, #tpu.memory_space<vmem>>, vector<16xf32>,
          tpu.vector_store %arg8[%parallel_loop3A_249], %parallel_loop3A_246 {strides = array<i32>} : memref<27648xf32, #tpu.memory_space<vmem>>, vector<16xf32>,
          %parallel_loop3A_251 = arith.constant 18 : i32
          %parallel_loop3A_252 = vector.broadcast %parallel_loop3A_251 : i32 to vector<16xi32>
          %parallel_loop3A_253 = arith.addi %parallel_loop3A_101, %parallel_loop3A_252 : vector<16xi32>
          %parallel_loop3A_254 = tpu.vector_load_idx %arg5[%parallel_loop3A_253] : memref<729xf32, #tpu.memory_space<vmem>>[vector<16xi32>], vector<16xf32>,
          %parallel_loop3A_255 = arith.constant 18432 : i32
          %parallel_loop3A_256 = arith.addi %parallel_loop3A_255, %parallel_loop3A_106 : i32
          %parallel_loop3A_257 = arith.index_cast %parallel_loop3A_256 : i32 to index
          %parallel_loop3A_258 = tpu.vector_load %arg8[%parallel_loop3A_257] {strides = array<i32>} : memref<27648xf32, #tpu.memory_space<vmem>>, vector<16xf32>,
          tpu.vector_store %arg8[%parallel_loop3A_257], %parallel_loop3A_254 {strides = array<i32>} : memref<27648xf32, #tpu.memory_space<vmem>>, vector<16xf32>,
          %parallel_loop3A_259 = arith.constant 19 : i32
          %parallel_loop3A_260 = vector.broadcast %parallel_loop3A_259 : i32 to vector<16xi32>
          %parallel_loop3A_261 = arith.addi %parallel_loop3A_101, %parallel_loop3A_260 : vector<16xi32>
          %parallel_loop3A_262 = tpu.vector_load_idx %arg5[%parallel_loop3A_261] : memref<729xf32, #tpu.memory_space<vmem>>[vector<16xi32>], vector<16xf32>,
          %parallel_loop3A_263 = arith.constant 19456 : i32
          %parallel_loop3A_264 = arith.addi %parallel_loop3A_263, %parallel_loop3A_106 : i32
          %parallel_loop3A_265 = arith.index_cast %parallel_loop3A_264 : i32 to index
          %parallel_loop3A_266 = tpu.vector_load %arg8[%parallel_loop3A_265] {strides = array<i32>} : memref<27648xf32, #tpu.memory_space<vmem>>, vector<16xf32>,
          tpu.vector_store %arg8[%parallel_loop3A_265], %parallel_loop3A_262 {strides = array<i32>} : memref<27648xf32, #tpu.memory_space<vmem>>, vector<16xf32>,
          %parallel_loop3A_267 = arith.constant 20 : i32
          %parallel_loop3A_268 = vector.broadcast %parallel_loop3A_267 : i32 to vector<16xi32>
          %parallel_loop3A_269 = arith.addi %parallel_loop3A_101, %parallel_loop3A_268 : vector<16xi32>
          %parallel_loop3A_270 = tpu.vector_load_idx %arg5[%parallel_loop3A_269] : memref<729xf32, #tpu.memory_space<vmem>>[vector<16xi32>], vector<16xf32>,
          %parallel_loop3A_271 = arith.constant 20480 : i32
          %parallel_loop3A_272 = arith.addi %parallel_loop3A_271, %parallel_loop3A_106 : i32
          %parallel_loop3A_273 = arith.index_cast %parallel_loop3A_272 : i32 to index
          %parallel_loop3A_274 = tpu.vector_load %arg8[%parallel_loop3A_273] {strides = array<i32>} : memref<27648xf32, #tpu.memory_space<vmem>>, vector<16xf32>,
          tpu.vector_store %arg8[%parallel_loop3A_273], %parallel_loop3A_270 {strides = array<i32>} : memref<27648xf32, #tpu.memory_space<vmem>>, vector<16xf32>,
          %parallel_loop3A_275 = arith.constant 21 : i32
          %parallel_loop3A_276 = vector.broadcast %parallel_loop3A_275 : i32 to vector<16xi32>
          %parallel_loop3A_277 = arith.addi %parallel_loop3A_101, %parallel_loop3A_276 : vector<16xi32>
          %parallel_loop3A_278 = tpu.vector_load_idx %arg5[%parallel_loop3A_277] : memref<729xf32, #tpu.memory_space<vmem>>[vector<16xi32>], vector<16xf32>,
          %parallel_loop3A_279 = arith.constant 21504 : i32
          %parallel_loop3A_280 = arith.addi %parallel_loop3A_279, %parallel_loop3A_106 : i32
          %parallel_loop3A_281 = arith.index_cast %parallel_loop3A_280 : i32 to index
          %parallel_loop3A_282 = tpu.vector_load %arg8[%parallel_loop3A_281] {strides = array<i32>} : memref<27648xf32, #tpu.memory_space<vmem>>, vector<16xf32>,
          tpu.vector_store %arg8[%parallel_loop3A_281], %parallel_loop3A_278 {strides = array<i32>} : memref<27648xf32, #tpu.memory_space<vmem>>, vector<16xf32>,
          %parallel_loop3A_283 = arith.constant 22 : i32
          %parallel_loop3A_284 = vector.broadcast %parallel_loop3A_283 : i32 to vector<16xi32>
          %parallel_loop3A_285 = arith.addi %parallel_loop3A_101, %parallel_loop3A_284 : vector<16xi32>
          %parallel_loop3A_286 = tpu.vector_load_idx %arg5[%parallel_loop3A_285] : memref<729xf32, #tpu.memory_space<vmem>>[vector<16xi32>], vector<16xf32>,
          %parallel_loop3A_287 = arith.constant 22528 : i32
          %parallel_loop3A_288 = arith.addi %parallel_loop3A_287, %parallel_loop3A_106 : i32
          %parallel_loop3A_289 = arith.index_cast %parallel_loop3A_288 : i32 to index
          %parallel_loop3A_290 = tpu.vector_load %arg8[%parallel_loop3A_289] {strides = array<i32>} : memref<27648xf32, #tpu.memory_space<vmem>>, vector<16xf32>,
          tpu.vector_store %arg8[%parallel_loop3A_289], %parallel_loop3A_286 {strides = array<i32>} : memref<27648xf32, #tpu.memory_space<vmem>>, vector<16xf32>,
          %parallel_loop3A_291 = arith.constant 23 : i32
          %parallel_loop3A_292 = vector.broadcast %parallel_loop3A_291 : i32 to vector<16xi32>
          %parallel_loop3A_293 = arith.addi %parallel_loop3A_101, %parallel_loop3A_292 : vector<16xi32>
          %parallel_loop3A_294 = tpu.vector_load_idx %arg5[%parallel_loop3A_293] : memref<729xf32, #tpu.memory_space<vmem>>[vector<16xi32>], vector<16xf32>,
          %parallel_loop3A_295 = arith.constant 23552 : i32
          %parallel_loop3A_296 = arith.addi %parallel_loop3A_295, %parallel_loop3A_106 : i32
          %parallel_loop3A_297 = arith.index_cast %parallel_loop3A_296 : i32 to index
          %parallel_loop3A_298 = tpu.vector_load %arg8[%parallel_loop3A_297] {strides = array<i32>} : memref<27648xf32, #tpu.memory_space<vmem>>, vector<16xf32>,
          tpu.vector_store %arg8[%parallel_loop3A_297], %parallel_loop3A_294 {strides = array<i32>} : memref<27648xf32, #tpu.memory_space<vmem>>, vector<16xf32>,
          %parallel_loop3A_299 = arith.constant 24 : i32
          %parallel_loop3A_300 = vector.broadcast %parallel_loop3A_299 : i32 to vector<16xi32>
          %parallel_loop3A_301 = arith.addi %parallel_loop3A_101, %parallel_loop3A_300 : vector<16xi32>
          %parallel_loop3A_302 = tpu.vector_load_idx %arg5[%parallel_loop3A_301] : memref<729xf32, #tpu.memory_space<vmem>>[vector<16xi32>], vector<16xf32>,
          %parallel_loop3A_303 = arith.constant 24576 : i32
          %parallel_loop3A_304 = arith.addi %parallel_loop3A_303, %parallel_loop3A_106 : i32
          %parallel_loop3A_305 = arith.index_cast %parallel_loop3A_304 : i32 to index
          %parallel_loop3A_306 = tpu.vector_load %arg8[%parallel_loop3A_305] {strides = array<i32>} : memref<27648xf32, #tpu.memory_space<vmem>>, vector<16xf32>,
          tpu.vector_store %arg8[%parallel_loop3A_305], %parallel_loop3A_302 {strides = array<i32>} : memref<27648xf32, #tpu.memory_space<vmem>>, vector<16xf32>,
          %parallel_loop3A_307 = arith.constant 25 : i32
          %parallel_loop3A_308 = vector.broadcast %parallel_loop3A_307 : i32 to vector<16xi32>
          %parallel_loop3A_309 = arith.addi %parallel_loop3A_101, %parallel_loop3A_308 : vector<16xi32>
          %parallel_loop3A_310 = tpu.vector_load_idx %arg5[%parallel_loop3A_309] : memref<729xf32, #tpu.memory_space<vmem>>[vector<16xi32>], vector<16xf32>,
          %parallel_loop3A_311 = arith.constant 25600 : i32
          %parallel_loop3A_312 = arith.addi %parallel_loop3A_311, %parallel_loop3A_106 : i32
          %parallel_loop3A_313 = arith.index_cast %parallel_loop3A_312 : i32 to index
          %parallel_loop3A_314 = tpu.vector_load %arg8[%parallel_loop3A_313] {strides = array<i32>} : memref<27648xf32, #tpu.memory_space<vmem>>, vector<16xf32>,
          tpu.vector_store %arg8[%parallel_loop3A_313], %parallel_loop3A_310 {strides = array<i32>} : memref<27648xf32, #tpu.memory_space<vmem>>, vector<16xf32>,
          %parallel_loop3A_315 = arith.constant 26 : i32
          %parallel_loop3A_316 = vector.broadcast %parallel_loop3A_315 : i32 to vector<16xi32>
          %parallel_loop3A_317 = arith.addi %parallel_loop3A_101, %parallel_loop3A_316 : vector<16xi32>
          %parallel_loop3A_318 = tpu.vector_load_idx %arg5[%parallel_loop3A_317] : memref<729xf32, #tpu.memory_space<vmem>>[vector<16xi32>], vector<16xf32>,
          %parallel_loop3A_319 = arith.constant 26624 : i32
          %parallel_loop3A_320 = arith.addi %parallel_loop3A_319, %parallel_loop3A_106 : i32
          %parallel_loop3A_321 = arith.index_cast %parallel_loop3A_320 : i32 to index
          %parallel_loop3A_322 = tpu.vector_load %arg8[%parallel_loop3A_321] {strides = array<i32>} : memref<27648xf32, #tpu.memory_space<vmem>>, vector<16xf32>,
          tpu.vector_store %arg8[%parallel_loop3A_321], %parallel_loop3A_318 {strides = array<i32>} : memref<27648xf32, #tpu.memory_space<vmem>>, vector<16xf32>,
        } {sc.loop_unroll_factor = 1 : i64, sc.parallel_access}
      } {sc.loop_unroll_factor = 1 : i64, sc.parallel_access}
      %shift_right_arithmetic3A_71 = arith.constant 2 : i32
      %shift_right_arithmetic3A_72 = arith.shrsi %add3A_53, %shift_right_arithmetic3A_71 : i32
      %eq3A_73 = arith.constant 6 : i32
      %eq3A_74 = arith.cmpi eq, %shift_right_arithmetic3A_72, %eq3A_73 : i32
      %scan3A_75 = arith.constant 0 : i32
      %scan3A_76 = arith.constant 0 : i32
      %scan3A_77 = arith.constant 27 : i32
      %scan3A_78 = arith.addi %scan3A_76, %scan3A_77 : i32
      %scan3A_79 = arith.constant 1 : i32
      scf.for %scan3A_81 = %scan3A_76 to %scan3A_78 step %scan3A_79  : i32 {
        %not3A = arith.constant true
        %not3A_82 = arith.xori %eq3A_74, %not3A : i1
        %convert_element_type3A_83 = arith.extui %not3A_82 : i1 to i32
        %cond3A_84 = arith.constant 0 : i32
        %cond3A_85 = arith.cmpi ne, %convert_element_type3A_83, %cond3A_84 : i32
        scf.if %cond3A_85 {
          %shift_right_arithmetic3A_89 = arith.constant 2 : i32
          %shift_right_arithmetic3A_90 = arith.shrsi %add3A_53, %shift_right_arithmetic3A_89 : i32
          %and3A_91 = arith.constant 3 : i32
          %and3A_92 = arith.andi %add3A_53, %and3A_91 : i32
          %add3A_93 = arith.addi %mul3A_9, %and3A_92 : i32
          %mul3A_94 = arith.constant 917504 : i32
          %mul3A_95 = arith.muli %scan3A_81, %mul3A_94 : i32
          %mul3A_96 = arith.constant 131072 : i32
          %mul3A_97 = arith.muli %shift_right_arithmetic3A_90, %mul3A_96 : i32
          %add3A_98 = arith.addi %mul3A_95, %mul3A_97 : i32
          %mul3A_99 = arith.constant 1024 : i32
          %mul3A_100 = arith.muli %add3A_93, %mul3A_99 : i32
          %add3A_101 = arith.addi %add3A_98, %mul3A_100 : i32
          %mul3A_102 = arith.constant 1024 : i32
          %mul3A_103 = arith.muli %scan3A_81, %mul3A_102 : i32
          %dma_start3A_104 = tpu.memref_slice %arg8[%mul3A_103] : memref<27648xf32, #tpu.memory_space<vmem>> -> memref<1024xf32, #tpu.memory_space<vmem>>
          %dma_start3A_105 = tpu.memref_slice %arg4[%add3A_101] : memref<24772608xf32, #tpu.memory_space<hbm>> -> memref<1024xf32, #tpu.memory_space<hbm>>
          %dma_start3A_106 = tpu.memref_slice %arg4[%add3A_101] : memref<24772608xf32, #tpu.memory_space<hbm>> -> memref<1024xf32, #tpu.memory_space<hbm>>
          %dma_start3A_107 = tpu.memref_slice %arg8[%mul3A_103] : memref<27648xf32, #tpu.memory_space<vmem>> -> memref<1024xf32, #tpu.memory_space<vmem>>
          tpu.enqueue_dma source(%dma_start3A_107 : memref<1024xf32, #tpu.memory_space<vmem>>) target(%dma_start3A_106 : memref<1024xf32, #tpu.memory_space<hbm>>) target_semaphore(%arg10 : memref<!tpu.dma_semaphore, #tpu.memory_space<semaphore_mem>>)
        } else {
        }
        %convert_element_type3A_86 = arith.extui %eq3A_74 : i1 to i32
        %cond3A_87 = arith.constant 0 : i32
        %cond3A_88 = arith.cmpi ne, %convert_element_type3A_86, %cond3A_87 : i32
        scf.if %cond3A_88 {
          %shift_right_arithmetic3A_89 = arith.constant 2 : i32
          %shift_right_arithmetic3A_90 = arith.shrsi %add3A_53, %shift_right_arithmetic3A_89 : i32
          %and3A_91 = arith.constant 3 : i32
          %and3A_92 = arith.andi %add3A_53, %and3A_91 : i32
          %add3A_93 = arith.addi %mul3A_9, %and3A_92 : i32
          %mul3A_94 = arith.constant 917504 : i32
          %mul3A_95 = arith.muli %scan3A_81, %mul3A_94 : i32
          %mul3A_96 = arith.constant 131072 : i32
          %mul3A_97 = arith.muli %shift_right_arithmetic3A_90, %mul3A_96 : i32
          %add3A_98 = arith.addi %mul3A_95, %mul3A_97 : i32
          %mul3A_99 = arith.constant 1024 : i32
          %mul3A_100 = arith.muli %add3A_93, %mul3A_99 : i32
          %add3A_101 = arith.addi %add3A_98, %mul3A_100 : i32
          %mul3A_102 = arith.constant 1024 : i32
          %mul3A_103 = arith.muli %scan3A_81, %mul3A_102 : i32
          %dma_start3A_104 = tpu.memref_slice %arg8[%mul3A_103] : memref<27648xf32, #tpu.memory_space<vmem>> -> memref<256xf32, #tpu.memory_space<vmem>>
          %dma_start3A_105 = tpu.memref_slice %arg4[%add3A_101] : memref<24772608xf32, #tpu.memory_space<hbm>> -> memref<256xf32, #tpu.memory_space<hbm>>
          %dma_start3A_106 = tpu.memref_slice %arg4[%add3A_101] : memref<24772608xf32, #tpu.memory_space<hbm>> -> memref<256xf32, #tpu.memory_space<hbm>>
          %dma_start3A_107 = tpu.memref_slice %arg8[%mul3A_103] : memref<27648xf32, #tpu.memory_space<vmem>> -> memref<256xf32, #tpu.memory_space<vmem>>
          tpu.enqueue_dma source(%dma_start3A_107 : memref<256xf32, #tpu.memory_space<vmem>>) target(%dma_start3A_106 : memref<256xf32, #tpu.memory_space<hbm>>) target_semaphore(%arg10 : memref<!tpu.dma_semaphore, #tpu.memory_space<semaphore_mem>>)
        } else {
        }
      }
      %scan3A_80 = arith.constant 27 : i32
    }
    %scan3A_14 = arith.constant 14 : i32
    %scan3A_15 = arith.constant 0 : i32
    %scan3A_16 = arith.constant 0 : i32
    %scan3A_17 = arith.constant 27 : i32
    %scan3A_18 = arith.addi %scan3A_16, %scan3A_17 : i32
    %scan3A_19 = arith.constant 1 : i32
    scf.for %scan3A_27 = %scan3A_16 to %scan3A_18 step %scan3A_19  : i32 {
      %not3A = arith.constant true
      %not3A_28 = arith.constant true
      %not3A_29 = arith.xori %not3A, %not3A_28 : i1
      %convert_element_type3A = arith.extui %not3A_29 : i1 to i32
      %cond3A = arith.constant 0 : i32
      %cond3A_30 = arith.cmpi ne, %convert_element_type3A, %cond3A : i32
      scf.if %cond3A_30 {
        %add3A_46 = arith.constant 2 : i32
        %add3A_47 = arith.addi %mul3A_9, %add3A_46 : i32
        %mul3A_48 = arith.constant 917504 : i32
        %mul3A_49 = arith.muli %scan3A_27, %mul3A_48 : i32
        %add3A_50 = arith.constant 786432 : i32
        %add3A_51 = arith.addi %mul3A_49, %add3A_50 : i32
        %mul3A_52 = arith.constant 1024 : i32
        %mul3A_53 = arith.muli %add3A_47, %mul3A_52 : i32
        %add3A_54 = arith.addi %add3A_51, %mul3A_53 : i32
        %mul3A_55 = arith.constant 1024 : i32
        %mul3A_56 = arith.muli %scan3A_27, %mul3A_55 : i32
        %dma_wait3A_57 = tpu.memref_slice %arg7[%mul3A_56] : memref<27648xf32, #tpu.memory_space<vmem>> -> memref<1024xf32, #tpu.memory_space<vmem>>
        %dma_wait3A_58 = tpu.memref_slice %arg4[%add3A_54] : memref<24772608xf32, #tpu.memory_space<hbm>> -> memref<1024xf32, #tpu.memory_space<hbm>>
        %dma_wait3A_59 = tpu.memref_slice %arg4[%add3A_54] : memref<24772608xf32, #tpu.memory_space<hbm>> -> memref<1024xf32, #tpu.memory_space<hbm>>
        %dma_wait3A_60 = tpu.memref_slice %arg7[%mul3A_56] : memref<27648xf32, #tpu.memory_space<vmem>> -> memref<1024xf32, #tpu.memory_space<vmem>>
        tpu.wait_dma2 semaphore(%arg9 : memref<!tpu.dma_semaphore, #tpu.memory_space<semaphore_mem>>) src(%dma_wait3A_60 : memref<1024xf32, #tpu.memory_space<vmem>>) dst(%dma_wait3A_59 : memref<1024xf32, #tpu.memory_space<hbm>>)
      } else {
      }
      %add3A_31 = arith.constant 2 : i32
      %add3A_32 = arith.addi %mul3A_9, %add3A_31 : i32
      %mul3A_33 = arith.constant 917504 : i32
      %mul3A_34 = arith.muli %scan3A_27, %mul3A_33 : i32
      %add3A_35 = arith.constant 786432 : i32
      %add3A_36 = arith.addi %mul3A_34, %add3A_35 : i32
      %mul3A_37 = arith.constant 1024 : i32
      %mul3A_38 = arith.muli %add3A_32, %mul3A_37 : i32
      %add3A_39 = arith.addi %add3A_36, %mul3A_38 : i32
      %mul3A_40 = arith.constant 1024 : i32
      %mul3A_41 = arith.muli %scan3A_27, %mul3A_40 : i32
      %dma_wait3A_42 = tpu.memref_slice %arg7[%mul3A_41] : memref<27648xf32, #tpu.memory_space<vmem>> -> memref<256xf32, #tpu.memory_space<vmem>>
      %dma_wait3A_43 = tpu.memref_slice %arg4[%add3A_39] : memref<24772608xf32, #tpu.memory_space<hbm>> -> memref<256xf32, #tpu.memory_space<hbm>>
      %dma_wait3A_44 = tpu.memref_slice %arg4[%add3A_39] : memref<24772608xf32, #tpu.memory_space<hbm>> -> memref<256xf32, #tpu.memory_space<hbm>>
      %dma_wait3A_45 = tpu.memref_slice %arg7[%mul3A_41] : memref<27648xf32, #tpu.memory_space<vmem>> -> memref<256xf32, #tpu.memory_space<vmem>>
      tpu.wait_dma2 semaphore(%arg9 : memref<!tpu.dma_semaphore, #tpu.memory_space<semaphore_mem>>) src(%dma_wait3A_45 : memref<256xf32, #tpu.memory_space<vmem>>) dst(%dma_wait3A_44 : memref<256xf32, #tpu.memory_space<hbm>>)
    }
    %scan3A_20 = arith.constant 27 : i32
    %scan3A_21 = arith.constant 0 : i32
    %scan3A_22 = arith.constant 0 : i32
    %scan3A_23 = arith.constant 27 : i32
    %scan3A_24 = arith.addi %scan3A_22, %scan3A_23 : i32
    %scan3A_25 = arith.constant 1 : i32
    scf.for %scan3A_27 = %scan3A_22 to %scan3A_24 step %scan3A_25  : i32 {
      %not3A = arith.constant true
      %not3A_28 = arith.constant true
      %not3A_29 = arith.xori %not3A, %not3A_28 : i1
      %convert_element_type3A = arith.extui %not3A_29 : i1 to i32
      %cond3A = arith.constant 0 : i32
      %cond3A_30 = arith.cmpi ne, %convert_element_type3A, %cond3A : i32
      scf.if %cond3A_30 {
        %add3A_46 = arith.constant 3 : i32
        %add3A_47 = arith.addi %mul3A_9, %add3A_46 : i32
        %mul3A_48 = arith.constant 917504 : i32
        %mul3A_49 = arith.muli %scan3A_27, %mul3A_48 : i32
        %add3A_50 = arith.constant 786432 : i32
        %add3A_51 = arith.addi %mul3A_49, %add3A_50 : i32
        %mul3A_52 = arith.constant 1024 : i32
        %mul3A_53 = arith.muli %add3A_47, %mul3A_52 : i32
        %add3A_54 = arith.addi %add3A_51, %mul3A_53 : i32
        %mul3A_55 = arith.constant 1024 : i32
        %mul3A_56 = arith.muli %scan3A_27, %mul3A_55 : i32
        %dma_wait3A_57 = tpu.memref_slice %arg8[%mul3A_56] : memref<27648xf32, #tpu.memory_space<vmem>> -> memref<1024xf32, #tpu.memory_space<vmem>>
        %dma_wait3A_58 = tpu.memref_slice %arg4[%add3A_54] : memref<24772608xf32, #tpu.memory_space<hbm>> -> memref<1024xf32, #tpu.memory_space<hbm>>
        %dma_wait3A_59 = tpu.memref_slice %arg4[%add3A_54] : memref<24772608xf32, #tpu.memory_space<hbm>> -> memref<1024xf32, #tpu.memory_space<hbm>>
        %dma_wait3A_60 = tpu.memref_slice %arg8[%mul3A_56] : memref<27648xf32, #tpu.memory_space<vmem>> -> memref<1024xf32, #tpu.memory_space<vmem>>
        tpu.wait_dma2 semaphore(%arg10 : memref<!tpu.dma_semaphore, #tpu.memory_space<semaphore_mem>>) src(%dma_wait3A_60 : memref<1024xf32, #tpu.memory_space<vmem>>) dst(%dma_wait3A_59 : memref<1024xf32, #tpu.memory_space<hbm>>)
      } else {
      }
      %add3A_31 = arith.constant 3 : i32
      %add3A_32 = arith.addi %mul3A_9, %add3A_31 : i32
      %mul3A_33 = arith.constant 917504 : i32
      %mul3A_34 = arith.muli %scan3A_27, %mul3A_33 : i32
      %add3A_35 = arith.constant 786432 : i32
      %add3A_36 = arith.addi %mul3A_34, %add3A_35 : i32
      %mul3A_37 = arith.constant 1024 : i32
      %mul3A_38 = arith.muli %add3A_32, %mul3A_37 : i32
      %add3A_39 = arith.addi %add3A_36, %mul3A_38 : i32
      %mul3A_40 = arith.constant 1024 : i32
      %mul3A_41 = arith.muli %scan3A_27, %mul3A_40 : i32
      %dma_wait3A_42 = tpu.memref_slice %arg8[%mul3A_41] : memref<27648xf32, #tpu.memory_space<vmem>> -> memref<256xf32, #tpu.memory_space<vmem>>
      %dma_wait3A_43 = tpu.memref_slice %arg4[%add3A_39] : memref<24772608xf32, #tpu.memory_space<hbm>> -> memref<256xf32, #tpu.memory_space<hbm>>
      %dma_wait3A_44 = tpu.memref_slice %arg4[%add3A_39] : memref<24772608xf32, #tpu.memory_space<hbm>> -> memref<256xf32, #tpu.memory_space<hbm>>
      %dma_wait3A_45 = tpu.memref_slice %arg8[%mul3A_41] : memref<27648xf32, #tpu.memory_space<vmem>> -> memref<256xf32, #tpu.memory_space<vmem>>
      tpu.wait_dma2 semaphore(%arg10 : memref<!tpu.dma_semaphore, #tpu.memory_space<semaphore_mem>>) src(%dma_wait3A_45 : memref<256xf32, #tpu.memory_space<vmem>>) dst(%dma_wait3A_44 : memref<256xf32, #tpu.memory_space<hbm>>)
    }
    %scan3A_26 = arith.constant 27 : i32
    return
  }
}

</mosaic_0001>

<sc_bundles>
// kernel: kernel.3.cloned.1.call-start
scs
__scs_entry_jumppad:
0x0: {  	(pc) =	sbr.rel $0x88, $3  }
0x1: {  	(tag) =	ssettag $0x0;
	lr =	simm.s32 $0x1  }
0x2: {  	[smem:$0x3F9F] =	sst lr;
	_ =	strace $0xD0000000  }
0x3: {  	_ = 	snop  }
0x4: {  	_ = 	snop  }
0x5: {  	_ = 	snop  }
0x6: {  	_ = 	snop  }
0x7: {  	_ = 	snop  }
__scs_overlays_trampoline_lowered:
0x8: {  	[smem:$0x3FAE] =	sst s0  }
0x9: {  	[smem:$0x3FAF] =	sst s1  }
0xa: {  	[smem:$0x3FB0] =	sst s2  }
0xb: {  	[smem:$0x3FB1] =	sst s3  }
0xc: {  	[smem:$0x3FB2] =	sst s4  }
0xd: {  	[smem:$0x3FB3] =	sst s5  }
0xe: {  	[smem:$0x3FB4] =	sst s6  }
0xf: {  	[smem:$0x3FB5] =	sst s7  }
0x10: {  	[smem:$0x3FB6] =	sst s8  }
0x11: {  	[smem:$0x3FB7] =	sst s9;
	s0 =	simm.s32 @!p0 $0x0  }
0x12: {  	s1 =	sld [smem:$0x3F9D];
	s0 =	simm.s32 @p0 $0x1  }
0x13: {  	[smem:$0x3FB8] =	sst s0;
	s0 =	simm.s32 @!p1 $0x0  }
0x14: {  	s2 =	sld [smem:$0x3F9C];
	s0 =	simm.s32 @p1 $0x1  }
0x15: {  	[smem:$0x3FB9] =	sst s0;
	s0 =	simm.s32 @!p2 $0x0  }
0x16: {  	s3 =	sld [smem:$0x3FDB];
	s0 =	simm.s32 @p2 $0x1  }
0x17: {  	s4 =	simm.s32 $0x1BF5;
	[smem:$0x3FBB] =	sst s0  }
0x18: {  	s0 =	sld [smem:$0x3F9E];
	_ =	swait.ge [sflag:s4], $0x0  }
0x19: {  	s7 =	sld [smem:$0x3F9F]  }
0x1a: {  	s8 =	sadd.s32 $0xFFFFE003, lr  }
0x1b: {  	s9 =	sadd.s32 $0xFFFFFEF7, lr;
	s5 =	simm.s32 $0xFFFFFFFF;
	p2 =	slt.u32 s8, $0xFFFFF086  }
0x1c: {  	p1 =	slt.u32 s9, $0xF7A;
	s5 =	simm.s32 @!p2 $0x0  }
0x1d: {  	s5 =	simm.s32 @p1 $0x1;
	p0 =	seq.s32 s7, s2  }
0x1e: {  	s7 =	smul.u32 @!p0 $0xF7A, s2;
	p2 =	seq.s32 @!p0 s5, $0x0  }
0x1f: {  	s9 =	smul.u32 $0xF7A, s1;
	s8 =	simm.s32 @!p0 $0x1BF5;
	p2 =	por !p2, p0  }
0x20: {  	[sflag:s8] =	ssyncset.s32 @!p0 $0xFFFFF086;
	s6 =	sadd.s32 @!p0 s3, s7;
	s7 =	simm.s32 @!p0 $0x108  }
0x21: {  	s3 =	sadd.s32 s3, s9;
	s6 =	sadd.s32 @!p0 $0x88, s6;
	s7 =	simm.s32 @p2 $0x1082  }
0x22: {  	[simem:s7], [sflag:s8] =	dma.local @!p0 [hbm:s6], $0xF7A  }
0x23: {  	s9 =	sor.u32 $0xD0000000, s2;
	s6 =	simm.s32 $0x108;
	_ =	swait.ge @!p0 [sflag:s8], $0x0  }
0x24: {  	s3 =	sadd.s32 $0x88, s3;
	s6 =	simm.s32 @!p1 $0x1082;
	[sflag:s4] =	ssyncset.s32 $0xFFFFF086  }
0x25: {  	[simem:s6], [sflag:s4] =	dma.local [hbm:s3], $0xF7A  }
0x26: {  	[smem:$0x3F9F] =	sst s1;
	(tag) =	ssettag s2;
	_ =	strace s9  }
0x27: {  	s1 =	sld [smem:$0x3FAF]  }
0x28: {  	s2 =	sld [smem:$0x3FB0]  }
0x29: {  	s4 =	sld [smem:$0x3FB2]  }
0x2a: {  	p0 =	seq.s32 s5, $0x0;
	s5 =	sld [smem:$0x3FB3]  }
0x2b: {  	s6 =	sld [smem:$0x3FB4]  }
0x2c: {  	s7 =	sld [smem:$0x3FB5]  }
0x2d: {  	s3 =	simm.s32 $0x108;
	s8 =	sld [smem:$0x3FB6]  }
0x2e: {  	s3 =	simm.s32 @!p0 $0x1082;
	s9 =	sld [smem:$0x3FB7]  }
0x2f: {  	lr =	sadd.s32 s0, s3;
	s0 =	sld [smem:$0x3FAE]  }
0x30: {  	s3 =	sld [smem:$0x3FB1]  }
0x31: {  	[smem:$0x3FBA] =	sst s10  }
0x32: {  	s10 =	sld [smem:$0x3FB8];
	_ =	sdelay $0x3  }
0x33: {  	p0 =	seq.s32 s10, $0x1;
	s10 =	sld [smem:$0x3FBA];
	_ =	sdelay $0x3  }
0x34: {  	[smem:$0x3FBA] =	sst s10  }
0x35: {  	s10 =	sld [smem:$0x3FB9];
	_ =	sdelay $0x3  }
0x36: {  	p1 =	seq.s32 s10, $0x1;
	s10 =	sld [smem:$0x3FBA];
	_ =	sdelay $0x3  }
0x37: {  	[smem:$0x3FBA] =	sst s10  }
0x38: {  	s10 =	sld [smem:$0x3FBB]  }
0x39: {  	_ = 	snop;
	(pc) =	sbr.ind lr, $3  }
0x3a: {  	_ = 	snop  }
0x3b: {  	_ = 	snop  }
0x3c: {  	p2 =	seq.s32 s10, $0x1;
	s10 =	sld [smem:$0x3FBA]  }
0x3d: {  	_ =	shalt  }
0x3e: {  	_ =	shalt  }
0x3f: {  	_ =	shalt  }
0x40: {  	_ =	shalt  }
0x41: {  	_ =	shalt  }
0x42: {  	_ =	shalt  }
0x43: {  	_ =	shalt  }
0x44: {  	_ =	shalt  }
0x45: {  	_ =	shalt  }
0x46: {  	_ =	shalt  }
0x47: {  	_ =	shalt  }
0x48: {  	_ =	shalt  }
0x49: {  	_ =	shalt  }
0x4a: {  	_ =	shalt  }
0x4b: {  	_ =	shalt  }
0x4c: {  	_ =	shalt  }
0x4d: {  	_ =	shalt  }
0x4e: {  	_ =	shalt  }
0x4f: {  	_ =	shalt  }
0x50: {  	_ =	shalt  }
0x51: {  	_ =	shalt  }
0x52: {  	_ =	shalt  }
0x53: {  	_ =	shalt  }
0x54: {  	_ =	shalt  }
0x55: {  	_ =	shalt  }
0x56: {  	_ =	shalt  }
0x57: {  	_ =	shalt  }
0x58: {  	_ =	shalt  }
0x59: {  	_ =	shalt  }
0x5a: {  	_ =	shalt  }
0x5b: {  	_ =	shalt  }
0x5c: {  	_ =	shalt  }
0x5d: {  	_ =	shalt  }
0x5e: {  	_ =	shalt  }
0x5f: {  	_ =	shalt  }
0x60: {  	_ =	shalt  }
0x61: {  	_ =	shalt  }
0x62: {  	_ =	shalt  }
0x63: {  	_ =	shalt  }
0x64: {  	_ =	shalt  }
0x65: {  	_ =	shalt  }
0x66: {  	_ =	shalt  }
0x67: {  	_ =	shalt  }
0x68: {  	_ =	shalt  }
0x69: {  	_ =	shalt  }
0x6a: {  	_ =	shalt  }
0x6b: {  	_ =	shalt  }
0x6c: {  	_ =	shalt  }
0x6d: {  	_ =	shalt  }
0x6e: {  	_ =	shalt  }
0x6f: {  	_ =	shalt  }
0x70: {  	_ =	shalt  }
0x71: {  	_ =	shalt  }
0x72: {  	_ =	shalt  }
0x73: {  	_ =	shalt  }
0x74: {  	_ =	shalt  }
0x75: {  	_ =	shalt  }
0x76: {  	_ =	shalt  }
0x77: {  	_ =	shalt  }
0x78: {  	_ =	shalt  }
0x79: {  	_ =	shalt  }
0x7a: {  	_ =	shalt  }
0x7b: {  	_ =	shalt  }
0x7c: {  	_ =	shalt  }
0x7d: {  	_ =	shalt  }
0x7e: {  	_ =	shalt  }
0x7f: {  	_ =	shalt  }
0x80: {  	_ =	shalt  }
0x81: {  	_ =	shalt  }
0x82: {  	_ =	shalt  }
0x83: {  	_ =	shalt  }
0x84: {  	_ =	shalt  }
0x85: {  	_ =	shalt  }
0x86: {  	_ =	shalt  }
0x87: {  	_ =	shalt  }
.Lfunc_end0:
.L_simem_size_0:
called_computation_lowered:
.L_overlay_start_0:
0x88: {  	s2 =	sld [smem:$0x3FD9]  }
0x89: {  	s3 =	sld [smem:$0x3FFE];
	_ =	sdelay $0x1  }
0x8a: {  	s1 =	srdreg.scid  }
0x8b: {  	s0 =	sand.u32 $0x1, s1  }
0x8c: {  	s17 =	sshll.u32 s0, $0xA;
	s2 =	sadd.s32 s3, s2  }
0x8d: {  	s2 =	sadd.s32 s2, s17  }
0x8e: {  	[smem:$0x3FC6] =	sst s2  }
0x8f: {  	_ = 	snop  }
0x90: {  	s2 =	sld [smem:$0x3FD0];
	(tm) =	ssettm $0x1  }
0x91: {  	s18 =	sld [smem:$0x3FFB];
	_ =	sdelay $0x3  }
0x92: {  	_ =	strace s18  }
0x93: {  	s3 =	sld [smem:$0x3FFC];
	_ =	sdelay $0x3  }
0x94: {  	_ =	strace s3  }
0x95: {  	s3 =	sld [smem:$0x3FFD];
	_ =	sdelay $0x3  }
0x96: {  	_ =	strace s3  }
0x97: {  	_ =	strace $0x8FFFFFFF  }
0x98: {  	s19 =	sld [smem:$0x3FDB];
	_ =	sdelay $0x1  }
0x99: {  	s4 =	simm.s32 $_scs_section_size  }
0x9a: {  	s5 =	simm.s32 $_size__tile_overlayer_lowered;
	s6 =	simm.s32 $_tile_overlayer_lowered  }
0x9b: {  	s22 =	simm.s32 $0x1BFF;
	s21 =	sshll.u32 s6, $0x1;
	s3 =	sadd.s32 s4, s19  }
0x9c: {  	s7 =	simm.s32 $0x0;
	s20 =	sshll.u32 s5, $0x1;
	s5 =	sadd.s32 s21, s3  }
0x9d: {  	[timem:s7], [sflag:s22] =	dma.local [hbm:s5], s20  }
0x9e: {  	_ =	swait.ge [sflag:s22], s20  }
0x9f: {  	s4 =	ssub.s32 $0x0, s20;
	[sflag:s22] =	ssyncset.done $0x0  }
0xa0: {  	[sflag:s22] =	ssyncadd.s32 s4;
	_ =	sdelay $0x1  }
0xa1: {  	s23 =	simm.s32 $0x1B8B  }
0xa2: {  	_ =	swait.ge [sflag:s23], $0x1  }
0xa3: {  	[sflag:s23] =	ssyncset.done $0x0  }
0xa4: {  	s25 =	simm.s32 $0x1B8E;
	s24 =	sld [smem:$0x3FFE];
	[sflag:s23] =	ssyncadd.s32 $0xFFFFFFFF  }
0xa5: {  	s26 =	simm.s32 $execute0_lowered;
	[smem:$0x3FD2] =	sst s25  }
0xa6: {  	s5 =	sshll.u32 s26, $0x1;
	_ =	strace $0x80000046;
	[dreg:$0x1] =	wrdreg $0xFFFFFFFF  }
0xa7: {  	s28 =	simm.s32 $_size_execute0_lowered;
	s3 =	sadd.s32 s3, s5;
	[dreg:$0x0] =	wrdreg $0x0  }
0xa8: {  	s5 =	sshll.u32 s28, $0x1;
	[dreg:$0x2] =	wrdreg s3  }
0xa9: {  	[dreg:$0x3] =	wrdreg s5  }
0xaa: {  	[dreg:$0x4] =	wrdreg $0xC0  }
0xab: {  	_ =	task [dreg:s7], $0x5FFFF  }
0xac: {  	[dreg:$0x1] =	wrdreg $0xFFFFFFFF  }
0xad: {  	[dreg:$0x0] =	wrdreg $0x60  }
0xae: {  	[dreg:$0x2] =	wrdreg s24  }
0xaf: {  	[dreg:$0x3] =	wrdreg s2  }
0xb0: {  	[dreg:$0x4] =	wrdreg $0x9  }
0xb1: {  	_ =	task.clear_ibuf [dreg:s7], $0x5FFFF;
	_ =	strace $0x90000046  }
0xb2: {  	s29 =	simm.s32 $0x9;
	_ =	strace $0x80000048  }
0xb3: {  	_ =	swait.ge [sflag:s29], $0x1  }
0xb4: {  	[sflag:s29] =	ssyncadd.s32 $0xFFFFFFFF  }
0xb5: {  	_ =	strace $0x90000048  }
0xb6: {  	_ =	sfence  }
0xb7: {  	s30 =	sld [smem:$0x0];
	_ =	sdelay $0x2  }
0xb8: {  	s31 =	sshll.u32 s1, $0xD;
	s1 =	sshrl.u32 s1, $0x2  }
0xb9: {  	s3 =	sand.u32 $0x4000, s31;
	s1 =	sadd.s32 s1, s30  }
0xba: {  	s0 =	sor.u32 s3, s0;
	s1 =	sshll.u32 s1, $0x11  }
0xbb: {  	s0 =	sor.u32 s1, s0  }
0xbc: {  	s0 =	sadd.s32 $0x8F2B, s0  }
0xbd: {  	[sflag:s0] =	ssyncadd.remote.s32 $0x1  }
0xbe: {  	_ =	sfence.sel $0xFFFF  }
0xbf: {  	[dreg:$0x0] =	wrdreg $0xFFFFFFFF;
	(pc) =	sbr.abs _section_cstart, $3  }
0xc0: {  	[dreg:$0x1] =	wrdreg $0xFFFFFFFF  }
0xc1: {  	_ =	task.clear_ibuf [dreg:s7], $0x2FFFF;
	_ =	strace $0x9FFFFFFF  }
0xc2: {  	(tm) =	ssettm $0x7FFFFFFF  }
0xc3: {  	_ =	shalt  }
tec
execute0_lowered:
.L_overlay_start_1:
0x0: {  	(tag) =	ssettag $0x1  }
0x1: {  	s0 =	srdreg.scid  }
0x2: {  	s7 =	stileid.u32;
	s1 =	rddreg [dreg:$0x0]  }
0x3: {  	s2 =	rddreg [dreg:$0x1];
	s11 =	simm.s32 $0x300;
	s0 =	sand.u32 $0x1, s0  }
0x4: {  	s3 =	sshll.u32 s7, $0x1;
	s24 =	sshll.u32 s7, $0x3;
	s25 =	sshll.u32 s7, $0xA  }
0x5: {  	s29 =	sshll.u32 s7, $0xD;
	s4 =	sor.u32 s0, s3;
	s5 =	ssub.s32 $0x2, s0  }
0x6: {  	s26 =	sshll.u32 s0, $0x2;
	s28 =	sshll.u32 s0, $0x9;
	s0 =	sshll.u32 s0, $0xC  }
0x7: {  	s3 =	simm.s32 $0x0;
	s4 =	smul.u32 $0xC80, s4;
	s0 =	sor.u32 s0, s29  }
0x8: {  	[smem:$0x7FF] =	sst s3;
	s6 =	sshrl.u32 s5, $0x1;
	s31 =	sor.u32 $0x400, s0  }
0x9: {  	_ =	strace $0x80000047;
	s0 =	sor.u32 $0xC0400, s0;
	[dreg:$0x8] =	wrdreg s31  }
0xa: {  	s4 =	sadd.s32 s4, s1;
	s1 =	sadd.s32 $0x400, s1;
	[dreg:$0x9] =	wrdreg s0  }
0xb: {  	s23 =	ssub.s32 s5, s6;
	[dreg:$0x3] =	wrdreg s1;
	s4 =	sadd.s32 $0x600, s4  }
0xc: {  	s1 =	smax.u32 s23, $0x1;
	[dreg:$0x4] =	wrdreg s4;
	s4 =	sadd.s32 s25, s2  }
0xd: {  	v0 =	vlaneseq.u32;
	[dreg:$0x5] =	wrdreg s1;
	s1 =	sor.u32 s26, s24;
	s4 =	sadd.s32 s28, s4  }
0xe: {  	s12 =	simm.s32 $0x1;
	v0 =	vmul.u32 $0x32, v0;
	[dreg:$0x6] =	wrdreg s1;
	s30 =	sadd.s32 $0x18000, s4  }
0xf: {  	s13 =	simm.s32 $0x2;
	s1 =	simm.s32 $0x0;
	[dreg:$0x7] =	wrdreg s30  }
.LBB2_1:
0x10: {  	[dreg:$0xa] =	wrdreg s1  }
0x11: {  	s0 =	rddreg [dreg:$0x3]  }
0x12: {  	[tilespmem:s3], [sflag:$0x1] =	stream.linear.gather [hbm4b:s0+s3], $0x300, $0x38;
	[tilespmem:$0x13F00] =	vst v63  }
0x13: {  	s31 =	rddreg [dreg:$0x4]  }
0x14: {  	[tilespmem:s11], [sflag:$0x2] =	stream.linear.gather [hbm4b:s31+s3], $0x6400, $0x38;
	[tilespmem:$0x13F00] =	vst v63  }
0x15: {  	_ =	swait.ge [sflag:s12], $0x300  }
0x16: {  	[sflag:s12] =	ssyncset.done $0x0  }
0x17: {  	p0 =	por $0x0, $0x0;
	[sflag:s12] =	ssyncadd.s32 $0xFFFFFD00  }
0x18: {  	s0 =	simm.s32 @!p0 $0x0;
	_ =	swait.ge [sflag:s13], $0x6400  }
0x19: {  	s0 =	simm.s32 @p0 $0x1;
	[sflag:s13] =	ssyncset.done $0x0  }
0x1a: {  	s15 =	simm.s32 $0x0;
	[smem:$0x7FD] =	sst s0;
	[sflag:s13] =	ssyncadd.s32 $0xFFFF9C00  }
.LBB2_2:
0x1b: {  	p0 =	seq.s32 s15, $0x0  }
.Ltmp0:
0x1c: {  	_ = 	snop;
	(pc) =	sbr.rel @p0 .LBB2_6-.Ltmp0, $4  }
0x1d: {  	_ = 	snop  }
0x1e: {  	s0 =	simm.s32 @!p0 $0x0  }
0x1f: {  	s0 =	simm.s32 @p0 $0x1  }
0x20: {  	s20 =	sshll.u32 s15, $0x1;
	[smem:$0x7FC] =	sst s0  }
0x21: {  	s0 =	sadd.s32 $0xFFFFFFFE, s20  }
0x22: {  	s0 =	sand.u32 $0xFFFFFFFC, s0  }
0x23: {  	p0 =	seq.s32 s0, $0x18  }
0x24: {  	s0 =	simm.s32 @p0 $0x1  }
0x25: {  	_ =	swait.ge @p0 [sflag:s0], $0x100  }
0x26: {  	[sflag:s0] =	ssyncset.done @p0 $0x0  }
0x27: {  	s1 =	simm.s32 @!p0 $0x1;
	[sflag:s0] =	ssyncadd.s32 @p0 $0xFFFFFF00  }
0x28: {  	_ =	swait.ge @!p0 [sflag:s1], $0x400  }
0x29: {  	s4 =	simm.s32 $0x19;
	[sflag:s1] =	ssyncset.done @!p0 $0x0  }
.LBB2_4:
0x2a: {  	s4 =	sadd.s32 $0xFFFFFFFF, s4  }
0x2b: {  	[sflag:s1] =	ssyncadd.s32 @!p0 $0xFFFFFC00;
	p1 =	sne.s32 s4, $0x0  }
.Ltmp1:
0x2c: {  	_ =	swait.ge @p0 [sflag:s0], $0x100;
	(pc) =	sbr.rel @p1 .LBB2_4-.Ltmp1, $4  }
0x2d: {  	[sflag:s0] =	ssyncset.done @p0 $0x0  }
0x2e: {  	[sflag:s0] =	ssyncadd.s32 @p0 $0xFFFFFF00  }
0x2f: {  	_ =	swait.ge @!p0 [sflag:s1], $0x400  }
0x30: {  	[sflag:s1] =	ssyncset.done @!p0 $0x0  }
0x31: {  	s0 =	simm.s32 @p0 $0x1;
	[sflag:s1] =	ssyncadd.s32 @!p0 $0xFFFFFC00  }
0x32: {  	_ =	swait.ge @p0 [sflag:s0], $0x100  }
0x33: {  	[sflag:s0] =	ssyncset.done @p0 $0x0  }
0x34: {  	[sflag:s0] =	ssyncadd.s32 @p0 $0xFFFFFF00;
	s0 =	simm.s32 @!p0 $0x1  }
0x35: {  	_ =	swait.ge @!p0 [sflag:s0], $0x400  }
0x36: {  	[sflag:s0] =	ssyncset.done @!p0 $0x0  }
0x37: {  	[sflag:s0] =	ssyncadd.s32 @!p0 $0xFFFFFC00  }
.LBB2_6:
0x38: {  	s5 =	sld [smem:$0x7FD]  }
0x39: {  	s26 =	rddreg [dreg:$0x8]  }
0x3a: {  	s28 =	rddreg [dreg:$0x6]  }
0x3b: {  	s0 =	sshrl.u32 s15, $0x1;
	s29 =	rddreg [dreg:$0x9]  }
0x3c: {  	s1 =	simm.s32 $0x1;
	s31 =	rddreg [dreg:$0x7];
	s24 =	simm.s32 $0x2  }
0x3d: {  	s25 =	simm.s32 $0x0;
	s4 =	sshll.u32 s0, $0x11;
	p0 =	seq.s32 s5, $0x1  }
0x3e: {  	s8 =	sshll.u32 s0, $0x3;
	s5 =	sor.u32 s4, s26;
	s1 =	simm.s32 @!p0 $0x0  }
0x3f: {  	p0 =	seq.s32 s0, $0x6;
	s6 =	sshll.u32 s1, $0xB;
	s7 =	sshll.u32 s1, $0x1  }
0x40: {  	s30 =	smul.u32 $0x3200, s1;
	s1 =	sshll.u32 s1, $0x8;
	s5 =	sadd.s32 s6, s5  }
0x41: {  	s0 =	simm.s32 @!p0 $0x0;
	s24 =	simm.s32 @!p0 $0x8;
	s5 =	sshrl.u32 s5, $0x3  }
0x42: {  	s6 =	sadd.s32 s6, s29;
	s16 =	sadd.s32 s5, s2;
	s5 =	sadd.s32 s7, s28  }
0x43: {  	s22 =	sadd.s32 s1, s31;
	s0 =	simm.s32 @p0 $0x1;
	s5 =	sshll.u32 s5, $0xA  }
0x44: {  	s6 =	sshrl.u32 s6, $0x3;
	s23 =	sadd.s32 s8, s30;
	s4 =	sadd.s32 s5, s4  }
0x45: {  	[smem:$0x7FB] =	sst s0;
	s17 =	sadd.s32 s6, s2;
	s4 =	sshrl.u32 s4, $0x3  }
0x46: {  	s18 =	sadd.s32 $0x1900, s23;
	s7 =	simm.s32 $0x6700;
	s21 =	sadd.s32 s4, s2  }
.LBB2_7:
0x47: {  	v1 =	vadd.s32 s23, v0;
	_ =	sdelay $0x4  }
0x48: {  	v1 =	vld.idx.msk [tilespmem:v1+s11+$0x0], $0xffff;
	_ =	sdelay $0x4  }
0x49: {  	v1 =	vmul.u32 $0x1B, v1;
	_ =	sdelay $0x5  }
0x4a: {  	v2 =	vld.idx.msk [tilespmem:v1+s3+$0x0], $0xffff  }
0x4b: {  	v3 =	vadd.s32 $0x1, v1;
	_ =	sdelay $0x1  }
0x4c: {  	p0 =	por $0x0, $0x0  }
0x4d: {  	s0 =	simm.s32 @!p0 $0x0  }
0x4e: {  	p2 =	seq.s32 s24, $0x1;
	s0 =	simm.s32 @p0 $0x1;
	p0 =	por $0x0, $0x0;
	[tilespmem:s7+$0x0] =	vst v2  }
.Ltmp2:
0x4f: {  	v18 =	vld.idx.msk [tilespmem:v3+s3+$0x0], $0xffff;
	[smem:$0x7F8] =	sst s0;
	s0 =	simm.s32 @!p0 $0x0;
	(pc) =	sbr.rel @p2 .LBB2_8-.Ltmp2, $4  }
0x50: {  	s0 =	simm.s32 @p0 $0x1  }
0x51: {  	s19 =	sadd.s32 $0xFFFFFFFF, s24;
	[smem:$0x7F9] =	sst s0;
	s0 =	simm.s32 @!p2 $0x0  }
0x52: {  	s1 =	sadd.s32 $0x1, s23;
	p4 =	por $0x0, $0x0;
	s0 =	simm.s32 @p2 $0x1  }
0x53: {  	p1 =	por $0x0, $0x0;
	p3 =	por $0x0, $0x0;
	v23 =	vadd.s32 $0x2, v1;
	[smem:$0x7FA] =	sst s0  }
0x54: {  	_ = 	snop  }
0x55: {  	v2 =	vadd.s32 s1, v0;
	_ =	sdelay $0x1  }
0x56: {  	[tilespmem:s7+$0x400] =	vst v18  }
0x57: {  	v3 =	vld.idx.msk [tilespmem:v23+s3+$0x0], $0xffff  }
0x58: {  	v4 =	vadd.s32 $0x3, v1  }
0x59: {  	v2 =	vld.idx.msk [tilespmem:v2+s11+$0x0], $0xffff;
	_ =	sdelay $0x2  }
0x5a: {  	[tilespmem:s7+$0x800] =	vst v3  }
0x5b: {  	v3 =	vld.idx.msk [tilespmem:v4+s3+$0x0], $0xffff  }
0x5c: {  	v63 =	vadd.s32 $0x4, v1;
	v2 =	vmul.u32 $0x1B, v2;
	_ =	sdelay $0x3  }
0x5d: {  	[tilespmem:s7+$0xC00] =	vst v3  }
0x5e: {  	v4 =	vld.idx.msk [tilespmem:v63+s3+$0x0], $0xffff  }
0x5f: {  	v6 =	vadd.s32 $0x5, v1;
	v3 =	vld.idx.msk [tilespmem:v2+s3+$0x0], $0xffff  }
0x60: {  	p2 =	seq.s32 s19, $0x1;
	v5 =	vadd.s32 $0x1, v2  }
.Ltmp3:
0x61: {  	_ = 	snop;
	(pc) =	sbr.rel @p2 .LBB2_20-.Ltmp3, $4  }
0x62: {  	_ = 	snop  }
0x63: {  	s5 =	sadd.s32 $0x80, s7;
	[tilespmem:s7+$0x1000] =	vst v4  }
0x64: {  	v19 =	vld.idx.msk [tilespmem:v6+s3+$0x0], $0xffff;
	[tilespmem:s5+$0x0] =	vst v3  }
0x65: {  	s0 =	sadd.s32 $0xFFFFFFFF, s19;
	s1 =	sadd.s32 $0x1, s1;
	v27 =	vadd.s32 $0x6, v1;
	p4 =	por $0x1, $0x1;
	v23 =	vadd.s32 $0x2, v2;
	v18 =	vld.idx.msk [tilespmem:v5+s3+$0x0], $0xffff  }
0x66: {  	_ = 	snop  }
0x67: {  	v3 =	vadd.s32 s1, v0;
	_ =	sdelay $0x1  }
0x68: {  	[tilespmem:s7+$0x1400] =	vst v19  }
0x69: {  	[tilespmem:s5+$0x400] =	vst v18;
	v5 =	vld.idx.msk [tilespmem:v27+s3+$0x0], $0xffff  }
0x6a: {  	v4 =	vld.idx.msk [tilespmem:v23+s3+$0x0], $0xffff  }
0x6b: {  	v7 =	vadd.s32 $0x7, v1;
	v3 =	vld.idx.msk [tilespmem:v3+s11+$0x0], $0xffff  }
0x6c: {  	v6 =	vadd.s32 $0x3, v2;
	_ =	sdelay $0x2  }
0x6d: {  	[tilespmem:s7+$0x1800] =	vst v5  }
0x6e: {  	[tilespmem:s5+$0x800] =	vst v4;
	v4 =	vmul.u32 $0x1B, v3;
	v5 =	vld.idx.msk [tilespmem:v7+s3+$0x0], $0xffff  }
0x6f: {  	v3 =	vld.idx.msk [tilespmem:v6+s3+$0x0], $0xffff  }
0x70: {  	v7 =	vadd.s32 $0x8, v1  }
0x71: {  	v6 =	vadd.s32 $0x4, v2;
	_ =	sdelay $0x1  }
0x72: {  	[tilespmem:s7+$0x1C00] =	vst v5  }
0x73: {  	[tilespmem:s5+$0xC00] =	vst v3;
	v3 =	vld.idx.msk [tilespmem:v4+s3+$0x0], $0xffff  }
0x74: {  	v7 =	vld.idx.msk [tilespmem:v7+s3+$0x0], $0xffff  }
0x75: {  	v5 =	vld.idx.msk [tilespmem:v6+s3+$0x0], $0xffff;
	v6 =	vadd.s32 $0x1, v4  }
0x76: {  	v9 =	vadd.s32 $0x9, v1  }
0x77: {  	v8 =	vadd.s32 $0x5, v2;
	p2 =	seq.s32 s0, $0x1  }
.Ltmp4:
0x78: {  	s4 =	sadd.s32 $0x80, s5;
	(pc) =	sbr.rel @p2 .LBB2_22-.Ltmp4, $4  }
0x79: {  	[tilespmem:s4+$0x0] =	vst v3  }
0x7a: {  	[tilespmem:s7+$0x2000] =	vst v7;
	v18 =	vld.idx.msk [tilespmem:v6+s3+$0x0], $0xffff  }
0x7b: {  	[tilespmem:s5+$0x1000] =	vst v5;
	v26 =	vld.idx.msk [tilespmem:v9+s3+$0x0], $0xffff  }
0x7c: {  	s0 =	sadd.s32 $0xFFFFFFFF, s0;
	s1 =	sadd.s32 $0x1, s1;
	p1 =	por $0x1, $0x1;
	v27 =	vadd.s32 $0x6, v2;
	v23 =	vadd.s32 $0x2, v4;
	v19 =	vld.idx.msk [tilespmem:v8+s3+$0x0], $0xffff  }
0x7d: {  	v3 =	vadd.s32 s1, v0;
	_ =	sdelay $0x1  }
0x7e: {  	v5 =	vadd.s32 $0xA, v1  }
0x7f: {  	[tilespmem:s4+$0x400] =	vst v18  }
0x80: {  	v6 =	vld.idx.msk [tilespmem:v23+s3+$0x0], $0xffff  }
0x81: {  	[tilespmem:s5+$0x1400] =	vst v19;
	v3 =	vld.idx.msk [tilespmem:v3+s11+$0x0], $0xffff  }
0x82: {  	v8 =	vadd.s32 $0x3, v4;
	[tilespmem:s7+$0x2400] =	vst v26;
	v7 =	vld.idx.msk [tilespmem:v27+s3+$0x0], $0xffff  }
0x83: {  	v9 =	vadd.s32 $0x7, v2;
	v10 =	vld.idx.msk [tilespmem:v5+s3+$0x0], $0xffff  }
0x84: {  	v11 =	vadd.s32 $0xB, v1;
	_ =	sdelay $0x1  }
0x85: {  	[tilespmem:s4+$0x800] =	vst v6;
	v5 =	vmul.u32 $0x1B, v3  }
0x86: {  	v3 =	vld.idx.msk [tilespmem:v8+s3+$0x0], $0xffff;
	[tilespmem:s5+$0x1800] =	vst v7  }
0x87: {  	[tilespmem:s7+$0x2800] =	vst v10;
	v7 =	vadd.s32 $0x4, v4;
	v6 =	vld.idx.msk [tilespmem:v9+s3+$0x0], $0xffff  }
0x88: {  	v60 =	vadd.s32 $0x8, v2;
	v59 =	vld.idx.msk [tilespmem:v11+s3+$0x0], $0xffff  }
0x89: {  	v61 =	vadd.s32 $0xC, v1;
	_ =	sdelay $0x1  }
0x8a: {  	[tilespmem:s4+$0xC00] =	vst v3;
	v3 =	vld.idx.msk [tilespmem:v5+s3+$0x0], $0xffff  }
0x8b: {  	[tilespmem:s5+$0x1C00] =	vst v6;
	v6 =	vld.idx.msk [tilespmem:v7+s3+$0x0], $0xffff;
	v7 =	vadd.s32 $0x1, v5  }
0x8c: {  	v62 =	vadd.s32 $0x5, v4;
	[tilespmem:s7+$0x2C00] =	vst v59;
	v9 =	vld.idx.msk [tilespmem:v60+s3+$0x0], $0xffff  }
0x8d: {  	v63 =	vadd.s32 $0x9, v2;
	v10 =	vld.idx.msk [tilespmem:v61+s3+$0x0], $0xffff  }
0x8e: {  	s14 =	sadd.s32 $0x80, s4;
	v12 =	vadd.s32 $0xD, v1;
	p2 =	seq.s32 s0, $0x1  }
.Ltmp5:
0x8f: {  	[tilespmem:s14+$0x0] =	vst v3;
	(pc) =	sbr.rel @p2 .LBB2_24-.Ltmp5, $4  }
0x90: {  	[tilespmem:s4+$0x1000] =	vst v6;
	v18 =	vld.idx.msk [tilespmem:v7+s3+$0x0], $0xffff  }
0x91: {  	v19 =	vld.idx.msk [tilespmem:v62+s3+$0x0], $0xffff;
	[tilespmem:s5+$0x2000] =	vst v9  }
0x92: {  	[tilespmem:s7+$0x3000] =	vst v10;
	v26 =	vld.idx.msk [tilespmem:v63+s3+$0x0], $0xffff  }
0x93: {  	s0 =	sadd.s32 $0xFFFFFFFF, s0;
	s1 =	sadd.s32 $0x1, s1;
	p3 =	por $0x1, $0x1;
	v27 =	vadd.s32 $0x6, v4;
	v23 =	vadd.s32 $0x2, v5;
	v31 =	vld.idx.msk [tilespmem:v12+s3+$0x0], $0xffff  }
0x94: {  	p0 =	por $0x0, $0x0  }
0x95: {  	v3 =	vadd.s32 s1, v0;
	s6 =	simm.s32 @!p0 $0x0  }
0x96: {  	s6 =	simm.s32 @p0 $0x1  }
0x97: {  	v6 =	vadd.s32 $0xA, v2;
	[smem:$0x7F7] =	sst s6  }
0x98: {  	v7 =	vadd.s32 $0xE, v1;
	[tilespmem:s14+$0x400] =	vst v18  }
0x99: {  	v8 =	vld.idx.msk [tilespmem:v23+s3+$0x0], $0xffff  }
0x9a: {  	[tilespmem:s4+$0x1400] =	vst v19;
	v3 =	vld.idx.msk [tilespmem:v3+s11+$0x0], $0xffff  }
0x9b: {  	v11 =	vadd.s32 $0x3, v5;
	[tilespmem:s5+$0x2400] =	vst v26;
	v9 =	vld.idx.msk [tilespmem:v27+s3+$0x0], $0xffff  }
0x9c: {  	v12 =	vadd.s32 $0x7, v4;
	[tilespmem:s7+$0x3400] =	vst v31;
	v6 =	vld.idx.msk [tilespmem:v6+s3+$0x0], $0xffff  }
0x9d: {  	v13 =	vadd.s32 $0xB, v2;
	v7 =	vld.idx.msk [tilespmem:v7+s3+$0x0], $0xffff  }
0x9e: {  	v14 =	vadd.s32 $0xF, v1  }
0x9f: {  	[tilespmem:s14+$0x800] =	vst v8;
	v10 =	vmul.u32 $0x1B, v3  }
0xa0: {  	[tilespmem:s4+$0x1800] =	vst v9;
	v3 =	vld.idx.msk [tilespmem:v11+s3+$0x0], $0xffff  }
0xa1: {  	[tilespmem:s5+$0x2800] =	vst v6;
	v6 =	vadd.s32 $0x4, v5;
	v8 =	vld.idx.msk [tilespmem:v12+s3+$0x0], $0xffff  }
0xa2: {  	[tilespmem:s7+$0x3800] =	vst v7;
	v7 =	vadd.s32 $0x8, v4;
	v9 =	vld.idx.msk [tilespmem:v13+s3+$0x0], $0xffff  }
0xa3: {  	v61 =	vadd.s32 $0xC, v2;
	v11 =	vld.idx.msk [tilespmem:v14+s3+$0x0], $0xffff  }
0xa4: {  	v62 =	vadd.s32 $0x10, v1  }
0xa5: {  	[tilespmem:s14+$0xC00] =	vst v3;
	v3 =	vld.idx.msk [tilespmem:v10+s3+$0x0], $0xffff  }
0xa6: {  	[tilespmem:s4+$0x1C00] =	vst v8;
	v8 =	vadd.s32 $0x1, v10;
	v6 =	vld.idx.msk [tilespmem:v6+s3+$0x0], $0xffff  }
0xa7: {  	[tilespmem:s5+$0x2C00] =	vst v9;
	v9 =	vadd.s32 $0x5, v5;
	v7 =	vld.idx.msk [tilespmem:v7+s3+$0x0], $0xffff  }
0xa8: {  	[tilespmem:s7+$0x3C00] =	vst v11;
	v11 =	vadd.s32 $0x9, v4;
	v12 =	vld.idx.msk [tilespmem:v61+s3+$0x0], $0xffff  }
0xa9: {  	s8 =	sadd.s32 $0x80, s14;
	v63 =	vadd.s32 $0xD, v2;
	p2 =	seq.s32 s0, $0x1;
	v13 =	vld.idx.msk [tilespmem:v62+s3+$0x0], $0xffff  }
.Ltmp6:
0xaa: {  	[tilespmem:s8+$0x0] =	vst v3;
	(pc) =	sbr.rel @p2 .LBB2_26-.Ltmp6, $4  }
0xab: {  	v18 =	vld.idx.msk [tilespmem:v8+s3+$0x0], $0xffff;
	[tilespmem:s14+$0x1000] =	vst v6  }
0xac: {  	[tilespmem:s4+$0x2000] =	vst v7;
	v19 =	vld.idx.msk [tilespmem:v9+s3+$0x0], $0xffff  }
0xad: {  	[tilespmem:s5+$0x3000] =	vst v12;
	v26 =	vld.idx.msk [tilespmem:v11+s3+$0x0], $0xffff  }
0xae: {  	s0 =	sadd.s32 $0xFFFFFFFF, s0;
	s1 =	sadd.s32 $0x1, s1;
	v27 =	vadd.s32 $0x6, v5;
	v23 =	vadd.s32 $0x2, v10;
	[tilespmem:s7+$0x4000] =	vst v13;
	v31 =	vld.idx.msk [tilespmem:v63+s3+$0x0], $0xffff  }
0xaf: {  	_ = 	snop  }
0xb0: {  	v3 =	vadd.s32 s1, v0  }
0xb1: {  	v7 =	vadd.s32 $0xE, v2  }
0xb2: {  	v6 =	vadd.s32 $0xA, v4;
	[tilespmem:s8+$0x400] =	vst v18  }
0xb3: {  	v8 =	vld.idx.msk [tilespmem:v23+s3+$0x0], $0xffff;
	[tilespmem:s14+$0x1400] =	vst v19  }
0xb4: {  	v11 =	vld.idx.msk [tilespmem:v27+s3+$0x0], $0xffff  }
0xb5: {  	v13 =	vadd.s32 $0x7, v5;
	[tilespmem:s5+$0x3400] =	vst v31;
	v3 =	vld.idx.msk [tilespmem:v3+s11+$0x0], $0xffff  }
0xb6: {  	[tilespmem:s4+$0x2400] =	vst v26;
	v7 =	vld.idx.msk [tilespmem:v7+s3+$0x0], $0xffff  }
0xb7: {  	v12 =	vadd.s32 $0x3, v10;
	v6 =	vld.idx.msk [tilespmem:v6+s3+$0x0], $0xffff  }
0xb8: {  	v14 =	vadd.s32 $0xB, v4  }
0xb9: {  	v15 =	vadd.s32 $0xF, v2;
	[tilespmem:s14+$0x1800] =	vst v11  }
0xba: {  	v16 =	vadd.s32 $0x11, v1;
	[tilespmem:s8+$0x800] =	vst v8;
	v8 =	vld.idx.msk [tilespmem:v13+s3+$0x0], $0xffff  }
0xbb: {  	v9 =	vmul.u32 $0x1B, v3;
	[tilespmem:s5+$0x3800] =	vst v7;
	v7 =	vadd.s32 $0x8, v5  }
0xbc: {  	v3 =	vld.idx.msk [tilespmem:v12+s3+$0x0], $0xffff;
	[tilespmem:s4+$0x2800] =	vst v6  }
0xbd: {  	v6 =	vadd.s32 $0x4, v10;
	v11 =	vld.idx.msk [tilespmem:v14+s3+$0x0], $0xffff  }
0xbe: {  	v60 =	vadd.s32 $0xC, v4;
	v59 =	vld.idx.msk [tilespmem:v15+s3+$0x0], $0xffff  }
0xbf: {  	v61 =	vld.idx.msk [tilespmem:v16+s3+$0x0], $0xffff;
	v15 =	vadd.s32 $0x10, v2;
	[tilespmem:s14+$0x1C00] =	vst v8  }
0xc0: {  	v7 =	vld.idx.msk [tilespmem:v7+s3+$0x0], $0xffff  }
0xc1: {  	v16 =	vadd.s32 $0x12, v1;
	[tilespmem:s8+$0xC00] =	vst v3;
	v3 =	vld.idx.msk [tilespmem:v9+s3+$0x0], $0xffff  }
0xc2: {  	v62 =	vadd.s32 $0x9, v5;
	v6 =	vld.idx.msk [tilespmem:v6+s3+$0x0], $0xffff;
	[tilespmem:s4+$0x2C00] =	vst v11  }
0xc3: {  	v17 =	vadd.s32 $0x1, v9;
	[tilespmem:s5+$0x3C00] =	vst v59;
	v13 =	vld.idx.msk [tilespmem:v60+s3+$0x0], $0xffff  }
0xc4: {  	[tilespmem:s7+$0x4400] =	vst v61;
	v11 =	vadd.s32 $0x5, v10;
	v63 =	vld.idx.msk [tilespmem:v15+s3+$0x0], $0xffff  }
0xc5: {  	s26 =	sadd.s32 $0x80, s8;
	p2 =	seq.s32 s0, $0x1;
	v15 =	vadd.s32 $0xD, v4;
	[tilespmem:s14+$0x2000] =	vst v7  }
.Ltmp7:
0xc6: {  	v8 =	vld.idx.msk [tilespmem:v16+s3+$0x0], $0xffff;
	[tilespmem:s26+$0x0] =	vst v3;
	(pc) =	sbr.rel @p2 .LBB2_28-.Ltmp7, $4  }
0xc7: {  	p0 =	por $0x1, $0x1;
	[tilespmem:s8+$0x1000] =	vst v6;
	v26 =	vld.idx.msk [tilespmem:v62+s3+$0x0], $0xffff  }
0xc8: {  	s6 =	sadd.s32 $0x1, s1;
	s1 =	simm.s32 @!p0 $0x0;
	v18 =	vld.idx.msk [tilespmem:v17+s3+$0x0], $0xffff;
	[tilespmem:s4+$0x3000] =	vst v13  }
0xc9: {  	s1 =	simm.s32 @p0 $0x1;
	v19 =	vld.idx.msk [tilespmem:v11+s3+$0x0], $0xffff;
	[tilespmem:s5+$0x4000] =	vst v63  }
0xca: {  	s0 =	sadd.s32 $0xFFFFFFFF, s0;
	v27 =	vadd.s32 $0x6, v10;
	v23 =	vadd.s32 $0x2, v9;
	v11 =	vadd.s32 $0x13, v1;
	v16 =	vld.idx.msk [tilespmem:v15+s3+$0x0], $0xffff;
	[smem:$0x7F8] =	sst s1  }
0xcb: {  	_ =	sdelay $0x1  }
0xcc: {  	v3 =	vadd.s32 s6, v0  }
0xcd: {  	[tilespmem:s7+$0x4800] =	vst v8;
	v6 =	vadd.s32 $0xA, v5  }
0xce: {  	v12 =	vadd.s32 $0xE, v4;
	v7 =	vld.idx.msk [tilespmem:v11+s3+$0x0], $0xffff;
	[tilespmem:s26+$0x400] =	vst v18  }
0xcf: {  	v14 =	vadd.s32 $0x14, v1;
	v13 =	vld.idx.msk [tilespmem:v23+s3+$0x0], $0xffff;
	[tilespmem:s8+$0x1400] =	vst v19  }
0xd0: {  	v17 =	vadd.s32 $0x3, v9;
	v15 =	vld.idx.msk [tilespmem:v27+s3+$0x0], $0xffff  }
0xd1: {  	[tilespmem:s14+$0x2400] =	vst v26;
	v18 =	vadd.s32 $0x7, v10;
	v3 =	vld.idx.msk [tilespmem:v3+s11+$0x0], $0xffff  }
0xd2: {  	v19 =	vadd.s32 $0x11, v2;
	[tilespmem:s4+$0x3400] =	vst v16;
	v6 =	vld.idx.msk [tilespmem:v6+s3+$0x0], $0xffff  }
0xd3: {  	v12 =	vld.idx.msk [tilespmem:v12+s3+$0x0], $0xffff;
	[tilespmem:s7+$0x4C00] =	vst v7;
	v7 =	vadd.s32 $0xB, v5  }
0xd4: {  	v14 =	vld.idx.msk [tilespmem:v14+s3+$0x0], $0xffff;
	[tilespmem:s26+$0x800] =	vst v13;
	v13 =	vadd.s32 $0xF, v4  }
0xd5: {  	v17 =	vld.idx.msk [tilespmem:v17+s3+$0x0], $0xffff;
	[tilespmem:s8+$0x1800] =	vst v15;
	v15 =	vadd.s32 $0x15, v1  }
0xd6: {  	v33 =	vmul.u32 $0x1B, v3;
	v3 =	vld.idx.msk [tilespmem:v18+s3+$0x0], $0xffff;
	v18 =	vadd.s32 $0x4, v9  }
0xd7: {  	[tilespmem:s14+$0x2800] =	vst v6;
	v6 =	vld.idx.msk [tilespmem:v19+s3+$0x0], $0xffff  }
0xd8: {  	[tilespmem:s4+$0x3800] =	vst v12;
	v12 =	vadd.s32 $0x8, v10;
	v7 =	vld.idx.msk [tilespmem:v7+s3+$0x0], $0xffff  }
0xd9: {  	[tilespmem:s7+$0x5000] =	vst v14;
	v14 =	vadd.s32 $0xC, v5;
	v13 =	vld.idx.msk [tilespmem:v13+s3+$0x0], $0xffff  }
0xda: {  	v19 =	vadd.s32 $0x10, v4;
	v15 =	vld.idx.msk [tilespmem:v15+s3+$0x0], $0xffff;
	[tilespmem:s26+$0xC00] =	vst v17  }
0xdb: {  	v20 =	vadd.s32 $0x12, v2;
	[tilespmem:s8+$0x1C00] =	vst v3;
	v3 =	vld.idx.msk [tilespmem:v18+s3+$0x0], $0xffff  }
0xdc: {  	v18 =	vadd.s32 $0x16, v1;
	[tilespmem:s5+$0x4400] =	vst v6;
	v17 =	vld.idx.msk [tilespmem:v33+s3+$0x0], $0xffff  }
0xdd: {  	[tilespmem:s14+$0x2C00] =	vst v7;
	v7 =	vadd.s32 $0x1, v33;
	v21 =	vld.idx.msk [tilespmem:v12+s3+$0x0], $0xffff  }
0xde: {  	v22 =	vadd.s32 $0x9, v10;
	v14 =	vld.idx.msk [tilespmem:v14+s3+$0x0], $0xffff;
	[tilespmem:s4+$0x3C00] =	vst v13  }
0xdf: {  	v13 =	vadd.s32 $0x5, v9;
	v25 =	vld.idx.msk [tilespmem:v19+s3+$0x0], $0xffff;
	[tilespmem:s7+$0x5400] =	vst v15  }
0xe0: {  	s1 =	sadd.s32 $0x80, s26;
	v24 =	vadd.s32 $0xD, v5;
	p2 =	seq.s32 s0, $0x1;
	v12 =	vld.idx.msk [tilespmem:v20+s3+$0x0], $0xffff;
	[tilespmem:s26+$0x1000] =	vst v3  }
.Ltmp8:
0xe1: {  	v6 =	vld.idx.msk [tilespmem:v18+s3+$0x0], $0xffff;
	[tilespmem:s1+$0x0] =	vst v17;
	(pc) =	sbr.rel @p2 .LBB2_30-.Ltmp8, $4  }
0xe2: {  	p0 =	por $0x1, $0x1;
	[tilespmem:s8+$0x2000] =	vst v21;
	v18 =	vld.idx.msk [tilespmem:v7+s3+$0x0], $0xffff  }
0xe3: {  	s9 =	simm.s32 @!p0 $0x0;
	v29 =	vld.idx.msk [tilespmem:v22+s3+$0x0], $0xffff;
	[tilespmem:s14+$0x3000] =	vst v14  }
0xe4: {  	s9 =	simm.s32 @p0 $0x1;
	v27 =	vadd.s32 $0x6, v9;
	v19 =	vld.idx.msk [tilespmem:v13+s3+$0x0], $0xffff;
	[tilespmem:s4+$0x4000] =	vst v25  }
0xe5: {  	s0 =	sadd.s32 $0xFFFFFFFF, s0;
	s6 =	sadd.s32 $0x1, s6;
	v23 =	vadd.s32 $0x2, v33;
	v15 =	vadd.s32 $0x13, v2;
	v7 =	vadd.s32 $0x17, v1;
	v24 =	vld.idx.msk [tilespmem:v24+s3+$0x0], $0xffff;
	[smem:$0x7F9] =	sst s9  }
0xe6: {  	_ =	sdelay $0x2  }
0xe7: {  	v3 =	vadd.s32 s6, v0;
	[tilespmem:s5+$0x4800] =	vst v12  }
0xe8: {  	v13 =	vadd.s32 $0xA, v10;
	[tilespmem:s7+$0x5800] =	vst v6;
	v14 =	vld.idx.msk [tilespmem:v15+s3+$0x0], $0xffff  }
0xe9: {  	v17 =	vadd.s32 $0xE, v5;
	[tilespmem:s1+$0x400] =	vst v18;
	v18 =	vld.idx.msk [tilespmem:v7+s3+$0x0], $0xffff  }
0xea: {  	v21 =	vadd.s32 $0x18, v1;
	v20 =	vld.idx.msk [tilespmem:v23+s3+$0x0], $0xffff;
	[tilespmem:s26+$0x1400] =	vst v19  }
0xeb: {  	[tilespmem:s8+$0x2400] =	vst v29;
	v19 =	vadd.s32 $0x14, v2;
	v22 =	vld.idx.msk [tilespmem:v27+s3+$0x0], $0xffff  }
0xec: {  	v23 =	vadd.s32 $0x3, v33;
	[tilespmem:s14+$0x3400] =	vst v24;
	v3 =	vld.idx.msk [tilespmem:v3+s11+$0x0], $0xffff  }
0xed: {  	v25 =	vadd.s32 $0x7, v9;
	v13 =	vld.idx.msk [tilespmem:v13+s3+$0x0], $0xffff;
	[tilespmem:s5+$0x4C00] =	vst v14  }
0xee: {  	v26 =	vadd.s32 $0x11, v4;
	v17 =	vld.idx.msk [tilespmem:v17+s3+$0x0], $0xffff;
	[tilespmem:s7+$0x5C00] =	vst v18  }
0xef: {  	v14 =	vadd.s32 $0xB, v10;
	[tilespmem:s1+$0x800] =	vst v20;
	v20 =	vld.idx.msk [tilespmem:v21+s3+$0x0], $0xffff  }
0xf0: {  	v18 =	vadd.s32 $0xF, v5;
	v19 =	vld.idx.msk [tilespmem:v19+s3+$0x0], $0xffff  }
0xf1: {  	v21 =	vld.idx.msk [tilespmem:v23+s3+$0x0], $0xffff;
	v23 =	vadd.s32 $0x19, v1;
	[tilespmem:s26+$0x1800] =	vst v22  }
0xf2: {  	v22 =	vadd.s32 $0x15, v2;
	v25 =	vld.idx.msk [tilespmem:v25+s3+$0x0], $0xffff;
	[tilespmem:s8+$0x2800] =	vst v13  }
0xf3: {  	v3 =	vmul.u32 $0x1B, v3;
	v13 =	vld.idx.msk [tilespmem:v26+s3+$0x0], $0xffff;
	v26 =	vadd.s32 $0x4, v33;
	[tilespmem:s14+$0x3800] =	vst v17  }
0xf4: {  	v14 =	vld.idx.msk [tilespmem:v14+s3+$0x0], $0xffff;
	[tilespmem:s7+$0x6000] =	vst v20  }
0xf5: {  	v17 =	vadd.s32 $0x8, v9;
	v18 =	vld.idx.msk [tilespmem:v18+s3+$0x0], $0xffff;
	[tilespmem:s5+$0x5000] =	vst v19  }
0xf6: {  	v19 =	vadd.s32 $0xC, v10;
	[tilespmem:s1+$0xC00] =	vst v21;
	v21 =	vld.idx.msk [tilespmem:v23+s3+$0x0], $0xffff  }
0xf7: {  	v20 =	vadd.s32 $0x10, v5;
	v22 =	vld.idx.msk [tilespmem:v22+s3+$0x0], $0xffff;
	[tilespmem:s26+$0x1C00] =	vst v25  }
0xf8: {  	v25 =	vadd.s32 $0x12, v4;
	v26 =	vld.idx.msk [tilespmem:v26+s3+$0x0], $0xffff;
	[tilespmem:s4+$0x4400] =	vst v13  }
0xf9: {  	v13 =	vadd.s32 $0x16, v2;
	v23 =	vld.idx.msk [tilespmem:v3+s3+$0x0], $0xffff;
	[tilespmem:s8+$0x2C00] =	vst v14  }
0xfa: {  	v17 =	vld.idx.msk [tilespmem:v17+s3+$0x0], $0xffff;
	v14 =	vadd.s32 $0x5, v33;
	[tilespmem:s14+$0x3C00] =	vst v18  }
0xfb: {  	v27 =	vadd.s32 $0x1, v3;
	v30 =	vld.idx.msk [tilespmem:v19+s3+$0x0], $0xffff;
	[tilespmem:s7+$0x6400] =	vst v21  }
0xfc: {  	v31 =	vadd.s32 $0x9, v9;
	v32 =	vld.idx.msk [tilespmem:v20+s3+$0x0], $0xffff;
	[tilespmem:s5+$0x5400] =	vst v22  }
0xfd: {  	s29 =	sadd.s32 $0x80, s1;
	v34 =	vadd.s32 $0xD, v10;
	p2 =	seq.s32 s0, $0x1;
	v20 =	vld.idx.msk [tilespmem:v25+s3+$0x0], $0xffff;
	[tilespmem:s1+$0x1000] =	vst v26  }
.Ltmp9:
0xfe: {  	v22 =	vld.idx.msk [tilespmem:v13+s3+$0x0], $0xffff;
	v25 =	vadd.s32 $0x1A, v1;
	[tilespmem:s29+$0x0] =	vst v23;
	(pc) =	sbr.rel @p2 .LBB2_32-.Ltmp9, $4  }
0xff: {  	v28 =	vadd.s32 $0x13, v4;
	s9 =	sadd.s32 $0xFFFFFFFF, s0;
	p0 =	por $0x1, $0x1;
	v19 =	vld.idx.msk [tilespmem:v14+s3+$0x0], $0xffff;
	[tilespmem:s26+$0x2000] =	vst v17  }
0x100: {  	s10 =	sadd.s32 $0x1, s6;
	s30 =	smov.u32 s4;
	s0 =	simm.s32 @!p0 $0x0;
	v18 =	vld.idx.msk [tilespmem:v27+s3+$0x0], $0xffff;
	[tilespmem:s8+$0x3000] =	vst v30;
	v30 =	vadd.s32 $0x17, v2  }
0x101: {  	s28 =	smov.u32 s5;
	s6 =	smov.u32 s7;
	s0 =	simm.s32 @p0 $0x1;
	v23 =	vadd.s32 $0x2, v3;
	v26 =	vld.idx.msk [tilespmem:v31+s3+$0x0], $0xffff;
	[tilespmem:s14+$0x4000] =	vst v32  }
0x102: {  	s31 =	smov.u32 s14;
	v21 =	vmovc v5;
	v13 =	vmovc v4;
	v17 =	vmov v10;
	v14 =	vmov v2;
	v27 =	vadd.s32 $0x6, v33;
	v31 =	vld.idx.msk [tilespmem:v34+s3+$0x0], $0xffff;
	[smem:$0x7F7] =	sst s0;
	s0 =	smov.u32 s8  }
.LBB2_33:
0x103: {  	v32 =	vadd.s32 s10, v0;
	p2 =	seq.s32 s9, $0x1;
	s9 =	sadd.s32 $0xFFFFFFFF, s9;
	[tilespmem:s30+$0x4800] =	vst v20;
	v20 =	vld.idx.msk [tilespmem:v25+s3+$0x0], $0xffff  }
0x104: {  	v25 =	vadd.s32 $0xA, v9;
	v28 =	vld.idx.msk [tilespmem:v28+s3+$0x0], $0xffff;
	[tilespmem:s28+$0x5800] =	vst v22  }
0x105: {  	[tilespmem:s29+$0x400] =	vst v18;
	v18 =	vadd.s32 $0xE, v17;
	v22 =	vld.idx.msk [tilespmem:v30+s3+$0x0], $0xffff  }
0x106: {  	v30 =	vadd.s32 $0x18, v14;
	v23 =	vld.idx.msk [tilespmem:v23+s3+$0x0], $0xffff;
	[tilespmem:s1+$0x1400] =	vst v19;
	v19 =	vadd.s32 $0x14, v13  }
0x107: {  	v27 =	vld.idx.msk [tilespmem:v27+s3+$0x0], $0xffff;
	[tilespmem:s26+$0x2400] =	vst v26  }
0x108: {  	v26 =	vld.idx.msk [tilespmem:v32+s11+$0x0], $0xffff;
	v32 =	vadd.s32 $0x3, v3;
	[tilespmem:s0+$0x3400] =	vst v31  }
0x109: {  	v31 =	vadd.s32 $0x7, v33;
	v25 =	vld.idx.msk [tilespmem:v25+s3+$0x0], $0xffff;
	[tilespmem:s6+$0x6800] =	vst v20;
	s6 =	smov.u32 s28;
	s28 =	smov.u32 s30;
	s30 =	smov.u32 s31  }
0x10a: {  	v20 =	vadd.s32 $0x11, v21;
	s31 =	smov.u32 s0;
	s0 =	smov.u32 s26;
	s26 =	smov.u32 s1;
	v18 =	vld.idx.msk [tilespmem:v18+s3+$0x0], $0xffff;
	[tilespmem:s28+$0x4C00] =	vst v28  }
0x10b: {  	s1 =	smov.u32 s29;
	v28 =	vadd.s32 $0xB, v9;
	v19 =	vld.idx.msk [tilespmem:v19+s3+$0x0], $0xffff;
	[tilespmem:s6+$0x5C00] =	vst v22  }
0x10c: {  	v22 =	vadd.s32 $0xF, v17;
	[tilespmem:s29+$0x800] =	vst v23;
	v23 =	vld.idx.msk [tilespmem:v30+s3+$0x0], $0xffff  }
0x10d: {  	v30 =	vld.idx.msk [tilespmem:v32+s3+$0x0], $0xffff;
	[tilespmem:s26+$0x1800] =	vst v27;
	v27 =	vadd.s32 $0x15, v13;
	v32 =	vadd.s32 $0x19, v14  }
0x10e: {  	v26 =	vmul.u32 $0x1B, v26;
	v31 =	vld.idx.msk [tilespmem:v31+s3+$0x0], $0xffff  }
0x10f: {  	[tilespmem:s0+$0x2800] =	vst v25;
	v20 =	vld.idx.msk [tilespmem:v20+s3+$0x0], $0xffff  }
0x110: {  	v25 =	vadd.s32 $0x4, v3;
	v28 =	vld.idx.msk [tilespmem:v28+s3+$0x0], $0xffff;
	[tilespmem:s31+$0x3800] =	vst v18  }
0x111: {  	v18 =	vadd.s32 $0x8, v33;
	v22 =	vld.idx.msk [tilespmem:v22+s3+$0x0], $0xffff;
	[tilespmem:s28+$0x5000] =	vst v19  }
0x112: {  	v19 =	vadd.s32 $0xC, v9;
	v27 =	vld.idx.msk [tilespmem:v27+s3+$0x0], $0xffff;
	[tilespmem:s6+$0x6000] =	vst v23  }
0x113: {  	v23 =	vadd.s32 $0x10, v17;
	[tilespmem:s29+$0xC00] =	vst v30;
	v30 =	vld.idx.msk [tilespmem:v32+s3+$0x0], $0xffff  }
0x114: {  	v32 =	vld.idx.msk [tilespmem:v26+s3+$0x0], $0xffff;
	[tilespmem:s26+$0x1C00] =	vst v31;
	v31 =	vadd.s32 $0x12, v21  }
0x115: {  	v35 =	vadd.s32 $0x16, v13;
	v34 =	vld.idx.msk [tilespmem:v25+s3+$0x0], $0xffff;
	[tilespmem:s30+$0x4400] =	vst v20  }
0x116: {  	v36 =	vadd.s32 $0x1, v26;
	v37 =	vld.idx.msk [tilespmem:v18+s3+$0x0], $0xffff;
	[tilespmem:s0+$0x2C00] =	vst v28  }
0x117: {  	v38 =	vadd.s32 $0x5, v3;
	v39 =	vld.idx.msk [tilespmem:v19+s3+$0x0], $0xffff;
	[tilespmem:s31+$0x3C00] =	vst v22  }
0x118: {  	v40 =	vadd.s32 $0x9, v33;
	v41 =	vld.idx.msk [tilespmem:v23+s3+$0x0], $0xffff;
	[tilespmem:s28+$0x5400] =	vst v27  }
0x119: {  	v42 =	vadd.s32 $0xD, v9;
	s29 =	sadd.s32 $0x80, s29;
	v25 =	vadd.s32 $0x1A, v14;
	v14 =	vmovc v13;
	v13 =	vmovc v21;
	v21 =	vmov v17;
	v20 =	vld.idx.msk [tilespmem:v31+s3+$0x0], $0xffff;
	[tilespmem:s6+$0x6400] =	vst v30  }
.Ltmp10:
0x11a: {  	v17 =	vmovc v9;
	v9 =	vmov v33;
	v33 =	vmov v3;
	v3 =	vmov v26;
	[tilespmem:s29+$0x0] =	vst v32;
	v22 =	vld.idx.msk [tilespmem:v35+s3+$0x0], $0xffff;
	(pc) =	sbr.rel @!p2 .LBB2_33-.Ltmp10, $4  }
0x11b: {  	v28 =	vadd.s32 $0x13, v13;
	v30 =	vadd.s32 $0x17, v14;
	v18 =	vld.idx.msk [tilespmem:v36+s3+$0x0], $0xffff;
	[tilespmem:s1+$0x1000] =	vst v34  }
0x11c: {  	v19 =	vld.idx.msk [tilespmem:v38+s3+$0x0], $0xffff;
	[tilespmem:s26+$0x2000] =	vst v37  }
0x11d: {  	v23 =	vadd.s32 $0x2, v3;
	v26 =	vld.idx.msk [tilespmem:v40+s3+$0x0], $0xffff;
	[tilespmem:s0+$0x3000] =	vst v39  }
0x11e: {  	s10 =	sadd.s32 $0x1, s10;
	v27 =	vadd.s32 $0x6, v33;
	v31 =	vld.idx.msk [tilespmem:v42+s3+$0x0], $0xffff;
	[tilespmem:s31+$0x4000] =	vst v41  }
0x11f: {  	p2 =	por $0x1, $0x1;
	v32 =	vmov v9;
	v9 =	vmov v33  }
.LBB2_35:
0x120: {  	_ =	sdelay $0x2  }
0x121: {  	[tilespmem:s29+$0x400] =	vst v18  }
0x122: {  	v18 =	vld.idx.msk [tilespmem:v23+s3+$0x0], $0xffff  }
0x123: {  	v33 =	vadd.s32 $0x3, v3;
	_ =	sdelay $0x3  }
0x124: {  	[tilespmem:s29+$0x800] =	vst v18  }
0x125: {  	v18 =	vld.idx.msk [tilespmem:v33+s3+$0x0], $0xffff  }
0x126: {  	v34 =	vadd.s32 $0x4, v3;
	_ =	sdelay $0x3  }
0x127: {  	[tilespmem:s29+$0xC00] =	vst v18  }
0x128: {  	v18 =	vld.idx.msk [tilespmem:v34+s3+$0x0], $0xffff  }
0x129: {  	v35 =	vadd.s32 $0x5, v3;
	_ =	sdelay $0x2  }
0x12a: {  	[tilespmem:s1+$0x1400] =	vst @p4 v19  }
0x12b: {  	v19 =	vld.idx.msk @p4 [tilespmem:v27+s3+$0x0], $0xffff;
	[tilespmem:s29+$0x1000] =	vst v18  }
0x12c: {  	v27 =	vadd.s32 @p4 $0x7, v9;
	v18 =	vld.idx.msk [tilespmem:v35+s3+$0x0], $0xffff  }
0x12d: {  	v36 =	vadd.s32 $0x6, v3;
	_ =	sdelay $0x2  }
0x12e: {  	[tilespmem:s1+$0x1800] =	vst @p4 v19  }
0x12f: {  	v19 =	vld.idx.msk @p4 [tilespmem:v27+s3+$0x0], $0xffff;
	[tilespmem:s29+$0x1400] =	vst v18  }
0x130: {  	v27 =	vadd.s32 @p4 $0x8, v9;
	v18 =	vld.idx.msk [tilespmem:v36+s3+$0x0], $0xffff  }
0x131: {  	v37 =	vadd.s32 $0x7, v3;
	_ =	sdelay $0x2  }
0x132: {  	[tilespmem:s1+$0x1C00] =	vst @p4 v19  }
0x133: {  	v19 =	vld.idx.msk @p4 [tilespmem:v27+s3+$0x0], $0xffff;
	[tilespmem:s29+$0x1800] =	vst v18  }
0x134: {  	v27 =	vadd.s32 @p4 $0x9, v9;
	v18 =	vld.idx.msk [tilespmem:v37+s3+$0x0], $0xffff  }
0x135: {  	v38 =	vadd.s32 $0x8, v3;
	_ =	sdelay $0x2  }
0x136: {  	[tilespmem:s1+$0x2000] =	vst @p4 v19  }
0x137: {  	v19 =	vld.idx.msk @p4 [tilespmem:v27+s3+$0x0], $0xffff;
	[tilespmem:s29+$0x1C00] =	vst v18  }
0x138: {  	v27 =	vadd.s32 @p1 $0xA, v32;
	v18 =	vld.idx.msk [tilespmem:v38+s3+$0x0], $0xffff  }
0x139: {  	v39 =	vadd.s32 $0x9, v3;
	v9 =	vpsel p4, v9, v10  }
0x13a: {  	v10 =	vadd.s32 @p4 $0xA, v9;
	_ =	sdelay $0x1  }
0x13b: {  	[tilespmem:s26+$0x2400] =	vst @p1 v26  }
0x13c: {  	s8 =	smov.u32 @p4 s1;
	v23 =	vld.idx.msk @p1 [tilespmem:v27+s3+$0x0], $0xffff;
	[tilespmem:s29+$0x2000] =	vst v18;
	v18 =	vpsel p4, v19, v29  }
0x13d: {  	v26 =	vadd.s32 @p1 $0xB, v32;
	v40 =	vld.idx.msk [tilespmem:v39+s3+$0x0], $0xffff;
	[tilespmem:s8+$0x2400] =	vst @p4 v18  }
0x13e: {  	v41 =	vadd.s32 $0xA, v3;
	v10 =	vld.idx.msk @p4 [tilespmem:v10+s3+$0x0], $0xffff  }
0x13f: {  	v27 =	vadd.s32 @p4 $0xB, v9  }
0x140: {  	s1 =	smov.u32 @p1 s26  }
0x141: {  	[tilespmem:s1+$0x2800] =	vst @p1 v23  }
0x142: {  	v19 =	vld.idx.msk @p1 [tilespmem:v26+s3+$0x0], $0xffff;
	[tilespmem:s29+$0x2400] =	vst v40  }
0x143: {  	v23 =	vadd.s32 @p1 $0xC, v32;
	v18 =	vld.idx.msk [tilespmem:v41+s3+$0x0], $0xffff;
	[tilespmem:s8+$0x2800] =	vst @p4 v10  }
0x144: {  	v42 =	vadd.s32 $0xB, v3;
	v26 =	vld.idx.msk @p4 [tilespmem:v27+s3+$0x0], $0xffff  }
0x145: {  	v27 =	vadd.s32 @p4 $0xC, v9;
	_ =	sdelay $0x1  }
0x146: {  	[tilespmem:s1+$0x2C00] =	vst @p1 v19  }
0x147: {  	[tilespmem:s29+$0x2800] =	vst v18;
	v18 =	vld.idx.msk @p1 [tilespmem:v23+s3+$0x0], $0xffff  }
0x148: {  	v23 =	vadd.s32 @p1 $0xD, v32;
	v10 =	vld.idx.msk [tilespmem:v42+s3+$0x0], $0xffff;
	[tilespmem:s8+$0x2C00] =	vst @p4 v26  }
0x149: {  	v43 =	vadd.s32 $0xC, v3;
	v26 =	vld.idx.msk @p4 [tilespmem:v27+s3+$0x0], $0xffff  }
0x14a: {  	v27 =	vadd.s32 @p4 $0xD, v9;
	_ =	sdelay $0x1  }
0x14b: {  	[tilespmem:s1+$0x3000] =	vst @p1 v18  }
0x14c: {  	[tilespmem:s29+$0x2C00] =	vst v10;
	v19 =	vld.idx.msk @p1 [tilespmem:v23+s3+$0x0], $0xffff  }
0x14d: {  	v18 =	vmov @p1 v32;
	v10 =	vld.idx.msk [tilespmem:v43+s3+$0x0], $0xffff;
	[tilespmem:s8+$0x3000] =	vst @p4 v26;
	v26 =	vadd.s32 @p3 $0xE, v17  }
0x14e: {  	v44 =	vadd.s32 $0xD, v3;
	v5 =	vpsel p1, v18, v5;
	v18 =	vld.idx.msk @p4 [tilespmem:v27+s3+$0x0], $0xffff  }
0x14f: {  	v9 =	vpsel p4, v9, v4;
	v27 =	vadd.s32 @p1 $0xE, v5  }
0x150: {  	v29 =	vadd.s32 @p4 $0xE, v9  }
0x151: {  	[tilespmem:s0+$0x3400] =	vst @p3 v31  }
0x152: {  	s14 =	smov.u32 @p1 s1;
	[tilespmem:s29+$0x3000] =	vst v10;
	v10 =	vpsel p1, v19, v24;
	v23 =	vld.idx.msk @p3 [tilespmem:v26+s3+$0x0], $0xffff  }
0x153: {  	s1 =	smov.u32 s4;
	s4 =	smov.u32 @p4 s8;
	v45 =	vld.idx.msk [tilespmem:v44+s3+$0x0], $0xffff;
	[tilespmem:s14+$0x3400] =	vst @p1 v10;
	v10 =	vpsel p4, v18, v16  }
0x154: {  	v24 =	vld.idx.msk @p1 [tilespmem:v27+s3+$0x0], $0xffff;
	[tilespmem:s4+$0x3400] =	vst @p4 v10  }
0x155: {  	v26 =	vld.idx.msk @p4 [tilespmem:v29+s3+$0x0], $0xffff  }
0x156: {  	s9 =	smov.u32 @p3 s0  }
0x157: {  	[tilespmem:s9+$0x3800] =	vst @p3 v23  }
0x158: {  	s10 =	smov.u32 @p1 s14;
	[tilespmem:s29+$0x3400] =	vst v45  }
0x159: {  	s8 =	smov.u32 @p4 s4;
	[tilespmem:s10+$0x3800] =	vst @p1 v24  }
0x15a: {  	[tilespmem:s8+$0x3800] =	vst @p4 v26  }
0x15b: {  	s26 =	sld [smem:$0x7F8];
	_ =	sdelay $0x1  }
0x15c: {  	v46 =	vadd.s32 $0xE, v3  }
0x15d: {  	v18 =	vadd.s32 @p3 $0xF, v17;
	p0 =	seq.s32 s26, $0x1  }
0x15e: {  	v10 =	vadd.s32 @p1 $0xF, v5;
	[tilespmem:s30+$0x4800] =	vst @p0 v20  }
0x15f: {  	v27 =	vadd.s32 @p4 $0xF, v9;
	s4 =	sld [smem:$0x7F7];
	_ =	sdelay $0x1  }
0x160: {  	v16 =	vld.idx.msk [tilespmem:v46+s3+$0x0], $0xffff  }
0x161: {  	v18 =	vld.idx.msk @p3 [tilespmem:v18+s3+$0x0], $0xffff;
	p6 =	seq.s32 s4, $0x1  }
0x162: {  	v10 =	vld.idx.msk @p1 [tilespmem:v10+s3+$0x0], $0xffff;
	s0 =	simm.s32 @!p6 $0x0  }
0x163: {  	v26 =	vld.idx.msk @p4 [tilespmem:v27+s3+$0x0], $0xffff;
	s0 =	simm.s32 @p6 $0x1  }
0x164: {  	v47 =	vadd.s32 $0xF, v3;
	[smem:$0x7F7] =	sst s0  }
0x165: {  	v23 =	vadd.s32 @p3 $0x10, v17;
	[tilespmem:s29+$0x3800] =	vst v16  }
0x166: {  	v24 =	vadd.s32 @p1 $0x10, v5;
	[tilespmem:s9+$0x3C00] =	vst @p3 v18  }
0x167: {  	[tilespmem:s10+$0x3C00] =	vst @p1 v10  }
0x168: {  	v20 =	vld.idx.msk @p6 [tilespmem:v25+s3+$0x0], $0xffff;
	[tilespmem:s8+$0x3C00] =	vst @p4 v26  }
0x169: {  	v25 =	vadd.s32 @p4 $0x10, v9;
	v48 =	vld.idx.msk [tilespmem:v47+s3+$0x0], $0xffff;
	s14 =	sld [smem:$0x7F9]  }
0x16a: {  	v16 =	vadd.s32 @p2 $0x11, v21;
	v19 =	vld.idx.msk @p3 [tilespmem:v23+s3+$0x0], $0xffff  }
0x16b: {  	v49 =	vadd.s32 $0x10, v3;
	v23 =	vld.idx.msk @p1 [tilespmem:v24+s3+$0x0], $0xffff  }
0x16c: {  	v4 =	vpsel p3, v17, v4;
	v27 =	vld.idx.msk @p0 [tilespmem:v28+s3+$0x0], $0xffff;
	p6 =	seq.s32 s14, $0x1  }
0x16d: {  	v17 =	vadd.s32 @p3 $0x11, v4;
	[tilespmem:s28+$0x5800] =	vst @p6 v22  }
0x16e: {  	v5 =	vpsel p1, v5, v2;
	v26 =	vadd.s32 @p0 $0x14, v13;
	v24 =	vld.idx.msk @p4 [tilespmem:v25+s3+$0x0], $0xffff;
	s26 =	sld [smem:$0x7F7];
	[tilespmem:s29+$0x3C00] =	vst v48  }
0x16f: {  	v22 =	vadd.s32 @p1 $0x11, v5;
	v16 =	vld.idx.msk @p2 [tilespmem:v16+s3+$0x0], $0xffff;
	[tilespmem:s9+$0x4000] =	vst @p3 v19  }
0x170: {  	s0 =	smov.u32 @p0 s30;
	v18 =	vadd.s32 @p2 $0x12, v21;
	[tilespmem:s10+$0x4000] =	vst @p1 v23;
	v10 =	vld.idx.msk [tilespmem:v49+s3+$0x0], $0xffff  }
0x171: {  	v50 =	vadd.s32 $0x11, v3;
	[tilespmem:s0+$0x4C00] =	vst @p0 v27;
	p5 =	seq.s32 s26, $0x1  }
0x172: {  	v9 =	vpsel p4, v9, v1;
	v17 =	vld.idx.msk @p3 [tilespmem:v17+s3+$0x0], $0xffff;
	[tilespmem:s6+$0x6800] =	vst @p5 v20  }
0x173: {  	v26 =	vld.idx.msk @p0 [tilespmem:v26+s3+$0x0], $0xffff;
	v20 =	vadd.s32 @p4 $0x11, v9;
	[tilespmem:s8+$0x4000] =	vst @p4 v24;
	s6 =	smov.u32 @p2 s31  }
0x174: {  	v23 =	vadd.s32 @p3 $0x12, v4;
	v22 =	vld.idx.msk @p1 [tilespmem:v22+s3+$0x0], $0xffff;
	[tilespmem:s6+$0x4400] =	vst @p2 v16  }
0x175: {  	v24 =	vadd.s32 @p1 $0x12, v5;
	v18 =	vld.idx.msk @p2 [tilespmem:v18+s3+$0x0], $0xffff;
	[tilespmem:s29+$0x4000] =	vst v10  }
0x176: {  	s1 =	smov.u32 @p3 s9;
	v10 =	vadd.s32 @p0 $0x15, v13;
	v51 =	vld.idx.msk [tilespmem:v50+s3+$0x0], $0xffff  }
0x177: {  	v52 =	vadd.s32 $0x12, v3;
	v25 =	vld.idx.msk @p6 [tilespmem:v30+s3+$0x0], $0xffff;
	s9 =	smov.u32 @p3 s1;
	v19 =	vadd.s32 @p2 $0x13, v21  }
0x178: {  	s4 =	smov.u32 s5;
	s5 =	smov.u32 @p1 s10;
	v15 =	vpsel p2, v19, v15;
	[tilespmem:s9+$0x4400] =	vst @p3 v17;
	v20 =	vld.idx.msk @p4 [tilespmem:v20+s3+$0x0], $0xffff  }
0x179: {  	v16 =	vadd.s32 @p4 $0x12, v9;
	v23 =	vld.idx.msk @p3 [tilespmem:v23+s3+$0x0], $0xffff;
	[tilespmem:s5+$0x4400] =	vst @p1 v22  }
0x17a: {  	v27 =	vadd.s32 @p6 $0x18, v14;
	s1 =	smov.u32 s7;
	v19 =	vadd.s32 @p3 $0x13, v4;
	[tilespmem:s0+$0x5000] =	vst @p0 v26;
	v24 =	vld.idx.msk @p1 [tilespmem:v24+s3+$0x0], $0xffff  }
0x17b: {  	s1 =	smov.u32 @p4 s8;
	v11 =	vpsel p3, v19, v11;
	s4 =	smov.u32 @p2 s6;
	v10 =	vld.idx.msk @p0 [tilespmem:v10+s3+$0x0], $0xffff;
	v12 =	vpsel p2, v18, v12;
	[tilespmem:s29+$0x4400] =	vst v51  }
0x17c: {  	v19 =	vadd.s32 @p1 $0x13, v5;
	s8 =	smov.u32 @p4 s1;
	[tilespmem:s4+$0x4800] =	vst @p2 v12;
	v53 =	vld.idx.msk [tilespmem:v52+s3+$0x0], $0xffff  }
0x17d: {  	v19 =	vpsel p1, v19, v0;
	s1 =	smov.u32 @p6 s28;
	s6 =	smov.u32 s7;
	v15 =	vld.idx.msk @p2 [tilespmem:v15+s3+$0x0], $0xffff;
	[tilespmem:s8+$0x4400] =	vst @p4 v20  }
0x17e: {  	v54 =	vadd.s32 $0x13, v3;
	v2 =	vpsel p2, v21, v2;
	[tilespmem:s1+$0x5C00] =	vst @p6 v25;
	s6 =	smov.u32 @p3 s9;
	v8 =	vpsel p3, v23, v8;
	v16 =	vld.idx.msk @p4 [tilespmem:v16+s3+$0x0], $0xffff  }
0x17f: {  	s5 =	smov.u32 @p1 s5;
	v22 =	vadd.s32 @p2 $0x14, v2;
	[tilespmem:s6+$0x4800] =	vst @p3 v8;
	v20 =	vld.idx.msk @p6 [tilespmem:v27+s3+$0x0], $0xffff;
	v8 =	vpsel p1, v24, v0  }
0x180: {  	v12 =	vadd.s32 @p0 $0x16, v13;
	v11 =	vld.idx.msk @p3 [tilespmem:v11+s3+$0x0], $0xffff;
	[tilespmem:s5+$0x4800] =	vst @p1 v8  }
0x181: {  	v25 =	vadd.s32 @p4 $0x13, v9;
	v17 =	vadd.s32 @p6 $0x19, v14;
	[tilespmem:s0+$0x5400] =	vst @p0 v10  }
0x182: {  	v4 =	vpsel p3, v4, v1;
	s9 =	smov.u32 @p4 s8;
	v18 =	vpsel p4, v25, v0;
	s8 =	smov.u32 @p2 s4;
	v19 =	vld.idx.msk @p1 [tilespmem:v19+s3+$0x0], $0xffff;
	[tilespmem:s29+$0x4800] =	vst v53  }
0x183: {  	[tilespmem:s8+$0x4C00] =	vst @p2 v15;
	v55 =	vld.idx.msk [tilespmem:v54+s3+$0x0], $0xffff;
	v8 =	vpsel p4, v16, v0;
	v16 =	vadd.s32 @p3 $0x14, v4  }
0x184: {  	v56 =	vadd.s32 $0x14, v3;
	[tilespmem:s1+$0x6000] =	vst @p6 v20;
	v21 =	vld.idx.msk @p2 [tilespmem:v22+s3+$0x0], $0xffff  }
0x185: {  	v5 =	vpsel p1, v5, v0;
	v12 =	vld.idx.msk @p0 [tilespmem:v12+s3+$0x0], $0xffff;
	[tilespmem:s6+$0x4C00] =	vst @p3 v11;
	v22 =	vadd.s32 @p2 $0x15, v2  }
0x186: {  	v14 =	vadd.s32 @p6 $0x1A, v14;
	v17 =	vld.idx.msk @p6 [tilespmem:v17+s3+$0x0], $0xffff;
	[tilespmem:s9+$0x4800] =	vst @p4 v8;
	v8 =	vadd.s32 @p1 $0x14, v5  }
0x187: {  	v9 =	vpsel p4, v9, v0;
	v14 =	vpsel p6, v14, v0;
	v18 =	vld.idx.msk @p4 [tilespmem:v18+s3+$0x0], $0xffff;
	[tilespmem:s5+$0x4C00] =	vst @p1 v19  }
0x188: {  	v20 =	vadd.s32 @p4 $0x14, v9;
	[tilespmem:s29+$0x4C00] =	vst v55;
	v16 =	vld.idx.msk @p3 [tilespmem:v16+s3+$0x0], $0xffff  }
0x189: {  	v19 =	vadd.s32 @p3 $0x15, v4;
	[tilespmem:s8+$0x5000] =	vst @p2 v21;
	v11 =	vld.idx.msk [tilespmem:v56+s3+$0x0], $0xffff  }
0x18a: {  	v57 =	vadd.s32 $0x15, v3;
	v15 =	vld.idx.msk @p2 [tilespmem:v22+s3+$0x0], $0xffff  }
0x18b: {  	s4 =	smov.u32 @p4 s9;
	v21 =	vadd.s32 @p2 $0x16, v2;
	[tilespmem:s1+$0x6400] =	vst @p6 v17;
	v8 =	vld.idx.msk @p1 [tilespmem:v8+s3+$0x0], $0xffff  }
0x18c: {  	v10 =	vadd.s32 @p1 $0x15, v5;
	v14 =	vld.idx.msk @p6 [tilespmem:v14+s3+$0x0], $0xffff;
	[tilespmem:s4+$0x4C00] =	vst @p4 v18  }
0x18d: {  	v18 =	vld.idx.msk @p4 [tilespmem:v20+s3+$0x0], $0xffff;
	[tilespmem:s6+$0x5000] =	vst @p3 v16  }
0x18e: {  	v20 =	vadd.s32 @p4 $0x15, v9;
	[tilespmem:s29+$0x5000] =	vst v11;
	v19 =	vld.idx.msk @p3 [tilespmem:v19+s3+$0x0], $0xffff  }
0x18f: {  	s9 =	smov.u32 s7;
	[tilespmem:s8+$0x5400] =	vst @p2 v15;
	v58 =	vld.idx.msk [tilespmem:v57+s3+$0x0], $0xffff  }
0x190: {  	v6 =	vpsel p0, v12, v6;
	s9 =	smov.u32 @p0 s0;
	v11 =	vmov @p0 v13;
	[tilespmem:s5+$0x5000] =	vst @p1 v8;
	v8 =	vadd.s32 @p3 $0x16, v4;
	v12 =	vld.idx.msk @p2 [tilespmem:v21+s3+$0x0], $0xffff  }
0x191: {  	v59 =	vadd.s32 $0x16, v3;
	[tilespmem:s9+$0x5800] =	vst @p0 v6;
	v15 =	vadd.s32 @p0 $0x17, v11;
	v10 =	vld.idx.msk @p1 [tilespmem:v10+s3+$0x0], $0xffff  }
0x192: {  	s0 =	smov.u32 @p6 s1;
	v7 =	vpsel p0, v15, v7;
	[tilespmem:s4+$0x5000] =	vst @p4 v18  }
0x193: {  	v17 =	vadd.s32 @p1 $0x16, v5;
	[tilespmem:s0+$0x6800] =	vst @p6 v14;
	v18 =	vld.idx.msk @p4 [tilespmem:v20+s3+$0x0], $0xffff  }
0x194: {  	v20 =	vadd.s32 @p4 $0x16, v9;
	[tilespmem:s6+$0x5400] =	vst @p3 v19  }
0x195: {  	v15 =	vadd.s32 @p2 $0x17, v2;
	[tilespmem:s29+$0x5400] =	vst v58;
	v8 =	vld.idx.msk @p3 [tilespmem:v8+s3+$0x0], $0xffff  }
0x196: {  	s0 =	smov.u32 @p2 s8;
	v12 =	vpsel p2, v12, v0;
	[tilespmem:s5+$0x5400] =	vst @p1 v10;
	v10 =	vpsel p2, v15, v0;
	v60 =	vld.idx.msk [tilespmem:v59+s3+$0x0], $0xffff  }
0x197: {  	v61 =	vadd.s32 $0x17, v3;
	v1 =	vpsel p0, v11, v1;
	v7 =	vld.idx.msk @p0 [tilespmem:v7+s3+$0x0], $0xffff;
	[tilespmem:s0+$0x5800] =	vst @p2 v12  }
0x198: {  	v15 =	vadd.s32 @p3 $0x17, v4;
	v12 =	vadd.s32 @p0 $0x18, v1;
	v17 =	vld.idx.msk @p1 [tilespmem:v17+s3+$0x0], $0xffff;
	[tilespmem:s4+$0x5400] =	vst @p4 v18  }
0x199: {  	v6 =	vpsel p3, v15, v0;
	v18 =	vld.idx.msk @p4 [tilespmem:v20+s3+$0x0], $0xffff  }
0x19a: {  	v15 =	vadd.s32 @p1 $0x17, v5  }
0x19b: {  	s1 =	smov.u32 @p3 s6;
	v2 =	vpsel p2, v2, v0;
	v19 =	vadd.s32 @p4 $0x17, v9;
	s6 =	smov.u32 @p0 s9;
	v15 =	vpsel p1, v15, v0;
	v10 =	vld.idx.msk @p2 [tilespmem:v10+s3+$0x0], $0xffff;
	[tilespmem:s29+$0x5800] =	vst v60  }
0x19c: {  	v13 =	vpsel p4, v19, v0;
	v8 =	vpsel p3, v8, v0;
	[tilespmem:s6+$0x5C00] =	vst @p0 v7;
	v11 =	vld.idx.msk [tilespmem:v61+s3+$0x0], $0xffff  }
0x19d: {  	v16 =	vadd.s32 @p2 $0x18, v2;
	s5 =	smov.u32 @p1 s5;
	[tilespmem:s1+$0x5800] =	vst @p3 v8;
	v8 =	vpsel p1, v17, v0;
	v12 =	vld.idx.msk @p0 [tilespmem:v12+s3+$0x0], $0xffff  }
0x19e: {  	v62 =	vadd.s32 $0x18, v3;
	s4 =	smov.u32 @p4 s4;
	v6 =	vld.idx.msk @p3 [tilespmem:v6+s3+$0x0], $0xffff;
	[tilespmem:s5+$0x5800] =	vst @p1 v8;
	v8 =	vpsel p4, v18, v0  }
0x19f: {  	v14 =	vadd.s32 @p0 $0x19, v1;
	v4 =	vpsel p3, v4, v0;
	[tilespmem:s4+$0x5800] =	vst @p4 v8  }
0x1a0: {  	v5 =	vpsel p1, v5, v0;
	v17 =	vadd.s32 @p3 $0x18, v4;
	v15 =	vld.idx.msk @p1 [tilespmem:v15+s3+$0x0], $0xffff;
	[tilespmem:s0+$0x5C00] =	vst @p2 v10  }
0x1a1: {  	v9 =	vpsel p4, v9, v0;
	v8 =	vadd.s32 @p1 $0x18, v5;
	v13 =	vld.idx.msk @p4 [tilespmem:v13+s3+$0x0], $0xffff;
	[tilespmem:s29+$0x5C00] =	vst v11  }
0x1a2: {  	v7 =	vadd.s32 @p4 $0x18, v9;
	v16 =	vld.idx.msk @p2 [tilespmem:v16+s3+$0x0], $0xffff;
	[tilespmem:s6+$0x6000] =	vst @p0 v12  }
0x1a3: {  	[tilespmem:s1+$0x5C00] =	vst @p3 v6;
	v6 =	vadd.s32 @p2 $0x19, v2;
	v10 =	vld.idx.msk [tilespmem:v62+s3+$0x0], $0xffff  }
0x1a4: {  	v63 =	vadd.s32 $0x19, v3;
	v1 =	vadd.s32 @p0 $0x1A, v1;
	v12 =	vld.idx.msk @p0 [tilespmem:v14+s3+$0x0], $0xffff  }
0x1a5: {  	v1 =	vpsel p0, v1, v0;
	v17 =	vld.idx.msk @p3 [tilespmem:v17+s3+$0x0], $0xffff;
	[tilespmem:s5+$0x5C00] =	vst @p1 v15  }
0x1a6: {  	v15 =	vadd.s32 @p3 $0x19, v4;
	v8 =	vld.idx.msk @p1 [tilespmem:v8+s3+$0x0], $0xffff;
	[tilespmem:s4+$0x5C00] =	vst @p4 v13  }
0x1a7: {  	v13 =	vadd.s32 @p1 $0x19, v5;
	v7 =	vld.idx.msk @p4 [tilespmem:v7+s3+$0x0], $0xffff;
	[tilespmem:s0+$0x6000] =	vst @p2 v16  }
0x1a8: {  	v11 =	vadd.s32 @p4 $0x19, v9;
	v6 =	vld.idx.msk @p2 [tilespmem:v6+s3+$0x0], $0xffff;
	[tilespmem:s29+$0x6000] =	vst v10  }
0x1a9: {  	v2 =	vadd.s32 @p2 $0x1A, v2;
	[tilespmem:s6+$0x6400] =	vst @p0 v12;
	v10 =	vld.idx.msk [tilespmem:v63+s3+$0x0], $0xffff  }
0x1aa: {  	v2 =	vpsel p2, v2, v0;
	[tilespmem:s1+$0x6000] =	vst @p3 v17;
	v1 =	vld.idx.msk @p0 [tilespmem:v1+s3+$0x0], $0xffff  }
0x1ab: {  	v3 =	vadd.s32 $0x1A, v3;
	v4 =	vadd.s32 @p3 $0x1A, v4;
	v15 =	vld.idx.msk @p3 [tilespmem:v15+s3+$0x0], $0xffff;
	[tilespmem:s5+$0x6000] =	vst @p1 v8  }
0x1ac: {  	v4 =	vpsel p3, v4, v0;
	v5 =	vadd.s32 @p1 $0x1A, v5;
	v8 =	vld.idx.msk @p1 [tilespmem:v13+s3+$0x0], $0xffff;
	[tilespmem:s4+$0x6000] =	vst @p4 v7  }
0x1ad: {  	v9 =	vadd.s32 @p4 $0x1A, v9;
	v5 =	vpsel p1, v5, v0;
	v7 =	vld.idx.msk @p4 [tilespmem:v11+s3+$0x0], $0xffff;
	[tilespmem:s0+$0x6400] =	vst @p2 v6  }
0x1ae: {  	v9 =	vpsel p4, v9, v0;
	s6 =	smov.u32 @p0 s6;
	[tilespmem:s29+$0x6400] =	vst v10  }
0x1af: {  	v2 =	vld.idx.msk @p2 [tilespmem:v2+s3+$0x0], $0xffff;
	[tilespmem:s6+$0x6800] =	vst @p0 v1  }
0x1b0: {  	[tilespmem:s1+$0x6400] =	vst @p3 v15;
	v1 =	vld.idx.msk [tilespmem:v3+s3+$0x0], $0xffff  }
0x1b1: {  	v4 =	vld.idx.msk @p3 [tilespmem:v4+s3+$0x0], $0xffff;
	[tilespmem:s5+$0x6400] =	vst @p1 v8  }
0x1b2: {  	v5 =	vld.idx.msk @p1 [tilespmem:v5+s3+$0x0], $0xffff;
	[tilespmem:s4+$0x6400] =	vst @p4 v7  }
0x1b3: {  	s0 =	smov.u32 @p2 s0;
	v6 =	vld.idx.msk @p4 [tilespmem:v9+s3+$0x0], $0xffff  }
0x1b4: {  	[tilespmem:s0+$0x6800] =	vst @p2 v2  }
0x1b5: {  	s0 =	smov.u32 @p3 s1;
	[tilespmem:s29+$0x6800] =	vst v1  }
0x1b6: {  	[tilespmem:s0+$0x6800] =	vst @p3 v4;
	s0 =	smov.u32 @p1 s5  }
0x1b7: {  	[tilespmem:s0+$0x6800] =	vst @p1 v5;
	s0 =	smov.u32 @p4 s4  }
0x1b8: {  	[tilespmem:s0+$0x6800] =	vst @p4 v6  }
0x1b9: {  	s25 =	sadd.s32 $0x1, s25  }
0x1ba: {  	p0 =	seq.s32 s25, $0x8  }
.Ltmp11:
0x1bb: {  	_ = 	snop;
	(pc) =	sbr.rel @!p0 .LBB2_7-.Ltmp11, $4  }
.Ltmp12:
0x1bc: {  	s0 =	sld [smem:$0x7FB];
	(pc) =	sbr.rel @p0 .LBB2_10-.Ltmp12, $4  }
0x1bd: {  	_ = 	snop  }
0x1be: {  	_ = 	snop  }
0x1bf: {  	s23 =	sadd.s32 $0x320, s23;
	s7 =	sadd.s32 $0x10, s7;
	p1 =	seq.s32 s0, $0x1  }
0x1c0: {  	_ = 	snop  }
.LBB2_8:
.Ltmp13:
0x1c1: {  	(pc) =	sbr.rel .LBB2_35-.Ltmp13, $4  }
0x1c2: {  	p0 =	por $0x0, $0x0  }
0x1c3: {  	s0 =	simm.s32 @!p0 $0x0  }
0x1c4: {  	s0 =	simm.s32 @p0 $0x1  }
0x1c5: {  	p2 =	por $0x0, $0x0;
	v3 =	vmov v1;
	s29 =	smov.u32 s7;
	[smem:$0x7F7] =	sst s0  }
.LBB2_20:
.Ltmp14:
0x1c6: {  	(pc) =	sbr.rel .LBB2_35-.Ltmp14, $4  }
0x1c7: {  	p0 =	por $0x0, $0x0  }
0x1c8: {  	s0 =	simm.s32 @!p0 $0x0  }
0x1c9: {  	p2 =	por $0x0, $0x0;
	s0 =	simm.s32 @p0 $0x1  }
0x1ca: {  	s29 =	smov.u32 s5;
	v3 =	vmov v2;
	v9 =	vmov v1;
	s1 =	smov.u32 s7;
	[smem:$0x7F7] =	sst s0  }
.LBB2_22:
.Ltmp15:
0x1cb: {  	(pc) =	sbr.rel .LBB2_35-.Ltmp15, $4  }
0x1cc: {  	p0 =	por $0x0, $0x0  }
0x1cd: {  	s0 =	simm.s32 @!p0 $0x0  }
0x1ce: {  	p2 =	por $0x0, $0x0;
	s29 =	smov.u32 s4;
	s0 =	simm.s32 @p0 $0x1  }
0x1cf: {  	v32 =	vmov v1;
	s1 =	smov.u32 s5;
	v3 =	vmov v4;
	v9 =	vmov v2;
	s26 =	smov.u32 s7;
	[smem:$0x7F7] =	sst s0  }
.LBB2_24:
.Ltmp16:
0x1d0: {  	(pc) =	sbr.rel .LBB2_35-.Ltmp16, $4  }
0x1d1: {  	p0 =	por $0x0, $0x0  }
0x1d2: {  	p2 =	por $0x0, $0x0;
	s0 =	simm.s32 @!p0 $0x0  }
0x1d3: {  	s29 =	smov.u32 s14;
	s1 =	smov.u32 s4;
	s0 =	simm.s32 @p0 $0x1  }
0x1d4: {  	v32 =	vmovc v2;
	v17 =	vmov v1;
	s26 =	smov.u32 s5;
	v3 =	vmov v5;
	v9 =	vmov v4;
	[smem:$0x7F7] =	sst s0;
	s0 =	smov.u32 s7  }
.LBB2_26:
.Ltmp17:
0x1d5: {  	(pc) =	sbr.rel .LBB2_35-.Ltmp17, $3  }
0x1d6: {  	_ =	sdelay $0x1  }
0x1d7: {  	p2 =	por $0x1, $0x1;
	s29 =	smov.u32 s8;
	s1 =	smov.u32 s14  }
0x1d8: {  	v32 =	vmovc v4;
	v17 =	vmovc v2;
	s26 =	smov.u32 s4;
	v3 =	vmov v10;
	s0 =	smov.u32 s5;
	v9 =	vmov v5;
	s31 =	smov.u32 s7;
	v21 =	vmov v1  }
.LBB2_28:
.Ltmp18:
0x1d9: {  	_ = 	snop;
	(pc) =	sbr.rel .LBB2_35-.Ltmp18, $4  }
0x1da: {  	_ = 	snop  }
0x1db: {  	p2 =	por $0x1, $0x1  }
0x1dc: {  	s29 =	smov.u32 s26;
	v3 =	vmovc v9;
	v32 =	vmov v5;
	s1 =	smov.u32 s8;
	s26 =	smov.u32 s14;
	v9 =	vmov v10;
	v20 =	vmov v8  }
0x1dd: {  	s30 =	smov.u32 s7;
	v28 =	vmovc v11;
	v17 =	vmovc v4;
	v13 =	vmov v1;
	s0 =	smov.u32 s4;
	s31 =	smov.u32 s5;
	v21 =	vmov v2;
	v31 =	vmov v16  }
.LBB2_30:
.Ltmp19:
0x1de: {  	_ = 	snop;
	(pc) =	sbr.rel .LBB2_35-.Ltmp19, $4  }
0x1df: {  	_ = 	snop  }
0x1e0: {  	p2 =	por $0x1, $0x1;
	s29 =	smov.u32 s1;
	v20 =	vmov v12;
	v32 =	vmov v10  }
0x1e1: {  	s1 =	smov.u32 s26;
	s30 =	smov.u32 s5;
	v28 =	vmovc v15;
	v22 =	vmovc v6;
	s28 =	smov.u32 s7;
	v17 =	vmov v5;
	v30 =	vmov v7;
	v13 =	vmov v2  }
0x1e2: {  	v14 =	vmovc v1;
	s26 =	smov.u32 s8;
	v3 =	vmovc v33;
	s0 =	smov.u32 s14;
	s31 =	smov.u32 s4;
	v21 =	vmov v4;
	v26 =	vmov v29;
	v31 =	vmov v24  }
.LBB2_32:
.Ltmp20:
0x1e3: {  	(pc) =	sbr.rel .LBB2_35-.Ltmp20, $3  }
0x1e4: {  	_ =	sdelay $0x1  }
0x1e5: {  	p2 =	por $0x1, $0x1;
	v32 =	vmov v9;
	s30 =	smov.u32 s4;
	s28 =	smov.u32 s5  }
0x1e6: {  	v17 =	vmovc v10;
	v13 =	vmovc v4;
	v14 =	vmov v2;
	s0 =	smov.u32 s8;
	v9 =	vmov v33;
	s6 =	smov.u32 s7;
	s31 =	smov.u32 s14;
	v21 =	vmov v5  }
.LBB2_10:
0x1e7: {  	s1 =	simm.s32 $0x6700  }
0x1e8: {  	s4 =	sadd.s32 @p1 $0x0, s22;
	s0 =	simm.s32 @p1 $0x0;
	s7 =	sadd.s32 @!p1 $0x0, s21  }
0x1e9: {  	[hbm4b:s4+s0] =	stream.linear.scatter @p1 [tilespmem:s1], [sflag:$0x1], $0x100, $0x38;
	[tilespmem:$0x13F00] =	vst v63  }
0x1ea: {  	s5 =	simm.s32 @!p1 $0x0;
	s6 =	simm.s32 $0x6B00;
	s4 =	simm.s32 $0x1C000  }
.LBB2_11:
0x1eb: {  	[hbm4b:s7+s5] =	stream.linear.scatter @!p1 [tilespmem:s1], [sflag:$0x1], $0x400, $0x38;
	[tilespmem:$0x13F00] =	vst v63  }
0x1ec: {  	s7 =	smov.u32 s4;
	s4 =	sadd.s32 $0x1C000, s4  }
0x1ed: {  	p0 =	sne.s32 s4, $0x2F4000  }
.Ltmp21:
0x1ee: {  	(pc) =	sbr.rel @p0 .LBB2_11-.Ltmp21, $4  }
0x1ef: {  	s1 =	smov.u32 s6  }
0x1f0: {  	s8 =	sadd.s32 @p1 s7, s22  }
0x1f1: {  	[hbm4b:s8+s0] =	stream.linear.scatter @p1 [tilespmem:s6], [sflag:$0x1], $0x100, $0x38;
	[tilespmem:$0x13F00] =	vst v63  }
0x1f2: {  	s7 =	sadd.s32 @!p1 s7, s21;
	s6 =	sadd.s32 $0x400, s6  }
0x1f3: {  	s0 =	sld [smem:$0x7FC];
	_ =	sdelay $0x2  }
0x1f4: {  	p0 =	seq.s32 s0, $0x1  }
.Ltmp22:
0x1f5: {  	_ = 	snop;
	(pc) =	sbr.rel @p0 .LBB2_16-.Ltmp22, $2  }
0x1f6: {  	_ =	sdelay $0x2  }
0x1f7: {  	[hbm4b:s7+s5] =	stream.linear.scatter @!p1 [tilespmem:s1], [sflag:$0x1], $0x400, $0x38;
	[tilespmem:$0x13F00] =	vst v63  }
0x1f8: {  	s0 =	sadd.s32 $0xFFFFFFFE, s20  }
0x1f9: {  	s0 =	sand.u32 $0xFFFFFFFC, s0  }
0x1fa: {  	p0 =	seq.s32 s0, $0x18  }
0x1fb: {  	s0 =	simm.s32 @p0 $0x2  }
0x1fc: {  	_ =	swait.ge @p0 [sflag:s0], $0x100  }
0x1fd: {  	[sflag:s0] =	ssyncset.done @p0 $0x0  }
0x1fe: {  	s1 =	simm.s32 @!p0 $0x2;
	[sflag:s0] =	ssyncadd.s32 @p0 $0xFFFFFF00  }
0x1ff: {  	_ =	swait.ge @!p0 [sflag:s1], $0x400  }
0x200: {  	s4 =	simm.s32 $0x19;
	[sflag:s1] =	ssyncset.done @!p0 $0x0  }
.LBB2_14:
0x201: {  	s4 =	sadd.s32 $0xFFFFFFFF, s4  }
0x202: {  	[sflag:s1] =	ssyncadd.s32 @!p0 $0xFFFFFC00;
	p2 =	sne.s32 s4, $0x0  }
.Ltmp23:
0x203: {  	_ =	swait.ge @p0 [sflag:s0], $0x100;
	(pc) =	sbr.rel @p2 .LBB2_14-.Ltmp23, $4  }
0x204: {  	[sflag:s0] =	ssyncset.done @p0 $0x0  }
0x205: {  	[sflag:s0] =	ssyncadd.s32 @p0 $0xFFFFFF00  }
0x206: {  	_ =	swait.ge @!p0 [sflag:s1], $0x400  }
0x207: {  	[sflag:s1] =	ssyncset.done @!p0 $0x0  }
0x208: {  	s0 =	simm.s32 @p0 $0x2;
	[sflag:s1] =	ssyncadd.s32 @!p0 $0xFFFFFC00  }
0x209: {  	_ =	swait.ge @p0 [sflag:s0], $0x100  }
0x20a: {  	[sflag:s0] =	ssyncset.done @p0 $0x0  }
0x20b: {  	[sflag:s0] =	ssyncadd.s32 @p0 $0xFFFFFF00;
	s0 =	simm.s32 @!p0 $0x2  }
0x20c: {  	_ =	swait.ge @!p0 [sflag:s0], $0x400  }
0x20d: {  	[sflag:s0] =	ssyncset.done @!p0 $0x0  }
0x20e: {  	[sflag:s0] =	ssyncadd.s32 @!p0 $0xFFFFFC00  }
.LBB2_16:
0x20f: {  	s20 =	simm.s32 $0x0;
	s21 =	simm.s32 $0xD300  }
.LBB2_17:
0x210: {  	v1 =	vadd.s32 s18, v0;
	_ =	sdelay $0x4  }
0x211: {  	v1 =	vld.idx.msk [tilespmem:v1+s11+$0x0], $0xffff;
	_ =	sdelay $0x4  }
0x212: {  	v1 =	vmul.u32 $0x1B, v1;
	_ =	sdelay $0x5  }
0x213: {  	v2 =	vld.idx.msk [tilespmem:v1+s3+$0x0], $0xffff;
	_ =	sdelay $0x2  }
0x214: {  	v3 =	vadd.s32 $0x1, v1;
	_ =	sdelay $0x1  }
0x215: {  	p2 =	por $0x0, $0x0;
	[tilespmem:s21+$0x0] =	vst v2  }
0x216: {  	s0 =	simm.s32 @!p2 $0x0;
	s31 =	sld [smem:$0x7FA]  }
0x217: {  	s0 =	simm.s32 @p2 $0x1;
	p2 =	por $0x0, $0x0  }
0x218: {  	v18 =	vld.idx.msk [tilespmem:v3+s3+$0x0], $0xffff;
	[smem:$0x7F5] =	sst s0;
	s0 =	simm.s32 @!p2 $0x0  }
0x219: {  	s0 =	simm.s32 @p2 $0x1;
	p2 =	seq.s32 s31, $0x1  }
.Ltmp24:
0x21a: {  	_ = 	snop;
	(pc) =	sbr.rel @p2 .LBB2_18-.Ltmp24, $3  }
0x21b: {  	_ =	sdelay $0x1  }
0x21c: {  	s1 =	sadd.s32 $0x1, s18;
	p3 =	por $0x0, $0x0;
	p4 =	por $0x0, $0x0  }
0x21d: {  	p5 =	por $0x0, $0x0;
	p0 =	por $0x0, $0x0;
	v23 =	vadd.s32 $0x2, v1;
	[smem:$0x7F6] =	sst s0  }
0x21e: {  	_ = 	snop  }
0x21f: {  	v2 =	vadd.s32 s1, v0;
	_ =	sdelay $0x1  }
0x220: {  	[tilespmem:s21+$0x400] =	vst v18  }
0x221: {  	v3 =	vld.idx.msk [tilespmem:v23+s3+$0x0], $0xffff  }
0x222: {  	v4 =	vadd.s32 $0x3, v1  }
0x223: {  	v2 =	vld.idx.msk [tilespmem:v2+s11+$0x0], $0xffff;
	_ =	sdelay $0x2  }
0x224: {  	[tilespmem:s21+$0x800] =	vst v3  }
0x225: {  	v3 =	vld.idx.msk [tilespmem:v4+s3+$0x0], $0xffff  }
0x226: {  	v63 =	vadd.s32 $0x4, v1;
	v2 =	vmul.u32 $0x1B, v2;
	_ =	sdelay $0x3  }
0x227: {  	[tilespmem:s21+$0xC00] =	vst v3  }
0x228: {  	v4 =	vld.idx.msk [tilespmem:v63+s3+$0x0], $0xffff  }
0x229: {  	v6 =	vadd.s32 $0x5, v1;
	v3 =	vld.idx.msk [tilespmem:v2+s3+$0x0], $0xffff  }
0x22a: {  	p2 =	seq.s32 s19, $0x1;
	v5 =	vadd.s32 $0x1, v2  }
.Ltmp25:
0x22b: {  	_ = 	snop;
	(pc) =	sbr.rel @p2 .LBB2_43-.Ltmp25, $4  }
0x22c: {  	_ = 	snop  }
0x22d: {  	s22 =	sadd.s32 $0x80, s21;
	[tilespmem:s21+$0x1000] =	vst v4  }
0x22e: {  	v19 =	vld.idx.msk [tilespmem:v6+s3+$0x0], $0xffff;
	[tilespmem:s22+$0x0] =	vst v3  }
0x22f: {  	s0 =	sadd.s32 $0xFFFFFFFF, s19;
	s1 =	sadd.s32 $0x1, s1;
	v27 =	vadd.s32 $0x6, v1;
	p3 =	por $0x1, $0x1;
	v23 =	vadd.s32 $0x2, v2;
	v18 =	vld.idx.msk [tilespmem:v5+s3+$0x0], $0xffff  }
0x230: {  	_ = 	snop  }
0x231: {  	v3 =	vadd.s32 s1, v0;
	_ =	sdelay $0x1  }
0x232: {  	[tilespmem:s21+$0x1400] =	vst v19  }
0x233: {  	[tilespmem:s22+$0x400] =	vst v18;
	v5 =	vld.idx.msk [tilespmem:v27+s3+$0x0], $0xffff  }
0x234: {  	v4 =	vld.idx.msk [tilespmem:v23+s3+$0x0], $0xffff  }
0x235: {  	v7 =	vadd.s32 $0x7, v1;
	v3 =	vld.idx.msk [tilespmem:v3+s11+$0x0], $0xffff  }
0x236: {  	v6 =	vadd.s32 $0x3, v2;
	_ =	sdelay $0x2  }
0x237: {  	[tilespmem:s21+$0x1800] =	vst v5  }
0x238: {  	[tilespmem:s22+$0x800] =	vst v4;
	v4 =	vmul.u32 $0x1B, v3;
	v5 =	vld.idx.msk [tilespmem:v7+s3+$0x0], $0xffff  }
0x239: {  	v3 =	vld.idx.msk [tilespmem:v6+s3+$0x0], $0xffff  }
0x23a: {  	v7 =	vadd.s32 $0x8, v1  }
0x23b: {  	v6 =	vadd.s32 $0x4, v2;
	_ =	sdelay $0x1  }
0x23c: {  	[tilespmem:s21+$0x1C00] =	vst v5  }
0x23d: {  	[tilespmem:s22+$0xC00] =	vst v3;
	v3 =	vld.idx.msk [tilespmem:v4+s3+$0x0], $0xffff  }
0x23e: {  	v7 =	vld.idx.msk [tilespmem:v7+s3+$0x0], $0xffff  }
0x23f: {  	v5 =	vld.idx.msk [tilespmem:v6+s3+$0x0], $0xffff;
	v6 =	vadd.s32 $0x1, v4  }
0x240: {  	v9 =	vadd.s32 $0x9, v1  }
0x241: {  	v8 =	vadd.s32 $0x5, v2;
	p2 =	seq.s32 s0, $0x1  }
.Ltmp26:
0x242: {  	s24 =	sadd.s32 $0x80, s22;
	(pc) =	sbr.rel @p2 .LBB2_45-.Ltmp26, $4  }
0x243: {  	[tilespmem:s24+$0x0] =	vst v3  }
0x244: {  	[tilespmem:s21+$0x2000] =	vst v7;
	v18 =	vld.idx.msk [tilespmem:v6+s3+$0x0], $0xffff  }
0x245: {  	[tilespmem:s22+$0x1000] =	vst v5;
	v26 =	vld.idx.msk [tilespmem:v9+s3+$0x0], $0xffff  }
0x246: {  	s0 =	sadd.s32 $0xFFFFFFFF, s0;
	s4 =	sadd.s32 $0x1, s1;
	p4 =	por $0x1, $0x1;
	v27 =	vadd.s32 $0x6, v2;
	v23 =	vadd.s32 $0x2, v4;
	v19 =	vld.idx.msk [tilespmem:v8+s3+$0x0], $0xffff  }
0x247: {  	v3 =	vadd.s32 s4, v0;
	_ =	sdelay $0x1  }
0x248: {  	v5 =	vadd.s32 $0xA, v1  }
0x249: {  	[tilespmem:s24+$0x400] =	vst v18  }
0x24a: {  	v6 =	vld.idx.msk [tilespmem:v23+s3+$0x0], $0xffff  }
0x24b: {  	[tilespmem:s22+$0x1400] =	vst v19;
	v3 =	vld.idx.msk [tilespmem:v3+s11+$0x0], $0xffff  }
0x24c: {  	v8 =	vadd.s32 $0x3, v4;
	[tilespmem:s21+$0x2400] =	vst v26;
	v7 =	vld.idx.msk [tilespmem:v27+s3+$0x0], $0xffff  }
0x24d: {  	v9 =	vadd.s32 $0x7, v2;
	v10 =	vld.idx.msk [tilespmem:v5+s3+$0x0], $0xffff  }
0x24e: {  	v11 =	vadd.s32 $0xB, v1;
	_ =	sdelay $0x1  }
0x24f: {  	[tilespmem:s24+$0x800] =	vst v6;
	v5 =	vmul.u32 $0x1B, v3  }
0x250: {  	v3 =	vld.idx.msk [tilespmem:v8+s3+$0x0], $0xffff;
	[tilespmem:s22+$0x1800] =	vst v7  }
0x251: {  	[tilespmem:s21+$0x2800] =	vst v10;
	v7 =	vadd.s32 $0x4, v4;
	v6 =	vld.idx.msk [tilespmem:v9+s3+$0x0], $0xffff  }
0x252: {  	v60 =	vadd.s32 $0x8, v2;
	v59 =	vld.idx.msk [tilespmem:v11+s3+$0x0], $0xffff  }
0x253: {  	v61 =	vadd.s32 $0xC, v1;
	_ =	sdelay $0x1  }
0x254: {  	[tilespmem:s24+$0xC00] =	vst v3;
	v3 =	vld.idx.msk [tilespmem:v5+s3+$0x0], $0xffff  }
0x255: {  	[tilespmem:s22+$0x1C00] =	vst v6;
	v6 =	vld.idx.msk [tilespmem:v7+s3+$0x0], $0xffff;
	v7 =	vadd.s32 $0x1, v5  }
0x256: {  	v62 =	vadd.s32 $0x5, v4;
	[tilespmem:s21+$0x2C00] =	vst v59;
	v9 =	vld.idx.msk [tilespmem:v60+s3+$0x0], $0xffff  }
0x257: {  	v63 =	vadd.s32 $0x9, v2;
	v10 =	vld.idx.msk [tilespmem:v61+s3+$0x0], $0xffff  }
0x258: {  	s25 =	sadd.s32 $0x80, s24;
	v12 =	vadd.s32 $0xD, v1;
	p2 =	seq.s32 s0, $0x1  }
.Ltmp27:
0x259: {  	[tilespmem:s25+$0x0] =	vst v3;
	(pc) =	sbr.rel @p2 .LBB2_47-.Ltmp27, $4  }
0x25a: {  	[tilespmem:s24+$0x1000] =	vst v6;
	v18 =	vld.idx.msk [tilespmem:v7+s3+$0x0], $0xffff  }
0x25b: {  	v19 =	vld.idx.msk [tilespmem:v62+s3+$0x0], $0xffff;
	[tilespmem:s22+$0x2000] =	vst v9  }
0x25c: {  	[tilespmem:s21+$0x3000] =	vst v10;
	v26 =	vld.idx.msk [tilespmem:v63+s3+$0x0], $0xffff  }
0x25d: {  	s1 =	sadd.s32 $0xFFFFFFFF, s0;
	s5 =	sadd.s32 $0x1, s4;
	p5 =	por $0x1, $0x1;
	v27 =	vadd.s32 $0x6, v4;
	v23 =	vadd.s32 $0x2, v5;
	v31 =	vld.idx.msk [tilespmem:v12+s3+$0x0], $0xffff  }
0x25e: {  	_ = 	snop  }
0x25f: {  	v3 =	vadd.s32 s5, v0  }
0x260: {  	v7 =	vadd.s32 $0xE, v1  }
0x261: {  	v6 =	vadd.s32 $0xA, v2;
	[tilespmem:s25+$0x400] =	vst v18  }
0x262: {  	v8 =	vld.idx.msk [tilespmem:v23+s3+$0x0], $0xffff;
	[tilespmem:s24+$0x1400] =	vst v19  }
0x263: {  	v9 =	vld.idx.msk [tilespmem:v27+s3+$0x0], $0xffff  }
0x264: {  	v12 =	vadd.s32 $0x7, v4;
	[tilespmem:s21+$0x3400] =	vst v31;
	v3 =	vld.idx.msk [tilespmem:v3+s11+$0x0], $0xffff  }
0x265: {  	v11 =	vadd.s32 $0x3, v5;
	[tilespmem:s22+$0x2400] =	vst v26;
	v7 =	vld.idx.msk [tilespmem:v7+s3+$0x0], $0xffff  }
0x266: {  	v14 =	vadd.s32 $0xF, v1;
	v6 =	vld.idx.msk [tilespmem:v6+s3+$0x0], $0xffff  }
0x267: {  	v13 =	vadd.s32 $0xB, v2  }
0x268: {  	[tilespmem:s24+$0x1800] =	vst v9  }
0x269: {  	[tilespmem:s25+$0x800] =	vst v8;
	v8 =	vld.idx.msk [tilespmem:v12+s3+$0x0], $0xffff  }
0x26a: {  	v10 =	vmul.u32 $0x1B, v3;
	v3 =	vld.idx.msk [tilespmem:v11+s3+$0x0], $0xffff;
	[tilespmem:s21+$0x3800] =	vst v7;
	v7 =	vadd.s32 $0x8, v4  }
0x26b: {  	[tilespmem:s22+$0x2800] =	vst v6;
	v11 =	vld.idx.msk [tilespmem:v14+s3+$0x0], $0xffff  }
0x26c: {  	v6 =	vadd.s32 $0x4, v5;
	v9 =	vld.idx.msk [tilespmem:v13+s3+$0x0], $0xffff  }
0x26d: {  	v61 =	vadd.s32 $0xC, v2  }
0x26e: {  	v62 =	vadd.s32 $0x10, v1;
	[tilespmem:s24+$0x1C00] =	vst v8  }
0x26f: {  	[tilespmem:s25+$0xC00] =	vst v3;
	v7 =	vld.idx.msk [tilespmem:v7+s3+$0x0], $0xffff  }
0x270: {  	v3 =	vld.idx.msk [tilespmem:v10+s3+$0x0], $0xffff;
	[tilespmem:s21+$0x3C00] =	vst v11;
	v11 =	vadd.s32 $0x9, v4  }
0x271: {  	v8 =	vadd.s32 $0x1, v10;
	v6 =	vld.idx.msk [tilespmem:v6+s3+$0x0], $0xffff;
	[tilespmem:s22+$0x2C00] =	vst v9  }
0x272: {  	v9 =	vadd.s32 $0x5, v5;
	v12 =	vld.idx.msk [tilespmem:v61+s3+$0x0], $0xffff  }
0x273: {  	v63 =	vadd.s32 $0xD, v2;
	p2 =	seq.s32 s1, $0x1;
	v13 =	vld.idx.msk [tilespmem:v62+s3+$0x0], $0xffff  }
.Ltmp28:
0x274: {  	s0 =	sadd.s32 $0x80, s25;
	[tilespmem:s24+$0x2000] =	vst v7;
	(pc) =	sbr.rel @p2 .LBB2_49-.Ltmp28, $4  }
0x275: {  	[tilespmem:s0+$0x0] =	vst v3;
	v26 =	vld.idx.msk [tilespmem:v11+s3+$0x0], $0xffff  }
0x276: {  	[tilespmem:s25+$0x1000] =	vst v6;
	v18 =	vld.idx.msk [tilespmem:v8+s3+$0x0], $0xffff  }
0x277: {  	v19 =	vld.idx.msk [tilespmem:v9+s3+$0x0], $0xffff;
	[tilespmem:s22+$0x3000] =	vst v12  }
0x278: {  	s4 =	sadd.s32 $0xFFFFFFFF, s1;
	s5 =	sadd.s32 $0x1, s5;
	v27 =	vadd.s32 $0x6, v5;
	v23 =	vadd.s32 $0x2, v10;
	[tilespmem:s21+$0x4000] =	vst v13;
	v31 =	vld.idx.msk [tilespmem:v63+s3+$0x0], $0xffff  }
0x279: {  	v3 =	vadd.s32 s5, v0;
	_ =	sdelay $0x1  }
0x27a: {  	v6 =	vadd.s32 $0xA, v4  }
0x27b: {  	v7 =	vadd.s32 $0xE, v2;
	[tilespmem:s0+$0x400] =	vst v18  }
0x27c: {  	v8 =	vld.idx.msk [tilespmem:v23+s3+$0x0], $0xffff  }
0x27d: {  	[tilespmem:s25+$0x1400] =	vst v19;
	v3 =	vld.idx.msk [tilespmem:v3+s11+$0x0], $0xffff  }
0x27e: {  	v12 =	vadd.s32 $0x3, v10;
	[tilespmem:s24+$0x2400] =	vst v26;
	v11 =	vld.idx.msk [tilespmem:v27+s3+$0x0], $0xffff  }
0x27f: {  	v13 =	vadd.s32 $0x7, v5;
	[tilespmem:s22+$0x3400] =	vst v31;
	v6 =	vld.idx.msk [tilespmem:v6+s3+$0x0], $0xffff  }
0x280: {  	v14 =	vadd.s32 $0xB, v4;
	v7 =	vld.idx.msk [tilespmem:v7+s3+$0x0], $0xffff  }
0x281: {  	v15 =	vadd.s32 $0xF, v2  }
0x282: {  	v16 =	vadd.s32 $0x11, v1;
	[tilespmem:s0+$0x800] =	vst v8;
	v9 =	vmul.u32 $0x1B, v3  }
0x283: {  	[tilespmem:s25+$0x1800] =	vst v11;
	v3 =	vld.idx.msk [tilespmem:v12+s3+$0x0], $0xffff  }
0x284: {  	v8 =	vld.idx.msk [tilespmem:v13+s3+$0x0], $0xffff;
	[tilespmem:s24+$0x2800] =	vst v6;
	v6 =	vadd.s32 $0x4, v10  }
0x285: {  	[tilespmem:s22+$0x3800] =	vst v7;
	v7 =	vadd.s32 $0x8, v5;
	v11 =	vld.idx.msk [tilespmem:v14+s3+$0x0], $0xffff  }
0x286: {  	v60 =	vadd.s32 $0xC, v4;
	v59 =	vld.idx.msk [tilespmem:v15+s3+$0x0], $0xffff  }
0x287: {  	v61 =	vld.idx.msk [tilespmem:v16+s3+$0x0], $0xffff;
	v15 =	vadd.s32 $0x10, v2  }
0x288: {  	v16 =	vadd.s32 $0x12, v1;
	[tilespmem:s0+$0xC00] =	vst v3;
	v3 =	vld.idx.msk [tilespmem:v9+s3+$0x0], $0xffff  }
0x289: {  	v17 =	vadd.s32 $0x1, v9;
	[tilespmem:s25+$0x1C00] =	vst v8;
	v6 =	vld.idx.msk [tilespmem:v6+s3+$0x0], $0xffff  }
0x28a: {  	v7 =	vld.idx.msk [tilespmem:v7+s3+$0x0], $0xffff;
	[tilespmem:s24+$0x2C00] =	vst v11;
	v11 =	vadd.s32 $0x5, v10  }
0x28b: {  	v62 =	vadd.s32 $0x9, v5;
	[tilespmem:s22+$0x3C00] =	vst v59;
	v13 =	vld.idx.msk [tilespmem:v60+s3+$0x0], $0xffff  }
0x28c: {  	s1 =	sadd.s32 $0x80, s0;
	p2 =	seq.s32 s4, $0x1;
	[tilespmem:s21+$0x4400] =	vst v61;
	v63 =	vld.idx.msk [tilespmem:v15+s3+$0x0], $0xffff;
	v15 =	vadd.s32 $0xD, v4  }
.Ltmp29:
0x28d: {  	v8 =	vld.idx.msk [tilespmem:v16+s3+$0x0], $0xffff;
	[tilespmem:s1+$0x0] =	vst v3;
	(pc) =	sbr.rel @p2 .LBB2_51-.Ltmp29, $4  }
0x28e: {  	[tilespmem:s0+$0x1000] =	vst v6;
	v18 =	vld.idx.msk [tilespmem:v17+s3+$0x0], $0xffff  }
0x28f: {  	[tilespmem:s25+$0x2000] =	vst v7;
	v19 =	vld.idx.msk [tilespmem:v11+s3+$0x0], $0xffff  }
0x290: {  	v26 =	vld.idx.msk [tilespmem:v62+s3+$0x0], $0xffff;
	[tilespmem:s24+$0x3000] =	vst v13  }
0x291: {  	s4 =	sadd.s32 $0xFFFFFFFF, s4;
	s5 =	sadd.s32 $0x1, s5;
	p0 =	por $0x1, $0x1;
	v27 =	vadd.s32 $0x6, v10;
	v23 =	vadd.s32 $0x2, v9;
	v11 =	vadd.s32 $0x13, v1;
	[tilespmem:s22+$0x4000] =	vst v63;
	v16 =	vld.idx.msk [tilespmem:v15+s3+$0x0], $0xffff  }
0x292: {  	_ =	sdelay $0x1  }
0x293: {  	v3 =	vadd.s32 s5, v0  }
0x294: {  	[tilespmem:s21+$0x4800] =	vst v8;
	v6 =	vadd.s32 $0xA, v5  }
0x295: {  	v12 =	vadd.s32 $0xE, v4;
	v7 =	vld.idx.msk [tilespmem:v11+s3+$0x0], $0xffff;
	[tilespmem:s1+$0x400] =	vst v18  }
0x296: {  	v14 =	vadd.s32 $0x14, v1;
	v13 =	vld.idx.msk [tilespmem:v23+s3+$0x0], $0xffff;
	[tilespmem:s0+$0x1400] =	vst v19  }
0x297: {  	v17 =	vadd.s32 $0x3, v9;
	v15 =	vld.idx.msk [tilespmem:v27+s3+$0x0], $0xffff  }
0x298: {  	v18 =	vadd.s32 $0x7, v10;
	[tilespmem:s25+$0x2400] =	vst v26;
	v3 =	vld.idx.msk [tilespmem:v3+s11+$0x0], $0xffff  }
0x299: {  	v19 =	vadd.s32 $0x11, v2;
	[tilespmem:s24+$0x3400] =	vst v16;
	v6 =	vld.idx.msk [tilespmem:v6+s3+$0x0], $0xffff  }
0x29a: {  	v12 =	vld.idx.msk [tilespmem:v12+s3+$0x0], $0xffff;
	[tilespmem:s21+$0x4C00] =	vst v7;
	v7 =	vadd.s32 $0xB, v5  }
0x29b: {  	v14 =	vld.idx.msk [tilespmem:v14+s3+$0x0], $0xffff;
	[tilespmem:s1+$0x800] =	vst v13;
	v13 =	vadd.s32 $0xF, v4  }
0x29c: {  	v17 =	vld.idx.msk [tilespmem:v17+s3+$0x0], $0xffff;
	[tilespmem:s0+$0x1800] =	vst v15;
	v15 =	vadd.s32 $0x15, v1  }
0x29d: {  	v33 =	vmul.u32 $0x1B, v3;
	v3 =	vld.idx.msk [tilespmem:v18+s3+$0x0], $0xffff;
	v18 =	vadd.s32 $0x4, v9  }
0x29e: {  	[tilespmem:s25+$0x2800] =	vst v6;
	v6 =	vld.idx.msk [tilespmem:v19+s3+$0x0], $0xffff  }
0x29f: {  	[tilespmem:s24+$0x3800] =	vst v12;
	v12 =	vadd.s32 $0x8, v10;
	v7 =	vld.idx.msk [tilespmem:v7+s3+$0x0], $0xffff  }
0x2a0: {  	v13 =	vld.idx.msk [tilespmem:v13+s3+$0x0], $0xffff;
	[tilespmem:s21+$0x5000] =	vst v14;
	v14 =	vadd.s32 $0xC, v5  }
0x2a1: {  	v19 =	vadd.s32 $0x10, v4;
	v15 =	vld.idx.msk [tilespmem:v15+s3+$0x0], $0xffff;
	[tilespmem:s1+$0xC00] =	vst v17  }
0x2a2: {  	v20 =	vadd.s32 $0x12, v2;
	[tilespmem:s0+$0x1C00] =	vst v3;
	v3 =	vld.idx.msk [tilespmem:v18+s3+$0x0], $0xffff  }
0x2a3: {  	v18 =	vadd.s32 $0x16, v1;
	[tilespmem:s22+$0x4400] =	vst v6;
	v17 =	vld.idx.msk [tilespmem:v33+s3+$0x0], $0xffff  }
0x2a4: {  	[tilespmem:s25+$0x2C00] =	vst v7;
	v7 =	vadd.s32 $0x1, v33;
	v21 =	vld.idx.msk [tilespmem:v12+s3+$0x0], $0xffff  }
0x2a5: {  	[tilespmem:s24+$0x3C00] =	vst v13;
	v13 =	vadd.s32 $0x5, v9;
	v14 =	vld.idx.msk [tilespmem:v14+s3+$0x0], $0xffff  }
0x2a6: {  	v22 =	vadd.s32 $0x9, v10;
	v25 =	vld.idx.msk [tilespmem:v19+s3+$0x0], $0xffff;
	[tilespmem:s21+$0x5400] =	vst v15  }
0x2a7: {  	s6 =	sadd.s32 $0x80, s1;
	v24 =	vadd.s32 $0xD, v5;
	p2 =	seq.s32 s4, $0x1;
	v12 =	vld.idx.msk [tilespmem:v20+s3+$0x0], $0xffff;
	[tilespmem:s1+$0x1000] =	vst v3  }
.Ltmp30:
0x2a8: {  	v6 =	vld.idx.msk [tilespmem:v18+s3+$0x0], $0xffff;
	[tilespmem:s6+$0x0] =	vst v17;
	(pc) =	sbr.rel @p2 .LBB2_53-.Ltmp30, $4  }
0x2a9: {  	p0 =	por $0x1, $0x1;
	[tilespmem:s0+$0x2000] =	vst v21;
	v18 =	vld.idx.msk [tilespmem:v7+s3+$0x0], $0xffff  }
0x2aa: {  	s7 =	simm.s32 @!p0 $0x0;
	v19 =	vld.idx.msk [tilespmem:v13+s3+$0x0], $0xffff;
	[tilespmem:s25+$0x3000] =	vst v14  }
0x2ab: {  	s7 =	simm.s32 @p0 $0x1;
	v27 =	vadd.s32 $0x6, v9;
	v29 =	vld.idx.msk [tilespmem:v22+s3+$0x0], $0xffff;
	[tilespmem:s24+$0x4000] =	vst v25  }
0x2ac: {  	s4 =	sadd.s32 $0xFFFFFFFF, s4;
	s5 =	sadd.s32 $0x1, s5;
	v23 =	vadd.s32 $0x2, v33;
	v15 =	vadd.s32 $0x13, v2;
	v7 =	vadd.s32 $0x17, v1;
	v24 =	vld.idx.msk [tilespmem:v24+s3+$0x0], $0xffff;
	[smem:$0x7F5] =	sst s7  }
0x2ad: {  	_ =	sdelay $0x2  }
0x2ae: {  	v3 =	vadd.s32 s5, v0;
	[tilespmem:s22+$0x4800] =	vst v12  }
0x2af: {  	v13 =	vadd.s32 $0xA, v10;
	[tilespmem:s21+$0x5800] =	vst v6;
	v14 =	vld.idx.msk [tilespmem:v15+s3+$0x0], $0xffff  }
0x2b0: {  	v17 =	vadd.s32 $0xE, v5;
	[tilespmem:s6+$0x400] =	vst v18;
	v18 =	vld.idx.msk [tilespmem:v7+s3+$0x0], $0xffff  }
0x2b1: {  	v20 =	vld.idx.msk [tilespmem:v23+s3+$0x0], $0xffff;
	[tilespmem:s1+$0x1400] =	vst v19;
	v19 =	vadd.s32 $0x14, v2  }
0x2b2: {  	v21 =	vadd.s32 $0x18, v1;
	v22 =	vld.idx.msk [tilespmem:v27+s3+$0x0], $0xffff  }
0x2b3: {  	v23 =	vadd.s32 $0x3, v33;
	[tilespmem:s0+$0x2400] =	vst v29;
	v3 =	vld.idx.msk [tilespmem:v3+s11+$0x0], $0xffff  }
0x2b4: {  	v25 =	vadd.s32 $0x7, v9;
	[tilespmem:s25+$0x3400] =	vst v24;
	v13 =	vld.idx.msk [tilespmem:v13+s3+$0x0], $0xffff  }
0x2b5: {  	v26 =	vadd.s32 $0x11, v4;
	v17 =	vld.idx.msk [tilespmem:v17+s3+$0x0], $0xffff;
	[tilespmem:s22+$0x4C00] =	vst v14  }
0x2b6: {  	v14 =	vadd.s32 $0xB, v10;
	[tilespmem:s21+$0x5C00] =	vst v18;
	v19 =	vld.idx.msk [tilespmem:v19+s3+$0x0], $0xffff  }
0x2b7: {  	v18 =	vadd.s32 $0xF, v5;
	[tilespmem:s6+$0x800] =	vst v20;
	v20 =	vld.idx.msk [tilespmem:v21+s3+$0x0], $0xffff  }
0x2b8: {  	v21 =	vld.idx.msk [tilespmem:v23+s3+$0x0], $0xffff;
	[tilespmem:s1+$0x1800] =	vst v22;
	v22 =	vadd.s32 $0x15, v2  }
0x2b9: {  	v23 =	vadd.s32 $0x19, v1;
	v25 =	vld.idx.msk [tilespmem:v25+s3+$0x0], $0xffff;
	[tilespmem:s0+$0x2800] =	vst v13  }
0x2ba: {  	v13 =	vld.idx.msk [tilespmem:v26+s3+$0x0], $0xffff;
	v26 =	vadd.s32 $0x4, v33;
	[tilespmem:s25+$0x3800] =	vst v17  }
0x2bb: {  	v3 =	vmul.u32 $0x1B, v3;
	v17 =	vadd.s32 $0x8, v9;
	v14 =	vld.idx.msk [tilespmem:v14+s3+$0x0], $0xffff;
	[tilespmem:s22+$0x5000] =	vst v19  }
0x2bc: {  	v18 =	vld.idx.msk [tilespmem:v18+s3+$0x0], $0xffff;
	[tilespmem:s21+$0x6000] =	vst v20  }
0x2bd: {  	v19 =	vadd.s32 $0xC, v10;
	v22 =	vld.idx.msk [tilespmem:v22+s3+$0x0], $0xffff;
	[tilespmem:s6+$0xC00] =	vst v21  }
0x2be: {  	v20 =	vadd.s32 $0x10, v5;
	v21 =	vld.idx.msk [tilespmem:v23+s3+$0x0], $0xffff;
	[tilespmem:s1+$0x1C00] =	vst v25  }
0x2bf: {  	v25 =	vadd.s32 $0x12, v4;
	v26 =	vld.idx.msk [tilespmem:v26+s3+$0x0], $0xffff;
	[tilespmem:s24+$0x4400] =	vst v13  }
0x2c0: {  	v13 =	vadd.s32 $0x16, v2;
	v17 =	vld.idx.msk [tilespmem:v17+s3+$0x0], $0xffff;
	[tilespmem:s0+$0x2C00] =	vst v14  }
0x2c1: {  	v23 =	vld.idx.msk [tilespmem:v3+s3+$0x0], $0xffff;
	v14 =	vadd.s32 $0x5, v33;
	[tilespmem:s25+$0x3C00] =	vst v18  }
0x2c2: {  	v27 =	vadd.s32 $0x1, v3;
	v30 =	vld.idx.msk [tilespmem:v19+s3+$0x0], $0xffff;
	[tilespmem:s22+$0x5400] =	vst v22  }
0x2c3: {  	v31 =	vadd.s32 $0x9, v9;
	v32 =	vld.idx.msk [tilespmem:v20+s3+$0x0], $0xffff;
	[tilespmem:s21+$0x6400] =	vst v21  }
0x2c4: {  	v34 =	vadd.s32 $0xD, v10;
	p2 =	seq.s32 s4, $0x1;
	v20 =	vld.idx.msk [tilespmem:v25+s3+$0x0], $0xffff;
	[tilespmem:s6+$0x1000] =	vst v26  }
.Ltmp31:
0x2c5: {  	s23 =	sadd.s32 $0x80, s6;
	v25 =	vadd.s32 $0x1A, v1;
	v22 =	vld.idx.msk [tilespmem:v13+s3+$0x0], $0xffff;
	[tilespmem:s1+$0x2000] =	vst v17;
	(pc) =	sbr.rel @p2 .LBB2_55-.Ltmp31, $4  }
0x2c6: {  	v28 =	vadd.s32 $0x13, v4;
	s9 =	sadd.s32 $0xFFFFFFFF, s4;
	p0 =	por $0x1, $0x1;
	[tilespmem:s23+$0x0] =	vst v23;
	v19 =	vld.idx.msk [tilespmem:v14+s3+$0x0], $0xffff  }
0x2c7: {  	s10 =	sadd.s32 $0x1, s5;
	s5 =	smov.u32 s22;
	s4 =	simm.s32 @!p0 $0x0;
	v18 =	vld.idx.msk [tilespmem:v27+s3+$0x0], $0xffff;
	[tilespmem:s0+$0x3000] =	vst v30;
	v30 =	vadd.s32 $0x17, v2  }
0x2c8: {  	s8 =	smov.u32 s0;
	s7 =	smov.u32 s21;
	s4 =	simm.s32 @p0 $0x1;
	v26 =	vld.idx.msk [tilespmem:v31+s3+$0x0], $0xffff;
	v23 =	vadd.s32 $0x2, v3;
	[tilespmem:s25+$0x4000] =	vst v32  }
0x2c9: {  	s14 =	smov.u32 s25;
	v21 =	vmovc v5;
	v17 =	vmovc v10;
	v13 =	vmov v4;
	v14 =	vmov v2;
	v27 =	vadd.s32 $0x6, v33;
	v31 =	vld.idx.msk [tilespmem:v34+s3+$0x0], $0xffff;
	[smem:$0x7F6] =	sst s4;
	s4 =	smov.u32 s24  }
.LBB2_56:
0x2ca: {  	v32 =	vadd.s32 s10, v0;
	p2 =	seq.s32 s9, $0x1;
	s9 =	sadd.s32 $0xFFFFFFFF, s9;
	[tilespmem:s4+$0x4800] =	vst v20;
	v20 =	vld.idx.msk [tilespmem:v25+s3+$0x0], $0xffff  }
0x2cb: {  	v25 =	vadd.s32 $0xA, v9;
	v28 =	vld.idx.msk [tilespmem:v28+s3+$0x0], $0xffff;
	[tilespmem:s5+$0x5800] =	vst v22  }
0x2cc: {  	[tilespmem:s23+$0x400] =	vst v18;
	v18 =	vadd.s32 $0xE, v17;
	v22 =	vld.idx.msk [tilespmem:v30+s3+$0x0], $0xffff  }
0x2cd: {  	v30 =	vadd.s32 $0x18, v14;
	v23 =	vld.idx.msk [tilespmem:v23+s3+$0x0], $0xffff;
	[tilespmem:s6+$0x1400] =	vst v19;
	v19 =	vadd.s32 $0x14, v13  }
0x2ce: {  	v27 =	vld.idx.msk [tilespmem:v27+s3+$0x0], $0xffff;
	[tilespmem:s1+$0x2400] =	vst v26  }
0x2cf: {  	v26 =	vld.idx.msk [tilespmem:v32+s11+$0x0], $0xffff;
	v32 =	vadd.s32 $0x3, v3;
	[tilespmem:s8+$0x3400] =	vst v31  }
0x2d0: {  	v31 =	vadd.s32 $0x7, v33;
	v25 =	vld.idx.msk [tilespmem:v25+s3+$0x0], $0xffff;
	[tilespmem:s7+$0x6800] =	vst v20;
	s7 =	smov.u32 s5;
	s5 =	smov.u32 s4;
	s4 =	smov.u32 s14  }
0x2d1: {  	v20 =	vadd.s32 $0x11, v21;
	s14 =	smov.u32 s8;
	s8 =	smov.u32 s1;
	s1 =	smov.u32 s6;
	v18 =	vld.idx.msk [tilespmem:v18+s3+$0x0], $0xffff;
	[tilespmem:s5+$0x4C00] =	vst v28  }
0x2d2: {  	s6 =	smov.u32 s23;
	v28 =	vadd.s32 $0xB, v9;
	v19 =	vld.idx.msk [tilespmem:v19+s3+$0x0], $0xffff;
	[tilespmem:s7+$0x5C00] =	vst v22  }
0x2d3: {  	v22 =	vadd.s32 $0xF, v17;
	[tilespmem:s23+$0x800] =	vst v23;
	v23 =	vld.idx.msk [tilespmem:v30+s3+$0x0], $0xffff  }
0x2d4: {  	v30 =	vld.idx.msk [tilespmem:v32+s3+$0x0], $0xffff;
	[tilespmem:s1+$0x1800] =	vst v27;
	v27 =	vadd.s32 $0x15, v13;
	v32 =	vadd.s32 $0x19, v14  }
0x2d5: {  	v26 =	vmul.u32 $0x1B, v26;
	v31 =	vld.idx.msk [tilespmem:v31+s3+$0x0], $0xffff  }
0x2d6: {  	[tilespmem:s8+$0x2800] =	vst v25;
	v20 =	vld.idx.msk [tilespmem:v20+s3+$0x0], $0xffff  }
0x2d7: {  	v25 =	vadd.s32 $0x4, v3;
	v28 =	vld.idx.msk [tilespmem:v28+s3+$0x0], $0xffff;
	[tilespmem:s14+$0x3800] =	vst v18  }
0x2d8: {  	v18 =	vadd.s32 $0x8, v33;
	v22 =	vld.idx.msk [tilespmem:v22+s3+$0x0], $0xffff;
	[tilespmem:s5+$0x5000] =	vst v19  }
0x2d9: {  	v19 =	vadd.s32 $0xC, v9;
	v27 =	vld.idx.msk [tilespmem:v27+s3+$0x0], $0xffff;
	[tilespmem:s7+$0x6000] =	vst v23  }
0x2da: {  	v23 =	vadd.s32 $0x10, v17;
	[tilespmem:s23+$0xC00] =	vst v30;
	v30 =	vld.idx.msk [tilespmem:v32+s3+$0x0], $0xffff  }
0x2db: {  	v32 =	vld.idx.msk [tilespmem:v26+s3+$0x0], $0xffff;
	[tilespmem:s1+$0x1C00] =	vst v31;
	v31 =	vadd.s32 $0x12, v21  }
0x2dc: {  	v35 =	vadd.s32 $0x16, v13;
	v34 =	vld.idx.msk [tilespmem:v25+s3+$0x0], $0xffff;
	[tilespmem:s4+$0x4400] =	vst v20  }
0x2dd: {  	v36 =	vadd.s32 $0x1, v26;
	v37 =	vld.idx.msk [tilespmem:v18+s3+$0x0], $0xffff;
	[tilespmem:s8+$0x2C00] =	vst v28  }
0x2de: {  	v38 =	vadd.s32 $0x5, v3;
	v39 =	vld.idx.msk [tilespmem:v19+s3+$0x0], $0xffff;
	[tilespmem:s14+$0x3C00] =	vst v22  }
0x2df: {  	v40 =	vadd.s32 $0x9, v33;
	v41 =	vld.idx.msk [tilespmem:v23+s3+$0x0], $0xffff;
	[tilespmem:s5+$0x5400] =	vst v27  }
0x2e0: {  	v42 =	vadd.s32 $0xD, v9;
	s23 =	sadd.s32 $0x80, s23;
	v25 =	vadd.s32 $0x1A, v14;
	v14 =	vmovc v13;
	v13 =	vmovc v21;
	v21 =	vmov v17;
	v20 =	vld.idx.msk [tilespmem:v31+s3+$0x0], $0xffff;
	[tilespmem:s7+$0x6400] =	vst v30  }
.Ltmp32:
0x2e1: {  	v17 =	vmovc v9;
	v9 =	vmov v33;
	v33 =	vmov v3;
	v3 =	vmov v26;
	[tilespmem:s23+$0x0] =	vst v32;
	v22 =	vld.idx.msk [tilespmem:v35+s3+$0x0], $0xffff;
	(pc) =	sbr.rel @!p2 .LBB2_56-.Ltmp32, $4  }
0x2e2: {  	v28 =	vadd.s32 $0x13, v13;
	v30 =	vadd.s32 $0x17, v14;
	v18 =	vld.idx.msk [tilespmem:v36+s3+$0x0], $0xffff;
	[tilespmem:s6+$0x1000] =	vst v34  }
0x2e3: {  	v19 =	vld.idx.msk [tilespmem:v38+s3+$0x0], $0xffff;
	[tilespmem:s1+$0x2000] =	vst v37  }
0x2e4: {  	v23 =	vadd.s32 $0x2, v3;
	v26 =	vld.idx.msk [tilespmem:v40+s3+$0x0], $0xffff;
	[tilespmem:s8+$0x3000] =	vst v39  }
0x2e5: {  	s10 =	sadd.s32 $0x1, s10;
	v27 =	vadd.s32 $0x6, v33;
	v31 =	vld.idx.msk [tilespmem:v42+s3+$0x0], $0xffff;
	[tilespmem:s14+$0x4000] =	vst v41  }
0x2e6: {  	p2 =	por $0x1, $0x1;
	v32 =	vmov v9;
	v9 =	vmov v33;
	p0 =	por $0x1, $0x1  }
.LBB2_58:
0x2e7: {  	_ =	sdelay $0x2  }
0x2e8: {  	[tilespmem:s23+$0x400] =	vst v18  }
0x2e9: {  	v18 =	vld.idx.msk [tilespmem:v23+s3+$0x0], $0xffff  }
0x2ea: {  	v33 =	vadd.s32 $0x3, v3;
	_ =	sdelay $0x3  }
0x2eb: {  	[tilespmem:s23+$0x800] =	vst v18  }
0x2ec: {  	v18 =	vld.idx.msk [tilespmem:v33+s3+$0x0], $0xffff  }
0x2ed: {  	v34 =	vadd.s32 $0x4, v3;
	_ =	sdelay $0x3  }
0x2ee: {  	[tilespmem:s23+$0xC00] =	vst v18  }
0x2ef: {  	v18 =	vld.idx.msk [tilespmem:v34+s3+$0x0], $0xffff  }
0x2f0: {  	v35 =	vadd.s32 $0x5, v3;
	_ =	sdelay $0x2  }
0x2f1: {  	[tilespmem:s6+$0x1400] =	vst @p3 v19  }
0x2f2: {  	v19 =	vld.idx.msk @p3 [tilespmem:v27+s3+$0x0], $0xffff;
	[tilespmem:s23+$0x1000] =	vst v18  }
0x2f3: {  	v27 =	vadd.s32 @p3 $0x7, v9;
	v18 =	vld.idx.msk [tilespmem:v35+s3+$0x0], $0xffff  }
0x2f4: {  	v36 =	vadd.s32 $0x6, v3;
	_ =	sdelay $0x2  }
0x2f5: {  	[tilespmem:s6+$0x1800] =	vst @p3 v19  }
0x2f6: {  	v19 =	vld.idx.msk @p3 [tilespmem:v27+s3+$0x0], $0xffff;
	[tilespmem:s23+$0x1400] =	vst v18  }
0x2f7: {  	v27 =	vadd.s32 @p3 $0x8, v9;
	v18 =	vld.idx.msk [tilespmem:v36+s3+$0x0], $0xffff  }
0x2f8: {  	v37 =	vadd.s32 $0x7, v3;
	_ =	sdelay $0x2  }
0x2f9: {  	[tilespmem:s6+$0x1C00] =	vst @p3 v19  }
0x2fa: {  	v19 =	vld.idx.msk @p3 [tilespmem:v27+s3+$0x0], $0xffff;
	[tilespmem:s23+$0x1800] =	vst v18  }
0x2fb: {  	v27 =	vadd.s32 @p3 $0x9, v9;
	v18 =	vld.idx.msk [tilespmem:v37+s3+$0x0], $0xffff  }
0x2fc: {  	v38 =	vadd.s32 $0x8, v3;
	_ =	sdelay $0x2  }
0x2fd: {  	[tilespmem:s6+$0x2000] =	vst @p3 v19  }
0x2fe: {  	v19 =	vld.idx.msk @p3 [tilespmem:v27+s3+$0x0], $0xffff;
	[tilespmem:s23+$0x1C00] =	vst v18  }
0x2ff: {  	v27 =	vadd.s32 @p4 $0xA, v32;
	v18 =	vld.idx.msk [tilespmem:v38+s3+$0x0], $0xffff  }
0x300: {  	v39 =	vadd.s32 $0x9, v3;
	v9 =	vpsel p3, v9, v10  }
0x301: {  	v10 =	vadd.s32 @p3 $0xA, v9;
	_ =	sdelay $0x1  }
0x302: {  	[tilespmem:s1+$0x2400] =	vst @p4 v26  }
0x303: {  	s0 =	smov.u32 @p3 s6;
	v23 =	vld.idx.msk @p4 [tilespmem:v27+s3+$0x0], $0xffff;
	[tilespmem:s23+$0x2000] =	vst v18;
	v18 =	vpsel p3, v19, v29  }
0x304: {  	v26 =	vadd.s32 @p4 $0xB, v32;
	v40 =	vld.idx.msk [tilespmem:v39+s3+$0x0], $0xffff;
	[tilespmem:s0+$0x2400] =	vst @p3 v18  }
0x305: {  	v41 =	vadd.s32 $0xA, v3;
	v10 =	vld.idx.msk @p3 [tilespmem:v10+s3+$0x0], $0xffff  }
0x306: {  	v27 =	vadd.s32 @p3 $0xB, v9;
	_ =	sdelay $0x1  }
0x307: {  	[tilespmem:s1+$0x2800] =	vst @p4 v23  }
0x308: {  	v19 =	vld.idx.msk @p4 [tilespmem:v26+s3+$0x0], $0xffff;
	[tilespmem:s23+$0x2400] =	vst v40  }
0x309: {  	v23 =	vadd.s32 @p4 $0xC, v32;
	v18 =	vld.idx.msk [tilespmem:v41+s3+$0x0], $0xffff;
	[tilespmem:s0+$0x2800] =	vst @p3 v10  }
0x30a: {  	v42 =	vadd.s32 $0xB, v3;
	v26 =	vld.idx.msk @p3 [tilespmem:v27+s3+$0x0], $0xffff  }
0x30b: {  	v27 =	vadd.s32 @p3 $0xC, v9;
	_ =	sdelay $0x1  }
0x30c: {  	[tilespmem:s1+$0x2C00] =	vst @p4 v19  }
0x30d: {  	[tilespmem:s23+$0x2800] =	vst v18;
	v18 =	vld.idx.msk @p4 [tilespmem:v23+s3+$0x0], $0xffff  }
0x30e: {  	v23 =	vadd.s32 @p4 $0xD, v32;
	v10 =	vld.idx.msk [tilespmem:v42+s3+$0x0], $0xffff;
	[tilespmem:s0+$0x2C00] =	vst @p3 v26  }
0x30f: {  	v43 =	vadd.s32 $0xC, v3;
	v26 =	vld.idx.msk @p3 [tilespmem:v27+s3+$0x0], $0xffff  }
0x310: {  	v27 =	vadd.s32 @p3 $0xD, v9;
	_ =	sdelay $0x1  }
0x311: {  	[tilespmem:s1+$0x3000] =	vst @p4 v18  }
0x312: {  	[tilespmem:s23+$0x2C00] =	vst v10;
	v19 =	vld.idx.msk @p4 [tilespmem:v23+s3+$0x0], $0xffff  }
0x313: {  	v18 =	vmov @p4 v32;
	v10 =	vld.idx.msk [tilespmem:v43+s3+$0x0], $0xffff;
	[tilespmem:s0+$0x3000] =	vst @p3 v26;
	v26 =	vadd.s32 @p5 $0xE, v17  }
0x314: {  	v44 =	vadd.s32 $0xD, v3;
	v5 =	vpsel p4, v18, v5;
	v18 =	vld.idx.msk @p3 [tilespmem:v27+s3+$0x0], $0xffff  }
0x315: {  	v9 =	vpsel p3, v9, v4;
	v27 =	vadd.s32 @p4 $0xE, v5  }
0x316: {  	v29 =	vadd.s32 @p3 $0xE, v9  }
0x317: {  	[tilespmem:s8+$0x3400] =	vst @p5 v31  }
0x318: {  	s25 =	smov.u32 @p4 s1;
	[tilespmem:s23+$0x3000] =	vst v10;
	v10 =	vpsel p4, v19, v24;
	v23 =	vld.idx.msk @p5 [tilespmem:v26+s3+$0x0], $0xffff  }
0x319: {  	s1 =	smov.u32 s24;
	s24 =	smov.u32 @p3 s0;
	v45 =	vld.idx.msk [tilespmem:v44+s3+$0x0], $0xffff;
	[tilespmem:s25+$0x3400] =	vst @p4 v10;
	v10 =	vpsel p3, v18, v16  }
0x31a: {  	v24 =	vld.idx.msk @p4 [tilespmem:v27+s3+$0x0], $0xffff;
	[tilespmem:s24+$0x3400] =	vst @p3 v10  }
0x31b: {  	v26 =	vld.idx.msk @p3 [tilespmem:v29+s3+$0x0], $0xffff  }
0x31c: {  	[tilespmem:s4+$0x4800] =	vst @p0 v20  }
0x31d: {  	[tilespmem:s8+$0x3800] =	vst @p5 v23  }
0x31e: {  	v46 =	vadd.s32 $0xE, v3;
	s9 =	smov.u32 @p4 s25;
	[tilespmem:s23+$0x3400] =	vst v45  }
0x31f: {  	s6 =	smov.u32 @p3 s24;
	v18 =	vadd.s32 @p5 $0xF, v17;
	[tilespmem:s9+$0x3800] =	vst @p4 v24  }
0x320: {  	v10 =	vadd.s32 @p4 $0xF, v5;
	[tilespmem:s6+$0x3800] =	vst @p3 v26  }
0x321: {  	v27 =	vadd.s32 @p3 $0xF, v9;
	s28 =	sld [smem:$0x7F6];
	_ =	sdelay $0x1  }
0x322: {  	v16 =	vld.idx.msk [tilespmem:v46+s3+$0x0], $0xffff  }
0x323: {  	v18 =	vld.idx.msk @p5 [tilespmem:v18+s3+$0x0], $0xffff;
	p6 =	seq.s32 s28, $0x1  }
0x324: {  	v10 =	vld.idx.msk @p4 [tilespmem:v10+s3+$0x0], $0xffff;
	s0 =	simm.s32 @!p6 $0x0  }
0x325: {  	v26 =	vld.idx.msk @p3 [tilespmem:v27+s3+$0x0], $0xffff;
	s0 =	simm.s32 @p6 $0x1  }
0x326: {  	[smem:$0x7F6] =	sst s0  }
0x327: {  	[tilespmem:s23+$0x3800] =	vst v16  }
0x328: {  	[tilespmem:s8+$0x3C00] =	vst @p5 v18  }
0x329: {  	v47 =	vadd.s32 $0xF, v3;
	[tilespmem:s9+$0x3C00] =	vst @p4 v10  }
0x32a: {  	v23 =	vadd.s32 @p5 $0x10, v17;
	[tilespmem:s6+$0x3C00] =	vst @p3 v26  }
0x32b: {  	v24 =	vadd.s32 @p4 $0x10, v5;
	s29 =	sld [smem:$0x7F5];
	_ =	sdelay $0x1  }
0x32c: {  	v20 =	vld.idx.msk @p6 [tilespmem:v25+s3+$0x0], $0xffff;
	v25 =	vadd.s32 @p3 $0x10, v9  }
0x32d: {  	v16 =	vadd.s32 @p2 $0x11, v21;
	v48 =	vld.idx.msk [tilespmem:v47+s3+$0x0], $0xffff;
	p6 =	seq.s32 s29, $0x1  }
0x32e: {  	v19 =	vld.idx.msk @p5 [tilespmem:v23+s3+$0x0], $0xffff;
	s0 =	simm.s32 @!p6 $0x0  }
0x32f: {  	v49 =	vadd.s32 $0x10, v3;
	v4 =	vpsel p5, v17, v4;
	v23 =	vld.idx.msk @p4 [tilespmem:v24+s3+$0x0], $0xffff;
	s0 =	simm.s32 @p6 $0x1  }
0x330: {  	v17 =	vadd.s32 @p5 $0x11, v4;
	v27 =	vld.idx.msk @p0 [tilespmem:v28+s3+$0x0], $0xffff;
	[smem:$0x7F5] =	sst s0  }
0x331: {  	[tilespmem:s5+$0x5800] =	vst @p6 v22;
	v24 =	vld.idx.msk @p3 [tilespmem:v25+s3+$0x0], $0xffff  }
0x332: {  	v5 =	vpsel p4, v5, v2;
	v26 =	vadd.s32 @p0 $0x14, v13;
	v16 =	vld.idx.msk @p2 [tilespmem:v16+s3+$0x0], $0xffff;
	s30 =	sld [smem:$0x7F6];
	[tilespmem:s23+$0x3C00] =	vst v48  }
0x333: {  	v22 =	vadd.s32 @p4 $0x11, v5;
	v25 =	vld.idx.msk @p6 [tilespmem:v30+s3+$0x0], $0xffff;
	[tilespmem:s8+$0x4000] =	vst @p5 v19  }
0x334: {  	v18 =	vadd.s32 @p2 $0x12, v21;
	s0 =	smov.u32 @p0 s4;
	[tilespmem:s9+$0x4000] =	vst @p4 v23;
	v10 =	vld.idx.msk [tilespmem:v49+s3+$0x0], $0xffff  }
0x335: {  	v50 =	vadd.s32 $0x11, v3;
	[tilespmem:s0+$0x4C00] =	vst @p0 v27;
	v17 =	vld.idx.msk @p5 [tilespmem:v17+s3+$0x0], $0xffff;
	p6 =	seq.s32 s30, $0x1  }
0x336: {  	v9 =	vpsel p3, v9, v1;
	v23 =	vadd.s32 @p5 $0x12, v4;
	[tilespmem:s7+$0x6800] =	vst @p6 v20  }
0x337: {  	v26 =	vld.idx.msk @p0 [tilespmem:v26+s3+$0x0], $0xffff;
	v20 =	vadd.s32 @p3 $0x11, v9;
	[tilespmem:s6+$0x4000] =	vst @p3 v24;
	s7 =	smov.u32 @p2 s14  }
0x338: {  	s1 =	smov.u32 @p5 s8;
	v22 =	vld.idx.msk @p4 [tilespmem:v22+s3+$0x0], $0xffff;
	[tilespmem:s7+$0x4400] =	vst @p2 v16  }
0x339: {  	s8 =	smov.u32 @p5 s1;
	v24 =	vadd.s32 @p4 $0x12, v5;
	s31 =	sld [smem:$0x7F5];
	v18 =	vld.idx.msk @p2 [tilespmem:v18+s3+$0x0], $0xffff;
	[tilespmem:s23+$0x4000] =	vst v10  }
0x33a: {  	v10 =	vadd.s32 @p0 $0x15, v13;
	[tilespmem:s8+$0x4400] =	vst @p5 v17;
	v51 =	vld.idx.msk [tilespmem:v50+s3+$0x0], $0xffff  }
0x33b: {  	v52 =	vadd.s32 $0x12, v3;
	s4 =	smov.u32 s22;
	s22 =	smov.u32 @p4 s9;
	v19 =	vadd.s32 @p2 $0x13, v21;
	v23 =	vld.idx.msk @p5 [tilespmem:v23+s3+$0x0], $0xffff  }
0x33c: {  	s9 =	smov.u32 @p4 s22;
	v15 =	vpsel p2, v19, v15;
	v20 =	vld.idx.msk @p3 [tilespmem:v20+s3+$0x0], $0xffff  }
0x33d: {  	v19 =	vadd.s32 @p5 $0x13, v4;
	v16 =	vadd.s32 @p3 $0x12, v9;
	[tilespmem:s9+$0x4400] =	vst @p4 v22  }
0x33e: {  	s1 =	smov.u32 s21;
	v11 =	vpsel p5, v19, v11;
	[tilespmem:s0+$0x5000] =	vst @p0 v26;
	p6 =	seq.s32 s31, $0x1;
	v24 =	vld.idx.msk @p4 [tilespmem:v24+s3+$0x0], $0xffff  }
0x33f: {  	s1 =	smov.u32 @p3 s6;
	s4 =	smov.u32 @p2 s7;
	v27 =	vadd.s32 @p6 $0x18, v14;
	v10 =	vld.idx.msk @p0 [tilespmem:v10+s3+$0x0], $0xffff;
	v12 =	vpsel p2, v18, v12;
	[tilespmem:s23+$0x4400] =	vst v51  }
0x340: {  	v19 =	vadd.s32 @p4 $0x13, v5;
	s6 =	smov.u32 @p3 s1;
	s1 =	smov.u32 @p6 s5;
	s5 =	smov.u32 s21;
	[tilespmem:s4+$0x4800] =	vst @p2 v12;
	v53 =	vld.idx.msk [tilespmem:v52+s3+$0x0], $0xffff  }
0x341: {  	v19 =	vpsel p4, v19, v0;
	s5 =	smov.u32 @p5 s8;
	v8 =	vpsel p5, v23, v8;
	v15 =	vld.idx.msk @p2 [tilespmem:v15+s3+$0x0], $0xffff;
	[tilespmem:s6+$0x4400] =	vst @p3 v20  }
0x342: {  	v54 =	vadd.s32 $0x13, v3;
	v2 =	vpsel p2, v21, v2;
	[tilespmem:s5+$0x4800] =	vst @p5 v8;
	v16 =	vld.idx.msk @p3 [tilespmem:v16+s3+$0x0], $0xffff  }
0x343: {  	v22 =	vadd.s32 @p2 $0x14, v2;
	[tilespmem:s1+$0x5C00] =	vst @p6 v25;
	s8 =	smov.u32 @p4 s9;
	v11 =	vld.idx.msk @p5 [tilespmem:v11+s3+$0x0], $0xffff;
	v8 =	vpsel p4, v24, v0  }
0x344: {  	v12 =	vadd.s32 @p0 $0x16, v13;
	v20 =	vld.idx.msk @p6 [tilespmem:v27+s3+$0x0], $0xffff;
	[tilespmem:s8+$0x4800] =	vst @p4 v8  }
0x345: {  	v17 =	vadd.s32 @p6 $0x19, v14;
	v25 =	vadd.s32 @p3 $0x13, v9;
	[tilespmem:s0+$0x5400] =	vst @p0 v10  }
0x346: {  	v4 =	vpsel p5, v4, v1;
	s7 =	smov.u32 @p2 s4;
	v18 =	vpsel p3, v25, v0;
	v19 =	vld.idx.msk @p4 [tilespmem:v19+s3+$0x0], $0xffff;
	[tilespmem:s23+$0x4800] =	vst v53  }
0x347: {  	s9 =	smov.u32 @p3 s6;
	s6 =	smov.u32 @p5 s5;
	[tilespmem:s7+$0x4C00] =	vst @p2 v15;
	v55 =	vld.idx.msk [tilespmem:v54+s3+$0x0], $0xffff;
	v8 =	vpsel p3, v16, v0;
	v16 =	vadd.s32 @p5 $0x14, v4  }
0x348: {  	v56 =	vadd.s32 $0x14, v3;
	v21 =	vld.idx.msk @p2 [tilespmem:v22+s3+$0x0], $0xffff;
	[tilespmem:s6+$0x4C00] =	vst @p5 v11  }
0x349: {  	v5 =	vpsel p4, v5, v0;
	v12 =	vld.idx.msk @p0 [tilespmem:v12+s3+$0x0], $0xffff;
	v22 =	vadd.s32 @p2 $0x15, v2;
	[tilespmem:s1+$0x6000] =	vst @p6 v20  }
0x34a: {  	v14 =	vadd.s32 @p6 $0x1A, v14;
	s5 =	smov.u32 @p4 s8;
	[tilespmem:s9+$0x4800] =	vst @p3 v8;
	v8 =	vadd.s32 @p4 $0x14, v5;
	v17 =	vld.idx.msk @p6 [tilespmem:v17+s3+$0x0], $0xffff  }
0x34b: {  	v9 =	vpsel p3, v9, v0;
	v14 =	vpsel p6, v14, v0;
	v18 =	vld.idx.msk @p3 [tilespmem:v18+s3+$0x0], $0xffff;
	[tilespmem:s5+$0x4C00] =	vst @p4 v19  }
0x34c: {  	v20 =	vadd.s32 @p3 $0x14, v9;
	[tilespmem:s23+$0x4C00] =	vst v55;
	v16 =	vld.idx.msk @p5 [tilespmem:v16+s3+$0x0], $0xffff  }
0x34d: {  	v19 =	vadd.s32 @p5 $0x15, v4;
	[tilespmem:s7+$0x5000] =	vst @p2 v21;
	v11 =	vld.idx.msk [tilespmem:v56+s3+$0x0], $0xffff  }
0x34e: {  	v57 =	vadd.s32 $0x15, v3;
	v15 =	vld.idx.msk @p2 [tilespmem:v22+s3+$0x0], $0xffff  }
0x34f: {  	s4 =	smov.u32 @p3 s9;
	v21 =	vadd.s32 @p2 $0x16, v2;
	v8 =	vld.idx.msk @p4 [tilespmem:v8+s3+$0x0], $0xffff;
	[tilespmem:s1+$0x6400] =	vst @p6 v17  }
0x350: {  	v10 =	vadd.s32 @p4 $0x15, v5;
	[tilespmem:s4+$0x4C00] =	vst @p3 v18;
	v14 =	vld.idx.msk @p6 [tilespmem:v14+s3+$0x0], $0xffff  }
0x351: {  	v18 =	vld.idx.msk @p3 [tilespmem:v20+s3+$0x0], $0xffff;
	[tilespmem:s6+$0x5000] =	vst @p5 v16  }
0x352: {  	v20 =	vadd.s32 @p3 $0x15, v9;
	[tilespmem:s23+$0x5000] =	vst v11;
	v19 =	vld.idx.msk @p5 [tilespmem:v19+s3+$0x0], $0xffff  }
0x353: {  	s8 =	smov.u32 s21;
	[tilespmem:s7+$0x5400] =	vst @p2 v15;
	v58 =	vld.idx.msk [tilespmem:v57+s3+$0x0], $0xffff  }
0x354: {  	s8 =	smov.u32 @p0 s0;
	v6 =	vpsel p0, v12, v6;
	v11 =	vmov @p0 v13;
	[tilespmem:s5+$0x5000] =	vst @p4 v8;
	v8 =	vadd.s32 @p5 $0x16, v4;
	v12 =	vld.idx.msk @p2 [tilespmem:v21+s3+$0x0], $0xffff  }
0x355: {  	v59 =	vadd.s32 $0x16, v3;
	[tilespmem:s8+$0x5800] =	vst @p0 v6;
	v15 =	vadd.s32 @p0 $0x17, v11;
	v10 =	vld.idx.msk @p4 [tilespmem:v10+s3+$0x0], $0xffff  }
0x356: {  	s0 =	smov.u32 @p6 s1;
	v7 =	vpsel p0, v15, v7;
	[tilespmem:s4+$0x5000] =	vst @p3 v18  }
0x357: {  	v17 =	vadd.s32 @p4 $0x16, v5;
	[tilespmem:s0+$0x6800] =	vst @p6 v14;
	v18 =	vld.idx.msk @p3 [tilespmem:v20+s3+$0x0], $0xffff  }
0x358: {  	v20 =	vadd.s32 @p3 $0x16, v9;
	[tilespmem:s6+$0x5400] =	vst @p5 v19  }
0x359: {  	v15 =	vadd.s32 @p2 $0x17, v2;
	[tilespmem:s23+$0x5400] =	vst v58;
	v8 =	vld.idx.msk @p5 [tilespmem:v8+s3+$0x0], $0xffff  }
0x35a: {  	s0 =	smov.u32 @p2 s7;
	v12 =	vpsel p2, v12, v0;
	[tilespmem:s5+$0x5400] =	vst @p4 v10;
	v10 =	vpsel p2, v15, v0;
	v60 =	vld.idx.msk [tilespmem:v59+s3+$0x0], $0xffff  }
0x35b: {  	v61 =	vadd.s32 $0x17, v3;
	v1 =	vpsel p0, v11, v1;
	v7 =	vld.idx.msk @p0 [tilespmem:v7+s3+$0x0], $0xffff;
	[tilespmem:s0+$0x5800] =	vst @p2 v12  }
0x35c: {  	v15 =	vadd.s32 @p5 $0x17, v4;
	v12 =	vadd.s32 @p0 $0x18, v1;
	v17 =	vld.idx.msk @p4 [tilespmem:v17+s3+$0x0], $0xffff;
	[tilespmem:s4+$0x5400] =	vst @p3 v18  }
0x35d: {  	v6 =	vpsel p5, v15, v0;
	v18 =	vld.idx.msk @p3 [tilespmem:v20+s3+$0x0], $0xffff  }
0x35e: {  	v15 =	vadd.s32 @p4 $0x17, v5  }
0x35f: {  	s1 =	smov.u32 @p5 s6;
	v2 =	vpsel p2, v2, v0;
	v19 =	vadd.s32 @p3 $0x17, v9;
	s6 =	smov.u32 @p0 s8;
	v15 =	vpsel p4, v15, v0;
	v10 =	vld.idx.msk @p2 [tilespmem:v10+s3+$0x0], $0xffff;
	[tilespmem:s23+$0x5800] =	vst v60  }
0x360: {  	v13 =	vpsel p3, v19, v0;
	v8 =	vpsel p5, v8, v0;
	[tilespmem:s6+$0x5C00] =	vst @p0 v7;
	v11 =	vld.idx.msk [tilespmem:v61+s3+$0x0], $0xffff  }
0x361: {  	v16 =	vadd.s32 @p2 $0x18, v2;
	s5 =	smov.u32 @p4 s5;
	[tilespmem:s1+$0x5800] =	vst @p5 v8;
	v8 =	vpsel p4, v17, v0;
	v12 =	vld.idx.msk @p0 [tilespmem:v12+s3+$0x0], $0xffff  }
0x362: {  	v62 =	vadd.s32 $0x18, v3;
	s4 =	smov.u32 @p3 s4;
	v6 =	vld.idx.msk @p5 [tilespmem:v6+s3+$0x0], $0xffff;
	[tilespmem:s5+$0x5800] =	vst @p4 v8;
	v8 =	vpsel p3, v18, v0  }
0x363: {  	v14 =	vadd.s32 @p0 $0x19, v1;
	v4 =	vpsel p5, v4, v0;
	[tilespmem:s4+$0x5800] =	vst @p3 v8  }
0x364: {  	v5 =	vpsel p4, v5, v0;
	v17 =	vadd.s32 @p5 $0x18, v4;
	v15 =	vld.idx.msk @p4 [tilespmem:v15+s3+$0x0], $0xffff;
	[tilespmem:s0+$0x5C00] =	vst @p2 v10  }
0x365: {  	v9 =	vpsel p3, v9, v0;
	v8 =	vadd.s32 @p4 $0x18, v5;
	v13 =	vld.idx.msk @p3 [tilespmem:v13+s3+$0x0], $0xffff;
	[tilespmem:s23+$0x5C00] =	vst v11  }
0x366: {  	v7 =	vadd.s32 @p3 $0x18, v9;
	v16 =	vld.idx.msk @p2 [tilespmem:v16+s3+$0x0], $0xffff;
	[tilespmem:s6+$0x6000] =	vst @p0 v12  }
0x367: {  	[tilespmem:s1+$0x5C00] =	vst @p5 v6;
	v6 =	vadd.s32 @p2 $0x19, v2;
	v10 =	vld.idx.msk [tilespmem:v62+s3+$0x0], $0xffff  }
0x368: {  	v63 =	vadd.s32 $0x19, v3;
	v1 =	vadd.s32 @p0 $0x1A, v1;
	v12 =	vld.idx.msk @p0 [tilespmem:v14+s3+$0x0], $0xffff  }
0x369: {  	v1 =	vpsel p0, v1, v0;
	v17 =	vld.idx.msk @p5 [tilespmem:v17+s3+$0x0], $0xffff;
	[tilespmem:s5+$0x5C00] =	vst @p4 v15  }
0x36a: {  	v15 =	vadd.s32 @p5 $0x19, v4;
	v8 =	vld.idx.msk @p4 [tilespmem:v8+s3+$0x0], $0xffff;
	[tilespmem:s4+$0x5C00] =	vst @p3 v13  }
0x36b: {  	v13 =	vadd.s32 @p4 $0x19, v5;
	v7 =	vld.idx.msk @p3 [tilespmem:v7+s3+$0x0], $0xffff;
	[tilespmem:s0+$0x6000] =	vst @p2 v16  }
0x36c: {  	v11 =	vadd.s32 @p3 $0x19, v9;
	v6 =	vld.idx.msk @p2 [tilespmem:v6+s3+$0x0], $0xffff;
	[tilespmem:s23+$0x6000] =	vst v10  }
0x36d: {  	v2 =	vadd.s32 @p2 $0x1A, v2;
	[tilespmem:s6+$0x6400] =	vst @p0 v12;
	v10 =	vld.idx.msk [tilespmem:v63+s3+$0x0], $0xffff  }
0x36e: {  	v2 =	vpsel p2, v2, v0;
	[tilespmem:s1+$0x6000] =	vst @p5 v17;
	v1 =	vld.idx.msk @p0 [tilespmem:v1+s3+$0x0], $0xffff  }
0x36f: {  	v3 =	vadd.s32 $0x1A, v3;
	v4 =	vadd.s32 @p5 $0x1A, v4;
	v15 =	vld.idx.msk @p5 [tilespmem:v15+s3+$0x0], $0xffff;
	[tilespmem:s5+$0x6000] =	vst @p4 v8  }
0x370: {  	v4 =	vpsel p5, v4, v0;
	v5 =	vadd.s32 @p4 $0x1A, v5;
	v8 =	vld.idx.msk @p4 [tilespmem:v13+s3+$0x0], $0xffff;
	[tilespmem:s4+$0x6000] =	vst @p3 v7  }
0x371: {  	v9 =	vadd.s32 @p3 $0x1A, v9;
	v5 =	vpsel p4, v5, v0;
	v7 =	vld.idx.msk @p3 [tilespmem:v11+s3+$0x0], $0xffff;
	[tilespmem:s0+$0x6400] =	vst @p2 v6  }
0x372: {  	v9 =	vpsel p3, v9, v0;
	s6 =	smov.u32 @p0 s6;
	[tilespmem:s23+$0x6400] =	vst v10  }
0x373: {  	v2 =	vld.idx.msk @p2 [tilespmem:v2+s3+$0x0], $0xffff;
	[tilespmem:s6+$0x6800] =	vst @p0 v1  }
0x374: {  	[tilespmem:s1+$0x6400] =	vst @p5 v15;
	v1 =	vld.idx.msk [tilespmem:v3+s3+$0x0], $0xffff  }
0x375: {  	v4 =	vld.idx.msk @p5 [tilespmem:v4+s3+$0x0], $0xffff;
	[tilespmem:s5+$0x6400] =	vst @p4 v8  }
0x376: {  	v5 =	vld.idx.msk @p4 [tilespmem:v5+s3+$0x0], $0xffff;
	[tilespmem:s4+$0x6400] =	vst @p3 v7  }
0x377: {  	s0 =	smov.u32 @p2 s0;
	v6 =	vld.idx.msk @p3 [tilespmem:v9+s3+$0x0], $0xffff  }
0x378: {  	[tilespmem:s0+$0x6800] =	vst @p2 v2  }
0x379: {  	s0 =	smov.u32 @p5 s1;
	[tilespmem:s23+$0x6800] =	vst v1  }
0x37a: {  	[tilespmem:s0+$0x6800] =	vst @p5 v4;
	s0 =	smov.u32 @p4 s5  }
0x37b: {  	[tilespmem:s0+$0x6800] =	vst @p4 v5;
	s0 =	smov.u32 @p3 s4  }
0x37c: {  	[tilespmem:s0+$0x6800] =	vst @p3 v6  }
0x37d: {  	s20 =	sadd.s32 $0x1, s20  }
0x37e: {  	p0 =	seq.s32 s20, $0x8  }
.Ltmp33:
0x37f: {  	_ = 	snop;
	(pc) =	sbr.rel @!p0 .LBB2_17-.Ltmp33, $4  }
.Ltmp34:
0x380: {  	_ = 	snop;
	(pc) =	sbr.rel @p0 .LBB2_37-.Ltmp34, $4  }
0x381: {  	_ = 	snop  }
0x382: {  	_ = 	snop  }
0x383: {  	s18 =	sadd.s32 $0x320, s18;
	s21 =	sadd.s32 $0x10, s21  }
0x384: {  	_ = 	snop  }
.LBB2_18:
.Ltmp35:
0x385: {  	(pc) =	sbr.rel .LBB2_58-.Ltmp35, $2  }
0x386: {  	_ =	sdelay $0x2  }
0x387: {  	p2 =	por $0x0, $0x0;
	v3 =	vmov v1;
	s23 =	smov.u32 s21  }
.LBB2_43:
.Ltmp36:
0x388: {  	(pc) =	sbr.rel .LBB2_58-.Ltmp36, $2  }
0x389: {  	_ =	sdelay $0x2  }
0x38a: {  	p2 =	por $0x0, $0x0;
	s23 =	smov.u32 s22;
	v3 =	vmov v2;
	v9 =	vmov v1;
	s6 =	smov.u32 s21  }
.LBB2_45:
.Ltmp37:
0x38b: {  	(pc) =	sbr.rel .LBB2_58-.Ltmp37, $3  }
0x38c: {  	_ =	sdelay $0x1  }
0x38d: {  	p2 =	por $0x0, $0x0  }
0x38e: {  	v32 =	vmov v1;
	s23 =	smov.u32 s24;
	s6 =	smov.u32 s22;
	v3 =	vmov v4;
	v9 =	vmov v2;
	s1 =	smov.u32 s21  }
.LBB2_47:
.Ltmp38:
0x38f: {  	(pc) =	sbr.rel .LBB2_58-.Ltmp38, $3  }
0x390: {  	_ =	sdelay $0x1  }
0x391: {  	p2 =	por $0x0, $0x0;
	s23 =	smov.u32 s25  }
0x392: {  	v32 =	vmovc v2;
	v17 =	vmov v1;
	s6 =	smov.u32 s24;
	s1 =	smov.u32 s22;
	v3 =	vmov v5;
	v9 =	vmov v4;
	s8 =	smov.u32 s21  }
.LBB2_49:
.Ltmp39:
0x393: {  	(pc) =	sbr.rel .LBB2_58-.Ltmp39, $3  }
0x394: {  	_ =	sdelay $0x1  }
0x395: {  	p2 =	por $0x1, $0x1;
	s23 =	smov.u32 s0;
	s6 =	smov.u32 s25  }
0x396: {  	v32 =	vmovc v4;
	v17 =	vmovc v2;
	s1 =	smov.u32 s24;
	v3 =	vmov v10;
	s8 =	smov.u32 s22;
	v9 =	vmov v5;
	s14 =	smov.u32 s21;
	v21 =	vmov v1  }
.LBB2_51:
.Ltmp40:
0x397: {  	_ = 	snop;
	(pc) =	sbr.rel .LBB2_58-.Ltmp40, $4  }
0x398: {  	_ = 	snop  }
0x399: {  	p2 =	por $0x1, $0x1  }
0x39a: {  	s23 =	smov.u32 s1;
	v3 =	vmovc v9;
	v32 =	vmov v5;
	s6 =	smov.u32 s0;
	s1 =	smov.u32 s25;
	v9 =	vmov v10;
	v20 =	vmov v8  }
0x39b: {  	s4 =	smov.u32 s21;
	v28 =	vmovc v11;
	v17 =	vmovc v4;
	v13 =	vmov v1;
	s8 =	smov.u32 s24;
	s14 =	smov.u32 s22;
	v21 =	vmov v2;
	v31 =	vmov v16  }
.LBB2_53:
.Ltmp41:
0x39c: {  	_ = 	snop;
	(pc) =	sbr.rel .LBB2_58-.Ltmp41, $4  }
0x39d: {  	_ = 	snop  }
0x39e: {  	p2 =	por $0x1, $0x1;
	s23 =	smov.u32 s6;
	s6 =	smov.u32 s1;
	v20 =	vmov v12;
	v32 =	vmov v10  }
0x39f: {  	s4 =	smov.u32 s22;
	v28 =	vmovc v15;
	v22 =	vmovc v6;
	s5 =	smov.u32 s21;
	v17 =	vmov v5;
	v30 =	vmov v7;
	v13 =	vmov v2;
	s1 =	smov.u32 s0  }
0x3a0: {  	v14 =	vmovc v1;
	v3 =	vmovc v33;
	s8 =	smov.u32 s25;
	s14 =	smov.u32 s24;
	v21 =	vmov v4;
	p0 =	por $0x1, $0x1;
	v26 =	vmov v29;
	v31 =	vmov v24  }
.LBB2_55:
.Ltmp42:
0x3a1: {  	(pc) =	sbr.rel .LBB2_58-.Ltmp42, $4  }
0x3a2: {  	_ = 	snop  }
0x3a3: {  	p2 =	por $0x1, $0x1  }
0x3a4: {  	v32 =	vmov v9;
	s4 =	smov.u32 s24;
	s5 =	smov.u32 s22;
	s8 =	smov.u32 s0  }
0x3a5: {  	v17 =	vmovc v10;
	v13 =	vmovc v4;
	v14 =	vmov v2;
	v9 =	vmov v33;
	s7 =	smov.u32 s21;
	s14 =	smov.u32 s25;
	v21 =	vmov v5;
	p0 =	por $0x1, $0x1  }
.LBB2_37:
0x3a6: {  	s1 =	simm.s32 $0xD300  }
0x3a7: {  	s4 =	sadd.s32 @p1 $0x0, s17;
	s0 =	simm.s32 @p1 $0x0;
	s7 =	sadd.s32 @!p1 $0x0, s16  }
0x3a8: {  	[hbm4b:s4+s0] =	stream.linear.scatter @p1 [tilespmem:s1], [sflag:$0x2], $0x100, $0x38;
	[tilespmem:$0x13F00] =	vst v63  }
0x3a9: {  	s5 =	simm.s32 @!p1 $0x0;
	s6 =	simm.s32 $0xD700;
	s4 =	simm.s32 $0x1C000  }
.LBB2_38:
0x3aa: {  	[hbm4b:s7+s5] =	stream.linear.scatter @!p1 [tilespmem:s1], [sflag:$0x2], $0x400, $0x38;
	[tilespmem:$0x13F00] =	vst v63  }
0x3ab: {  	s7 =	smov.u32 s4;
	s4 =	sadd.s32 $0x1C000, s4  }
0x3ac: {  	p0 =	sne.s32 s4, $0x2F4000  }
.Ltmp43:
0x3ad: {  	(pc) =	sbr.rel @p0 .LBB2_38-.Ltmp43, $4  }
0x3ae: {  	s1 =	smov.u32 s6  }
0x3af: {  	s8 =	sadd.s32 @p1 s7, s17  }
0x3b0: {  	[hbm4b:s8+s0] =	stream.linear.scatter @p1 [tilespmem:s6], [sflag:$0x2], $0x100, $0x38;
	[tilespmem:$0x13F00] =	vst v63  }
0x3b1: {  	s7 =	sadd.s32 @!p1 s7, s16;
	s6 =	sadd.s32 $0x400, s6  }
0x3b2: {  	[hbm4b:s7+s5] =	stream.linear.scatter @!p1 [tilespmem:s1], [sflag:$0x2], $0x400, $0x38;
	[tilespmem:$0x13F00] =	vst v63  }
0x3b3: {  	s0 =	sld [smem:$0x7FD]  }
0x3b4: {  	s15 =	sadd.s32 $0x1, s15  }
0x3b5: {  	p0 =	sne.s32 s15, $0xE  }
.Ltmp44:
0x3b6: {  	p6 =	seq.s32 s0, $0x1;
	(pc) =	sbr.rel @p0 .LBB2_2-.Ltmp44, $4  }
0x3b7: {  	p1 =	por !p6, !p6  }
0x3b8: {  	s0 =	simm.s32 @!p1 $0x0  }
0x3b9: {  	s0 =	simm.s32 @p1 $0x1  }
0x3ba: {  	[smem:$0x7FD] =	sst s0  }
0x3bb: {  	_ =	swait.ge [sflag:s12], $0x100  }
0x3bc: {  	[sflag:s12] =	ssyncset.done $0x0  }
0x3bd: {  	[sflag:s12] =	ssyncadd.s32 $0xFFFFFF00  }
0x3be: {  	_ =	swait.ge [sflag:s12], $0x100  }
0x3bf: {  	[sflag:s12] =	ssyncset.done $0x0  }
0x3c0: {  	[sflag:s12] =	ssyncadd.s32 $0xFFFFFF00  }
0x3c1: {  	_ =	swait.ge [sflag:s12], $0x100  }
0x3c2: {  	[sflag:s12] =	ssyncset.done $0x0  }
0x3c3: {  	[sflag:s12] =	ssyncadd.s32 $0xFFFFFF00  }
0x3c4: {  	_ =	swait.ge [sflag:s12], $0x100  }
0x3c5: {  	[sflag:s12] =	ssyncset.done $0x0  }
0x3c6: {  	[sflag:s12] =	ssyncadd.s32 $0xFFFFFF00  }
0x3c7: {  	_ =	swait.ge [sflag:s12], $0x100  }
0x3c8: {  	[sflag:s12] =	ssyncset.done $0x0  }
0x3c9: {  	[sflag:s12] =	ssyncadd.s32 $0xFFFFFF00  }
0x3ca: {  	_ =	swait.ge [sflag:s12], $0x100  }
0x3cb: {  	[sflag:s12] =	ssyncset.done $0x0  }
0x3cc: {  	[sflag:s12] =	ssyncadd.s32 $0xFFFFFF00  }
0x3cd: {  	_ =	swait.ge [sflag:s12], $0x100  }
0x3ce: {  	[sflag:s12] =	ssyncset.done $0x0  }
0x3cf: {  	[sflag:s12] =	ssyncadd.s32 $0xFFFFFF00  }
0x3d0: {  	_ =	swait.ge [sflag:s12], $0x100  }
0x3d1: {  	[sflag:s12] =	ssyncset.done $0x0  }
0x3d2: {  	[sflag:s12] =	ssyncadd.s32 $0xFFFFFF00  }
0x3d3: {  	_ =	swait.ge [sflag:s12], $0x100  }
0x3d4: {  	[sflag:s12] =	ssyncset.done $0x0  }
0x3d5: {  	[sflag:s12] =	ssyncadd.s32 $0xFFFFFF00  }
0x3d6: {  	_ =	swait.ge [sflag:s12], $0x100  }
0x3d7: {  	[sflag:s12] =	ssyncset.done $0x0  }
0x3d8: {  	[sflag:s12] =	ssyncadd.s32 $0xFFFFFF00  }
0x3d9: {  	_ =	swait.ge [sflag:s12], $0x100  }
0x3da: {  	[sflag:s12] =	ssyncset.done $0x0  }
0x3db: {  	[sflag:s12] =	ssyncadd.s32 $0xFFFFFF00  }
0x3dc: {  	_ =	swait.ge [sflag:s12], $0x100  }
0x3dd: {  	[sflag:s12] =	ssyncset.done $0x0  }
0x3de: {  	[sflag:s12] =	ssyncadd.s32 $0xFFFFFF00  }
0x3df: {  	_ =	swait.ge [sflag:s12], $0x100  }
0x3e0: {  	[sflag:s12] =	ssyncset.done $0x0  }
0x3e1: {  	[sflag:s12] =	ssyncadd.s32 $0xFFFFFF00  }
0x3e2: {  	_ =	swait.ge [sflag:s12], $0x100  }
0x3e3: {  	[sflag:s12] =	ssyncset.done $0x0  }
0x3e4: {  	[sflag:s12] =	ssyncadd.s32 $0xFFFFFF00  }
0x3e5: {  	_ =	swait.ge [sflag:s12], $0x100  }
0x3e6: {  	[sflag:s12] =	ssyncset.done $0x0  }
0x3e7: {  	[sflag:s12] =	ssyncadd.s32 $0xFFFFFF00  }
0x3e8: {  	_ =	swait.ge [sflag:s12], $0x100  }
0x3e9: {  	[sflag:s12] =	ssyncset.done $0x0  }
0x3ea: {  	[sflag:s12] =	ssyncadd.s32 $0xFFFFFF00  }
0x3eb: {  	_ =	swait.ge [sflag:s12], $0x100  }
0x3ec: {  	[sflag:s12] =	ssyncset.done $0x0  }
0x3ed: {  	[sflag:s12] =	ssyncadd.s32 $0xFFFFFF00  }
0x3ee: {  	_ =	swait.ge [sflag:s12], $0x100  }
0x3ef: {  	[sflag:s12] =	ssyncset.done $0x0  }
0x3f0: {  	[sflag:s12] =	ssyncadd.s32 $0xFFFFFF00  }
0x3f1: {  	_ =	swait.ge [sflag:s12], $0x100  }
0x3f2: {  	[sflag:s12] =	ssyncset.done $0x0  }
0x3f3: {  	[sflag:s12] =	ssyncadd.s32 $0xFFFFFF00  }
0x3f4: {  	_ =	swait.ge [sflag:s12], $0x100  }
0x3f5: {  	[sflag:s12] =	ssyncset.done $0x0  }
0x3f6: {  	[sflag:s12] =	ssyncadd.s32 $0xFFFFFF00  }
0x3f7: {  	_ =	swait.ge [sflag:s12], $0x100  }
0x3f8: {  	[sflag:s12] =	ssyncset.done $0x0  }
0x3f9: {  	[sflag:s12] =	ssyncadd.s32 $0xFFFFFF00  }
0x3fa: {  	_ =	swait.ge [sflag:s12], $0x100  }
0x3fb: {  	[sflag:s12] =	ssyncset.done $0x0  }
0x3fc: {  	[sflag:s12] =	ssyncadd.s32 $0xFFFFFF00  }
0x3fd: {  	_ =	swait.ge [sflag:s12], $0x100  }
0x3fe: {  	[sflag:s12] =	ssyncset.done $0x0  }
0x3ff: {  	[sflag:s12] =	ssyncadd.s32 $0xFFFFFF00  }
0x400: {  	_ =	swait.ge [sflag:s12], $0x100  }
0x401: {  	[sflag:s12] =	ssyncset.done $0x0  }
0x402: {  	[sflag:s12] =	ssyncadd.s32 $0xFFFFFF00  }
0x403: {  	_ =	swait.ge [sflag:s12], $0x100  }
0x404: {  	[sflag:s12] =	ssyncset.done $0x0  }
0x405: {  	[sflag:s12] =	ssyncadd.s32 $0xFFFFFF00  }
0x406: {  	_ =	swait.ge [sflag:s12], $0x100  }
0x407: {  	[sflag:s12] =	ssyncset.done $0x0  }
0x408: {  	[sflag:s12] =	ssyncadd.s32 $0xFFFFFF00  }
0x409: {  	_ =	swait.ge [sflag:s12], $0x100  }
0x40a: {  	[sflag:s12] =	ssyncset.done $0x0  }
0x40b: {  	[sflag:s12] =	ssyncadd.s32 $0xFFFFFF00  }
0x40c: {  	_ =	swait.ge [sflag:s13], $0x100  }
0x40d: {  	[sflag:s13] =	ssyncset.done $0x0  }
0x40e: {  	[sflag:s13] =	ssyncadd.s32 $0xFFFFFF00  }
0x40f: {  	_ =	swait.ge [sflag:s13], $0x100  }
0x410: {  	[sflag:s13] =	ssyncset.done $0x0  }
0x411: {  	[sflag:s13] =	ssyncadd.s32 $0xFFFFFF00  }
0x412: {  	_ =	swait.ge [sflag:s13], $0x100  }
0x413: {  	[sflag:s13] =	ssyncset.done $0x0  }
0x414: {  	[sflag:s13] =	ssyncadd.s32 $0xFFFFFF00  }
0x415: {  	_ =	swait.ge [sflag:s13], $0x100  }
0x416: {  	[sflag:s13] =	ssyncset.done $0x0  }
0x417: {  	[sflag:s13] =	ssyncadd.s32 $0xFFFFFF00  }
0x418: {  	_ =	swait.ge [sflag:s13], $0x100  }
0x419: {  	[sflag:s13] =	ssyncset.done $0x0  }
0x41a: {  	[sflag:s13] =	ssyncadd.s32 $0xFFFFFF00  }
0x41b: {  	_ =	swait.ge [sflag:s13], $0x100  }
0x41c: {  	[sflag:s13] =	ssyncset.done $0x0  }
0x41d: {  	[sflag:s13] =	ssyncadd.s32 $0xFFFFFF00  }
0x41e: {  	_ =	swait.ge [sflag:s13], $0x100  }
0x41f: {  	[sflag:s13] =	ssyncset.done $0x0  }
0x420: {  	[sflag:s13] =	ssyncadd.s32 $0xFFFFFF00  }
0x421: {  	_ =	swait.ge [sflag:s13], $0x100  }
0x422: {  	[sflag:s13] =	ssyncset.done $0x0  }
0x423: {  	[sflag:s13] =	ssyncadd.s32 $0xFFFFFF00  }
0x424: {  	_ =	swait.ge [sflag:s13], $0x100  }
0x425: {  	[sflag:s13] =	ssyncset.done $0x0  }
0x426: {  	[sflag:s13] =	ssyncadd.s32 $0xFFFFFF00  }
0x427: {  	_ =	swait.ge [sflag:s13], $0x100  }
0x428: {  	[sflag:s13] =	ssyncset.done $0x0  }
0x429: {  	[sflag:s13] =	ssyncadd.s32 $0xFFFFFF00  }
0x42a: {  	_ =	swait.ge [sflag:s13], $0x100  }
0x42b: {  	[sflag:s13] =	ssyncset.done $0x0  }
0x42c: {  	[sflag:s13] =	ssyncadd.s32 $0xFFFFFF00  }
0x42d: {  	_ =	swait.ge [sflag:s13], $0x100  }
0x42e: {  	[sflag:s13] =	ssyncset.done $0x0  }
0x42f: {  	[sflag:s13] =	ssyncadd.s32 $0xFFFFFF00  }
0x430: {  	_ =	swait.ge [sflag:s13], $0x100  }
0x431: {  	[sflag:s13] =	ssyncset.done $0x0  }
0x432: {  	[sflag:s13] =	ssyncadd.s32 $0xFFFFFF00  }
0x433: {  	_ =	swait.ge [sflag:s13], $0x100  }
0x434: {  	[sflag:s13] =	ssyncset.done $0x0  }
0x435: {  	[sflag:s13] =	ssyncadd.s32 $0xFFFFFF00  }
0x436: {  	_ =	swait.ge [sflag:s13], $0x100  }
0x437: {  	[sflag:s13] =	ssyncset.done $0x0  }
0x438: {  	[sflag:s13] =	ssyncadd.s32 $0xFFFFFF00  }
0x439: {  	_ =	swait.ge [sflag:s13], $0x100  }
0x43a: {  	[sflag:s13] =	ssyncset.done $0x0  }
0x43b: {  	[sflag:s13] =	ssyncadd.s32 $0xFFFFFF00  }
0x43c: {  	_ =	swait.ge [sflag:s13], $0x100  }
0x43d: {  	[sflag:s13] =	ssyncset.done $0x0  }
0x43e: {  	[sflag:s13] =	ssyncadd.s32 $0xFFFFFF00  }
0x43f: {  	_ =	swait.ge [sflag:s13], $0x100  }
0x440: {  	[sflag:s13] =	ssyncset.done $0x0  }
0x441: {  	[sflag:s13] =	ssyncadd.s32 $0xFFFFFF00  }
0x442: {  	_ =	swait.ge [sflag:s13], $0x100  }
0x443: {  	[sflag:s13] =	ssyncset.done $0x0  }
0x444: {  	[sflag:s13] =	ssyncadd.s32 $0xFFFFFF00  }
0x445: {  	_ =	swait.ge [sflag:s13], $0x100  }
0x446: {  	[sflag:s13] =	ssyncset.done $0x0  }
0x447: {  	[sflag:s13] =	ssyncadd.s32 $0xFFFFFF00  }
0x448: {  	_ =	swait.ge [sflag:s13], $0x100  }
0x449: {  	[sflag:s13] =	ssyncset.done $0x0  }
0x44a: {  	[sflag:s13] =	ssyncadd.s32 $0xFFFFFF00  }
0x44b: {  	_ =	swait.ge [sflag:s13], $0x100  }
0x44c: {  	[sflag:s13] =	ssyncset.done $0x0  }
0x44d: {  	[sflag:s13] =	ssyncadd.s32 $0xFFFFFF00  }
0x44e: {  	_ =	swait.ge [sflag:s13], $0x100  }
0x44f: {  	[sflag:s13] =	ssyncset.done $0x0  }
0x450: {  	[sflag:s13] =	ssyncadd.s32 $0xFFFFFF00  }
0x451: {  	_ =	swait.ge [sflag:s13], $0x100  }
0x452: {  	[sflag:s13] =	ssyncset.done $0x0  }
0x453: {  	[sflag:s13] =	ssyncadd.s32 $0xFFFFFF00  }
0x454: {  	_ =	swait.ge [sflag:s13], $0x100  }
0x455: {  	[sflag:s13] =	ssyncset.done $0x0  }
0x456: {  	[sflag:s13] =	ssyncadd.s32 $0xFFFFFF00  }
0x457: {  	_ =	swait.ge [sflag:s13], $0x100  }
0x458: {  	[sflag:s13] =	ssyncset.done $0x0  }
0x459: {  	[sflag:s13] =	ssyncadd.s32 $0xFFFFFF00  }
0x45a: {  	_ =	swait.ge [sflag:s13], $0x100  }
0x45b: {  	s1 =	rddreg [dreg:$0xa]  }
0x45c: {  	s0 =	rddreg [dreg:$0x5];
	s1 =	sadd.s32 $0x1, s1  }
0x45d: {  	p0 =	sne.s32 s1, s0  }
.Ltmp45:
0x45e: {  	_ = 	snop;
	(pc) =	sbr.rel @p0 .LBB2_1-.Ltmp45, $3  }
0x45f: {  	_ =	sdelay $0x1  }
0x460: {  	[sflag:s13] =	ssyncset.done $0x0  }
0x461: {  	[sflag:s13] =	ssyncadd.s32 $0xFFFFFF00  }
0x462: {  	_ =	sfence.sel $0x180000  }
0x463: {  	[bflag:$0x0] =	sbarrier.arrive $0xFFFF  }
0x464: {  	_ =	strace $0x90000047  }
0x465: {  	s0 =	stileid.u32;
	[bflag:$0x2] =	sbarrier.arrive $0xFFFF  }
0x466: {  	p0 =	sne.s32 s0, $0x0;
	s0 =	rddreg [dreg:$0x2]  }
0x467: {  	s0 =	sadd.s32 @!p0 $0x100000, s0  }
0x468: {  	[sflag:s0] =	ssyncadd.tile.s32 @!p0 $0x1;
	_ =	shalt  }
.Lfunc_end2:
_tile_overlayer_lowered:
.L_overlay_start_2:
0x469: {  	(tag) =	ssettag $0x2  }
0x46a: {  	s0 =	rddreg [dreg:$0x0];
	s2 =	stileid.u32  }
0x46b: {  	s1 =	rddreg [dreg:$0x1];
	p0 =	sne.s32 s2, $0x0  }
0x46c: {  	s3 =	rddreg [dreg:$0x2];
	[bflag:$0x3] =	sbarrier.arrive $0xFFFF;
	s2 =	simm.s32 @!p0 $0x1C03  }
0x46d: {  	[timem:s3], [sflag:s2] =	dma.local @!p0 [hbm:s0], s1  }
0x46e: {  	s0 =	simm.s32 @!p0 $0x3  }
0x46f: {  	_ =	swait.ge @!p0 [sflag:s0], s1  }
0x470: {  	s1 =	ssub.s32 @!p0 $0x0, s1;
	[sflag:s0] =	ssyncset.done @!p0 $0x0  }
0x471: {  	[sflag:s0] =	ssyncadd.s32 @!p0 s1  }
0x472: {  	[bflag:$0x3] =	sbarrier.arrive $0xFFFF  }
0x473: {  	_ =	shalt  }

</sc_bundles>
